<compile_context>
chip_gen: v7x
topology: tpu7x:2x2x1
jax: 0.10.2.dev20260603
libtpu: 0.0.44.dev20260713+nightly
codegen_flags: <defaults>
</compile_context>

<pallas_src>
import functools

import jax
import jax.numpy as jnp
from jax import lax
from jax.experimental import pallas as pl
from jax.experimental.pallas import tpu as pltpu
from jax.experimental.pallas import tpu_sc as plsc

NC = 2
NS = 16
NL = 16
NW = NC * NS

_mesh = plsc.VectorSubcoreMesh(core_axis_name="c", subcore_axis_name="s")


def _make_hist(CHH, NP, W):
    RPT = NP // NS

    @functools.partial(
        pl.kernel,
        mesh=_mesh,
        out_type=jax.ShapeDtypeStruct((NC, NP, W), jnp.float32),
        scratch_types=[
            pltpu.VMEM((CHH, 128), jnp.int32),
            pltpu.VMEM((128, W), jnp.float32),
            pltpu.VMEM((128, W), jnp.float32),
            pltpu.VMEM_SHARED((NP, W), jnp.float32),
        ],
    )
    def hist(dsth_hbm, ones_hbm, degp_hbm, idx_v, ones_v, buf_v, deg_sh):
        c = lax.axis_index("c")
        s = lax.axis_index("s")
        pltpu.sync_copy(dsth_hbm.at[c, s], idx_v)
        pltpu.sync_copy(ones_hbm.at[0], ones_v)
        pltpu.sync_copy(ones_hbm.at[1], buf_v)

        def _zero_sh(i, _):
            pltpu.sync_copy(buf_v, deg_sh.at[pl.ds(s * RPT + i * 128, 128)])
            return _

        lax.fori_loop(0, RPT // 128, _zero_sh, None)
        plsc.subcore_barrier()

        def _accum(j, _):
            pltpu.sync_copy(ones_v, deg_sh.at[idx_v.at[j]], add=True)
            return _

        lax.fori_loop(0, CHH, _accum, None)
        plsc.subcore_barrier()

        def _writeout(i, _):
            pltpu.sync_copy(deg_sh.at[pl.ds(s * RPT + i * 128, 128)], buf_v)
            pltpu.sync_copy(buf_v, degp_hbm.at[c, pl.ds(s * RPT + i * 128, 128)])
            return _

        lax.fori_loop(0, RPT // 128, _writeout, None)

    return hist


def _make_scatter(CH, NP, H):
    RPT = NP // NS
    ZB = 64

    @functools.partial(
        pl.kernel,
        mesh=_mesh,
        out_type=jax.ShapeDtypeStruct((NC, NP, H), jnp.float32),
        scratch_types=[
            pltpu.VMEM((CH, 128), jnp.int32),
            pltpu.VMEM((CH, 128), jnp.int32),
            pltpu.VMEM((128, H), jnp.float32),
            pltpu.VMEM((ZB, H), jnp.float32),
            pltpu.VMEM_SHARED((NP, H), jnp.float32),
            pltpu.SemaphoreType.DMA,
        ],
    )
    def scat(y_hbm, srcp_hbm, dstp_hbm, zp_hbm, src_v, dst_v, rows_v, zbuf_v,
             z_sh, sem):
        c = lax.axis_index("c")
        s = lax.axis_index("s")
        pltpu.sync_copy(srcp_hbm.at[c, s], src_v)
        pltpu.sync_copy(dstp_hbm.at[c, s], dst_v)

        def _zero_zbuf(i, _):
            for k in range(H // NL):
                zbuf_v[i, pl.ds(k * NL, NL)] = jnp.zeros((NL,), jnp.float32)
            return _

        lax.fori_loop(0, ZB, _zero_zbuf, None)

        def _zero_sh(i, _):
            pltpu.sync_copy(zbuf_v, z_sh.at[pl.ds(s * RPT + i * ZB, ZB)])
            return _

        lax.fori_loop(0, RPT // ZB, _zero_sh, None)
        plsc.subcore_barrier()

        def _edges(j, _):
            d1 = pltpu.async_copy(
                y_hbm.at[src_v.at[j, pl.ds(0, 64)]],
                rows_v.at[pl.ds(0, 64)], sem)
            d2 = pltpu.async_copy(
                y_hbm.at[src_v.at[j, pl.ds(64, 64)]],
                rows_v.at[pl.ds(64, 64)], sem)
            d1.wait()
            d2.wait()
            pltpu.sync_copy(rows_v, z_sh.at[dst_v.at[j]], add=True)
            return _

        lax.fori_loop(0, CH, _edges, None)
        plsc.subcore_barrier()

        def _writeout(i, _):
            pltpu.sync_copy(z_sh.at[pl.ds(s * RPT + i * 128, 128)], rows_v)
            pltpu.sync_copy(rows_v, zp_hbm.at[c, pl.ds(s * RPT + i * 128, 128)])
            return _

        lax.fori_loop(0, RPT // 128, _writeout, None)

    return scat


def _prep_body(degp_ref, x_ref, w_ref, y_ref, dinv_ref):
    deg = jnp.sum(degp_ref[...], axis=0)
    dinv = jnp.where(deg > 0, lax.rsqrt(deg), 0.0)
    y = jnp.dot(x_ref[...], w_ref[...], preferred_element_type=jnp.float32)
    y_ref[...] = y * dinv
    dinv_ref[...] = dinv


def _mid_body(zp_ref, y_ref, dinv_ref, b_ref, w_ref, yn_ref):
    z = zp_ref[0] + zp_ref[1] + y_ref[...]
    xn = jnp.maximum(z * dinv_ref[...] + b_ref[...], 0.0)
    yn = jnp.dot(xn, w_ref[...], preferred_element_type=jnp.float32)
    yn_ref[...] = yn * dinv_ref[...]


def _post_body(zp_ref, y_ref, dinv_ref, b_ref, out_ref):
    z = zp_ref[0] + zp_ref[1] + y_ref[...]
    out_ref[...] = z * dinv_ref[...] + b_ref[...]


def _tc_grid(NP, H, R):
    grid = NP // R
    row = pl.BlockSpec((R, H), lambda i: (i, 0))
    col = pl.BlockSpec((R, 1), lambda i: (i, 0))
    zsp = pl.BlockSpec((NC, R, H), lambda i: (0, i, 0))
    dsp = pl.BlockSpec((NC, R, 1), lambda i: (0, i, 0))
    wsp = pl.BlockSpec((H, H), lambda i: (0, 0))
    bsp = pl.BlockSpec((1, H), lambda i: (0, 0))
    return grid, row, col, zsp, dsp, wsp, bsp


def _make_tc(NP, H, R=1280):
    grid, row, col, zsp, dsp, wsp, bsp = _tc_grid(NP, H, R)
    f32 = jnp.float32
    prep = pl.pallas_call(
        _prep_body,
        grid=grid,
        in_specs=[dsp, row, wsp],
        out_specs=[row, col],
        out_shape=[
            jax.ShapeDtypeStruct((NP, H), f32),
            jax.ShapeDtypeStruct((NP, 1), f32),
        ],
    )
    mid = pl.pallas_call(
        _mid_body,
        grid=grid,
        in_specs=[zsp, row, col, bsp, wsp],
        out_specs=row,
        out_shape=jax.ShapeDtypeStruct((NP, H), f32),
    )
    post = pl.pallas_call(
        _post_body,
        grid=grid,
        in_specs=[zsp, row, col, bsp],
        out_specs=row,
        out_shape=jax.ShapeDtypeStruct((NP, H), f32),
    )
    return prep, mid, post


def kernel(x, edge_index, W1, b1, W2, b2, W3, b3):
    N, D = x.shape
    H = W1.shape[1]
    E = edge_index.shape[1]
    NP = ((N + 2560) // 2560) * 2560
    src = edge_index[0]
    dst = edge_index[1]
    EH = E + N
    CHH = ((EH + NW - 1) // NW + 127) // 128
    dsth = jnp.concatenate([dst, jnp.arange(N, dtype=jnp.int32)])
    dsth = jnp.pad(dsth, (0, NW * CHH * 128 - EH), constant_values=N)
    dsth = dsth.reshape(NC, NS, CHH, 128)
    CH = ((E + NW - 1) // NW + 127) // 128
    EP = NW * CH * 128
    srcp = jnp.pad(src, (0, EP - E)).reshape(NC, NS, CH, 128)
    dstp = jnp.pad(dst, (0, EP - E), constant_values=N).reshape(NC, NS, CH, 128)
    x_pad = jnp.pad(x, ((0, NP - N), (0, 0)))

    HW = 128
    hist = _make_hist(CHH, NP, HW)
    scat = _make_scatter(CH, NP, H)
    prep, mid, post = _make_tc(NP, H)

    ones_arr = jnp.stack([
        jnp.ones((128, HW), jnp.float32), jnp.zeros((128, HW), jnp.float32)
    ])
    degp = hist(dsth, ones_arr)[:, :, :1]
    y1, dinv = prep(degp, x_pad, W1)
    zp1 = scat(y1, srcp, dstp)
    y2 = mid(zp1, y1, dinv, b1.reshape(1, H), W2)
    zp2 = scat(y2, srcp, dstp)
    y3 = mid(zp2, y2, dinv, b2.reshape(1, H), W3)
    zp3 = scat(y3, srcp, dstp)
    out = post(zp3, y3, dinv, b3.reshape(1, H))
    return out[:N]

# --- scband reference (transcript-rebuilt; emitter-appended) ---
"""Pipeline reference for scband-gcnrecommender-1039382086189 (READ-ONLY COPY).

The authoritative reference and input builder live on the scoring server;
editing this copy changes nothing except your own understanding.
"""

import jax, jax.numpy as jnp
import numpy as np

N = 10000
E = 320000
D = 128
H = 128


def _gcn_conv(x, src, dst, W, b, n):
    # PyG GCNConv semantics: linear transform, symmetric deg normalization
    # (with self-loops already concatenated into src/dst), scatter-add to dst,
    # then bias.
    h = x @ W
    deg = jnp.zeros((n,), dtype=h.dtype).at[dst].add(1.0)
    dinv = jnp.where(deg > 0, jax.lax.rsqrt(deg), 0.0)
    norm = dinv[src] * dinv[dst]
    msg = h[src] * norm[:, None]
    out = jnp.zeros((n, W.shape[1]), dtype=h.dtype).at[dst].add(msg)
    return out + b


def setup_inputs(seed: int = 0) -> dict:
    key = jax.random.key(seed)
    ks = jax.random.split(key, 8)
    x = jax.random.normal(ks[0], (N, D), dtype=jnp.float32)
    edge_index = jax.random.randint(ks[1], (2, E), 0, N, dtype=jnp.int32)
    s = 1.0 / np.sqrt(D)
    W1 = jax.random.normal(ks[2], (D, H), dtype=jnp.float32) * s
    b1 = jnp.zeros((H,), dtype=jnp.float32)
    W2 = jax.random.normal(ks[3], (H, H), dtype=jnp.float32) * s
    b2 = jnp.zeros((H,), dtype=jnp.float32)
    W3 = jax.random.normal(ks[4], (H, H), dtype=jnp.float32) * s
    b3 = jnp.zeros((H,), dtype=jnp.float32)
    return {"x": x, "edge_index": edge_index, "W1": W1, "b1": b1,
            "W2": W2, "b2": b2, "W3": W3, "b3": b3}


def reference(x, edge_index, W1, b1, W2, b2, W3, b3):
    n = x.shape[0]
    loops = jnp.arange(n, dtype=edge_index.dtype)
    src = jnp.concatenate([edge_index[0], loops])
    dst = jnp.concatenate([edge_index[1], loops])
    h = _gcn_conv(x, src, dst, W1, b1, n)
    h = jax.nn.relu(h)  # dropout p=0.5 is identity in eval mode
    h = _gcn_conv(h, src, dst, W2, b2, n)
    h = jax.nn.relu(h)
    h = _gcn_conv(h, src, dst, W3, b3, n)
    return h

if __name__ == "__main__":
    import jax
    _d = setup_inputs()
    print(jax.jit(kernel)(*tuple(_d.values())))

</pallas_src>

<mosaic_0001>
#map = affine_map<(d0, d1) -> (0, 0, 0, 0)>
#map1 = affine_map<(d0, d1) -> (0, 0, 0)>
module attributes {stable_mosaic.version = 14 : i64} {
  func.func @hist(%arg0: i32, %arg1: i32, %arg2: memref<2x16x81x128xi32, #tpu.memory_space<hbm>>, %arg3: memref<2x128x128xf32, #tpu.memory_space<hbm>>, %arg4: memref<2x10240x128xf32, #tpu.memory_space<hbm>>, %arg5: memref<81x128xi32, #tpu.memory_space<vmem>>, %arg6: memref<128x128xf32, #tpu.memory_space<vmem>>, %arg7: memref<128x128xf32, #tpu.memory_space<vmem>>, %arg8: memref<10240x128xf32, #tpu.memory_space<vmem_shared>>) attributes {dimension_semantics = [#tpu.dimension_semantics<core_parallel>, #tpu.dimension_semantics<subcore_parallel>], iteration_bounds = array<i64: 2, 16>, scalar_prefetch = 0 : i64, scratch_operands = 4 : i64, tpu.core_type = #tpu.core_type<sc_vector_subcore>, window_params = [{transform_indices = #map}, {transform_indices = #map1}, {transform_indices = #map1}]} {
    "tpu.region"() ({
      %run_scoped3A_16 = tpu.sem_alloc : memref<!tpu.dma_semaphore, #tpu.memory_space<semaphore_mem>>
      %dma_start3A = arith.constant 0 : i32
      %dma_start3A_17 = arith.constant 0 : i32
      %dma_start3A_18 = tpu.memref_slice %arg2[%arg0, %arg1, %dma_start3A, %dma_start3A_17] : memref<2x16x81x128xi32, #tpu.memory_space<hbm>> -> memref<1x1x81x128xi32, #tpu.memory_space<hbm>>
      %dma_start3A_19 = tpu.memref_squeeze %dma_start3A_18 : memref<1x1x81x128xi32, #tpu.memory_space<hbm>> -> memref<81x128xi32, #tpu.memory_space<hbm>>
      %dma_start3A_20 = arith.constant 0 : i32
      %dma_start3A_21 = arith.constant 0 : i32
      %dma_start3A_22 = tpu.memref_slice %arg2[%arg0, %arg1, %dma_start3A_20, %dma_start3A_21] : memref<2x16x81x128xi32, #tpu.memory_space<hbm>> -> memref<1x1x81x128xi32, #tpu.memory_space<hbm>>
      %dma_start3A_23 = tpu.memref_squeeze %dma_start3A_22 : memref<1x1x81x128xi32, #tpu.memory_space<hbm>> -> memref<81x128xi32, #tpu.memory_space<hbm>>
      tpu.enqueue_dma source(%dma_start3A_23 : memref<81x128xi32, #tpu.memory_space<hbm>>) target(%arg5 : memref<81x128xi32, #tpu.memory_space<vmem>>) target_semaphore(%run_scoped3A_16 : memref<!tpu.dma_semaphore, #tpu.memory_space<semaphore_mem>>)
      %dma_wait3A = arith.constant 0 : i32
      %dma_wait3A_24 = arith.constant 0 : i32
      %dma_wait3A_25 = tpu.memref_slice %arg2[%arg0, %arg1, %dma_wait3A, %dma_wait3A_24] : memref<2x16x81x128xi32, #tpu.memory_space<hbm>> -> memref<1x1x81x128xi32, #tpu.memory_space<hbm>>
      %dma_wait3A_26 = tpu.memref_squeeze %dma_wait3A_25 : memref<1x1x81x128xi32, #tpu.memory_space<hbm>> -> memref<81x128xi32, #tpu.memory_space<hbm>>
      %dma_wait3A_27 = arith.constant 0 : i32
      %dma_wait3A_28 = arith.constant 0 : i32
      %dma_wait3A_29 = tpu.memref_slice %arg2[%arg0, %arg1, %dma_wait3A_27, %dma_wait3A_28] : memref<2x16x81x128xi32, #tpu.memory_space<hbm>> -> memref<1x1x81x128xi32, #tpu.memory_space<hbm>>
      %dma_wait3A_30 = tpu.memref_squeeze %dma_wait3A_29 : memref<1x1x81x128xi32, #tpu.memory_space<hbm>> -> memref<81x128xi32, #tpu.memory_space<hbm>>
      tpu.wait_dma2 semaphore(%run_scoped3A_16 : memref<!tpu.dma_semaphore, #tpu.memory_space<semaphore_mem>>) src(%dma_wait3A_30 : memref<81x128xi32, #tpu.memory_space<hbm>>) dst(%arg5 : memref<81x128xi32, #tpu.memory_space<vmem>>)
      tpu.yield
    }) : () -> ()
    %run_scoped3A = arith.constant 0 : i32
    "tpu.region"() ({
      %run_scoped3A_16 = tpu.sem_alloc : memref<!tpu.dma_semaphore, #tpu.memory_space<semaphore_mem>>
      %dma_start3A = arith.constant 0 : i32
      %dma_start3A_17 = arith.constant 0 : i32
      %dma_start3A_18 = tpu.memref_slice %arg3[%run_scoped3A, %dma_start3A, %dma_start3A_17] : memref<2x128x128xf32, #tpu.memory_space<hbm>> -> memref<1x128x128xf32, #tpu.memory_space<hbm>>
      %dma_start3A_19 = tpu.memref_squeeze %dma_start3A_18 : memref<1x128x128xf32, #tpu.memory_space<hbm>> -> memref<128x128xf32, #tpu.memory_space<hbm>>
      %dma_start3A_20 = arith.constant 0 : i32
      %dma_start3A_21 = arith.constant 0 : i32
      %dma_start3A_22 = tpu.memref_slice %arg3[%run_scoped3A, %dma_start3A_20, %dma_start3A_21] : memref<2x128x128xf32, #tpu.memory_space<hbm>> -> memref<1x128x128xf32, #tpu.memory_space<hbm>>
      %dma_start3A_23 = tpu.memref_squeeze %dma_start3A_22 : memref<1x128x128xf32, #tpu.memory_space<hbm>> -> memref<128x128xf32, #tpu.memory_space<hbm>>
      tpu.enqueue_dma source(%dma_start3A_23 : memref<128x128xf32, #tpu.memory_space<hbm>>) target(%arg6 : memref<128x128xf32, #tpu.memory_space<vmem>>) target_semaphore(%run_scoped3A_16 : memref<!tpu.dma_semaphore, #tpu.memory_space<semaphore_mem>>)
      %dma_wait3A = arith.constant 0 : i32
      %dma_wait3A_24 = arith.constant 0 : i32
      %dma_wait3A_25 = tpu.memref_slice %arg3[%run_scoped3A, %dma_wait3A, %dma_wait3A_24] : memref<2x128x128xf32, #tpu.memory_space<hbm>> -> memref<1x128x128xf32, #tpu.memory_space<hbm>>
      %dma_wait3A_26 = tpu.memref_squeeze %dma_wait3A_25 : memref<1x128x128xf32, #tpu.memory_space<hbm>> -> memref<128x128xf32, #tpu.memory_space<hbm>>
      %dma_wait3A_27 = arith.constant 0 : i32
      %dma_wait3A_28 = arith.constant 0 : i32
      %dma_wait3A_29 = tpu.memref_slice %arg3[%run_scoped3A, %dma_wait3A_27, %dma_wait3A_28] : memref<2x128x128xf32, #tpu.memory_space<hbm>> -> memref<1x128x128xf32, #tpu.memory_space<hbm>>
      %dma_wait3A_30 = tpu.memref_squeeze %dma_wait3A_29 : memref<1x128x128xf32, #tpu.memory_space<hbm>> -> memref<128x128xf32, #tpu.memory_space<hbm>>
      tpu.wait_dma2 semaphore(%run_scoped3A_16 : memref<!tpu.dma_semaphore, #tpu.memory_space<semaphore_mem>>) src(%dma_wait3A_30 : memref<128x128xf32, #tpu.memory_space<hbm>>) dst(%arg6 : memref<128x128xf32, #tpu.memory_space<vmem>>)
      tpu.yield
    }) : () -> ()
    %run_scoped3A_0 = arith.constant 1 : i32
    "tpu.region"() ({
      %run_scoped3A_16 = tpu.sem_alloc : memref<!tpu.dma_semaphore, #tpu.memory_space<semaphore_mem>>
      %dma_start3A = arith.constant 0 : i32
      %dma_start3A_17 = arith.constant 0 : i32
      %dma_start3A_18 = tpu.memref_slice %arg3[%run_scoped3A_0, %dma_start3A, %dma_start3A_17] : memref<2x128x128xf32, #tpu.memory_space<hbm>> -> memref<1x128x128xf32, #tpu.memory_space<hbm>>
      %dma_start3A_19 = tpu.memref_squeeze %dma_start3A_18 : memref<1x128x128xf32, #tpu.memory_space<hbm>> -> memref<128x128xf32, #tpu.memory_space<hbm>>
      %dma_start3A_20 = arith.constant 0 : i32
      %dma_start3A_21 = arith.constant 0 : i32
      %dma_start3A_22 = tpu.memref_slice %arg3[%run_scoped3A_0, %dma_start3A_20, %dma_start3A_21] : memref<2x128x128xf32, #tpu.memory_space<hbm>> -> memref<1x128x128xf32, #tpu.memory_space<hbm>>
      %dma_start3A_23 = tpu.memref_squeeze %dma_start3A_22 : memref<1x128x128xf32, #tpu.memory_space<hbm>> -> memref<128x128xf32, #tpu.memory_space<hbm>>
      tpu.enqueue_dma source(%dma_start3A_23 : memref<128x128xf32, #tpu.memory_space<hbm>>) target(%arg7 : memref<128x128xf32, #tpu.memory_space<vmem>>) target_semaphore(%run_scoped3A_16 : memref<!tpu.dma_semaphore, #tpu.memory_space<semaphore_mem>>)
      %dma_wait3A = arith.constant 0 : i32
      %dma_wait3A_24 = arith.constant 0 : i32
      %dma_wait3A_25 = tpu.memref_slice %arg3[%run_scoped3A_0, %dma_wait3A, %dma_wait3A_24] : memref<2x128x128xf32, #tpu.memory_space<hbm>> -> memref<1x128x128xf32, #tpu.memory_space<hbm>>
      %dma_wait3A_26 = tpu.memref_squeeze %dma_wait3A_25 : memref<1x128x128xf32, #tpu.memory_space<hbm>> -> memref<128x128xf32, #tpu.memory_space<hbm>>
      %dma_wait3A_27 = arith.constant 0 : i32
      %dma_wait3A_28 = arith.constant 0 : i32
      %dma_wait3A_29 = tpu.memref_slice %arg3[%run_scoped3A_0, %dma_wait3A_27, %dma_wait3A_28] : memref<2x128x128xf32, #tpu.memory_space<hbm>> -> memref<1x128x128xf32, #tpu.memory_space<hbm>>
      %dma_wait3A_30 = tpu.memref_squeeze %dma_wait3A_29 : memref<1x128x128xf32, #tpu.memory_space<hbm>> -> memref<128x128xf32, #tpu.memory_space<hbm>>
      tpu.wait_dma2 semaphore(%run_scoped3A_16 : memref<!tpu.dma_semaphore, #tpu.memory_space<semaphore_mem>>) src(%dma_wait3A_30 : memref<128x128xf32, #tpu.memory_space<hbm>>) dst(%arg7 : memref<128x128xf32, #tpu.memory_space<vmem>>)
      tpu.yield
    }) : () -> ()
    %scan3A = arith.constant 0 : i32
    %scan3A_1 = arith.constant 5 : i32
    %scan3A_2 = arith.addi %scan3A, %scan3A_1 : i32
    %scan3A_3 = arith.constant 1 : i32
    scf.for %scan3A_16 = %scan3A to %scan3A_2 step %scan3A_3  : i32 {
      %mul3A = arith.constant 640 : i32
      %mul3A_17 = arith.muli %arg1, %mul3A : i32
      %mul3A_18 = arith.constant 128 : i32
      %mul3A_19 = arith.muli %scan3A_16, %mul3A_18 : i32
      %add3A = arith.addi %mul3A_17, %mul3A_19 : i32
      "tpu.region"() ({
        %run_scoped3A_20 = tpu.sem_alloc : memref<!tpu.dma_semaphore, #tpu.memory_space<semaphore_mem>>
        %dma_start3A = arith.constant 0 : i32
        %dma_start3A_21 = tpu.memref_slice %arg8[%add3A, %dma_start3A] : memref<10240x128xf32, #tpu.memory_space<vmem_shared>> -> memref<128x128xf32, #tpu.memory_space<vmem_shared>>
        %dma_start3A_22 = arith.constant 0 : i32
        %dma_start3A_23 = tpu.memref_slice %arg8[%add3A, %dma_start3A_22] : memref<10240x128xf32, #tpu.memory_space<vmem_shared>> -> memref<128x128xf32, #tpu.memory_space<vmem_shared>>
        tpu.enqueue_dma source(%arg7 : memref<128x128xf32, #tpu.memory_space<vmem>>) target(%dma_start3A_23 : memref<128x128xf32, #tpu.memory_space<vmem_shared>>) target_semaphore(%run_scoped3A_20 : memref<!tpu.dma_semaphore, #tpu.memory_space<semaphore_mem>>)
        %dma_wait3A = arith.constant 0 : i32
        %dma_wait3A_24 = tpu.memref_slice %arg8[%add3A, %dma_wait3A] : memref<10240x128xf32, #tpu.memory_space<vmem_shared>> -> memref<128x128xf32, #tpu.memory_space<vmem_shared>>
        %dma_wait3A_25 = arith.constant 0 : i32
        %dma_wait3A_26 = tpu.memref_slice %arg8[%add3A, %dma_wait3A_25] : memref<10240x128xf32, #tpu.memory_space<vmem_shared>> -> memref<128x128xf32, #tpu.memory_space<vmem_shared>>
        tpu.wait_dma2 semaphore(%run_scoped3A_20 : memref<!tpu.dma_semaphore, #tpu.memory_space<semaphore_mem>>) src(%arg7 : memref<128x128xf32, #tpu.memory_space<vmem>>) dst(%dma_wait3A_26 : memref<128x128xf32, #tpu.memory_space<vmem_shared>>)
        tpu.yield
      }) : () -> ()
    }
    %scan3A_4 = arith.constant 5 : i32
    %barrier3A = arith.constant 0 : index
    tpu.barrier barrier_id(%barrier3A)
    %scan3A_5 = arith.constant 0 : i32
    %scan3A_6 = arith.constant 81 : i32
    %scan3A_7 = arith.addi %scan3A_5, %scan3A_6 : i32
    %scan3A_8 = arith.constant 1 : i32
    scf.for %scan3A_16 = %scan3A_5 to %scan3A_7 step %scan3A_8  : i32 {
      "tpu.region"() ({
        %run_scoped3A_17 = tpu.sem_alloc : memref<!tpu.dma_semaphore, #tpu.memory_space<semaphore_mem>>
        %dma_start3A = arith.constant 0 : i32
        %dma_start3A_18 = tpu.memref_slice %arg5[%scan3A_16, %dma_start3A] : memref<81x128xi32, #tpu.memory_space<vmem>> -> memref<1x128xi32, #tpu.memory_space<vmem>>
        %dma_start3A_19 = tpu.memref_squeeze %dma_start3A_18 : memref<1x128xi32, #tpu.memory_space<vmem>> -> memref<128xi32, #tpu.memory_space<vmem>>
        %dma_start3A_20 = arith.constant 0 : i32
        %dma_start3A_21 = arith.constant 0 : i32
        %dma_start3A_22 = tpu.memref_slice %arg8[%dma_start3A_20, %dma_start3A_21] : memref<10240x128xf32, #tpu.memory_space<vmem_shared>> -> memref<10240x128xf32, #tpu.memory_space<vmem_shared>>
        tpu.enqueue_indirect_dma source(%arg6 : memref<128x128xf32, #tpu.memory_space<vmem>>) target(%dma_start3A_22 : memref<10240x128xf32, #tpu.memory_space<vmem_shared>>) offsets(%dma_start3A_19 : memref<128xi32, #tpu.memory_space<vmem>>) semaphore(%run_scoped3A_17 : memref<!tpu.dma_semaphore, #tpu.memory_space<semaphore_mem>>) {add = true}
        %dma_wait3A = arith.constant 0 : i32
        %dma_wait3A_23 = tpu.memref_slice %arg5[%scan3A_16, %dma_wait3A] : memref<81x128xi32, #tpu.memory_space<vmem>> -> memref<1x128xi32, #tpu.memory_space<vmem>>
        %dma_wait3A_24 = tpu.memref_squeeze %dma_wait3A_23 : memref<1x128xi32, #tpu.memory_space<vmem>> -> memref<128xi32, #tpu.memory_space<vmem>>
        %dma_wait3A_25 = arith.constant 0 : i32
        %dma_wait3A_26 = arith.constant 0 : i32
        %dma_wait3A_27 = tpu.memref_slice %arg8[%dma_wait3A_25, %dma_wait3A_26] : memref<10240x128xf32, #tpu.memory_space<vmem_shared>> -> memref<10240x128xf32, #tpu.memory_space<vmem_shared>>
        tpu.wait_indirect_dma semaphore(%run_scoped3A_17 : memref<!tpu.dma_semaphore, #tpu.memory_space<semaphore_mem>>) src(%arg6 : memref<128x128xf32, #tpu.memory_space<vmem>>) dst(%dma_wait3A_27 : memref<10240x128xf32, #tpu.memory_space<vmem_shared>>)
        tpu.yield
      }) : () -> ()
    }
    %scan3A_9 = arith.constant 81 : i32
    %barrier3A_10 = arith.constant 0 : index
    tpu.barrier barrier_id(%barrier3A_10)
    %scan3A_11 = arith.constant 0 : i32
    %scan3A_12 = arith.constant 5 : i32
    %scan3A_13 = arith.addi %scan3A_11, %scan3A_12 : i32
    %scan3A_14 = arith.constant 1 : i32
    scf.for %scan3A_16 = %scan3A_11 to %scan3A_13 step %scan3A_14  : i32 {
      %mul3A = arith.constant 640 : i32
      %mul3A_17 = arith.muli %arg1, %mul3A : i32
      %mul3A_18 = arith.constant 128 : i32
      %mul3A_19 = arith.muli %scan3A_16, %mul3A_18 : i32
      %add3A = arith.addi %mul3A_17, %mul3A_19 : i32
      "tpu.region"() ({
        %run_scoped3A_25 = tpu.sem_alloc : memref<!tpu.dma_semaphore, #tpu.memory_space<semaphore_mem>>
        %dma_start3A = arith.constant 0 : i32
        %dma_start3A_26 = tpu.memref_slice %arg8[%add3A, %dma_start3A] : memref<10240x128xf32, #tpu.memory_space<vmem_shared>> -> memref<128x128xf32, #tpu.memory_space<vmem_shared>>
        %dma_start3A_27 = arith.constant 0 : i32
        %dma_start3A_28 = tpu.memref_slice %arg8[%add3A, %dma_start3A_27] : memref<10240x128xf32, #tpu.memory_space<vmem_shared>> -> memref<128x128xf32, #tpu.memory_space<vmem_shared>>
        tpu.enqueue_dma source(%dma_start3A_28 : memref<128x128xf32, #tpu.memory_space<vmem_shared>>) target(%arg7 : memref<128x128xf32, #tpu.memory_space<vmem>>) target_semaphore(%run_scoped3A_25 : memref<!tpu.dma_semaphore, #tpu.memory_space<semaphore_mem>>)
        %dma_wait3A = arith.constant 0 : i32
        %dma_wait3A_29 = tpu.memref_slice %arg8[%add3A, %dma_wait3A] : memref<10240x128xf32, #tpu.memory_space<vmem_shared>> -> memref<128x128xf32, #tpu.memory_space<vmem_shared>>
        %dma_wait3A_30 = arith.constant 0 : i32
        %dma_wait3A_31 = tpu.memref_slice %arg8[%add3A, %dma_wait3A_30] : memref<10240x128xf32, #tpu.memory_space<vmem_shared>> -> memref<128x128xf32, #tpu.memory_space<vmem_shared>>
        tpu.wait_dma2 semaphore(%run_scoped3A_25 : memref<!tpu.dma_semaphore, #tpu.memory_space<semaphore_mem>>) src(%dma_wait3A_31 : memref<128x128xf32, #tpu.memory_space<vmem_shared>>) dst(%arg7 : memref<128x128xf32, #tpu.memory_space<vmem>>)
        tpu.yield
      }) : () -> ()
      %mul3A_20 = arith.constant 640 : i32
      %mul3A_21 = arith.muli %arg1, %mul3A_20 : i32
      %mul3A_22 = arith.constant 128 : i32
      %mul3A_23 = arith.muli %scan3A_16, %mul3A_22 : i32
      %add3A_24 = arith.addi %mul3A_21, %mul3A_23 : i32
      "tpu.region"() ({
        %run_scoped3A_25 = tpu.sem_alloc : memref<!tpu.dma_semaphore, #tpu.memory_space<semaphore_mem>>
        %dma_start3A = arith.constant 0 : i32
        %dma_start3A_26 = tpu.memref_slice %arg4[%arg0, %add3A_24, %dma_start3A] : memref<2x10240x128xf32, #tpu.memory_space<hbm>> -> memref<1x128x128xf32, #tpu.memory_space<hbm>>
        %dma_start3A_27 = tpu.memref_squeeze %dma_start3A_26 : memref<1x128x128xf32, #tpu.memory_space<hbm>> -> memref<128x128xf32, #tpu.memory_space<hbm>>
        %dma_start3A_28 = arith.constant 0 : i32
        %dma_start3A_29 = tpu.memref_slice %arg4[%arg0, %add3A_24, %dma_start3A_28] : memref<2x10240x128xf32, #tpu.memory_space<hbm>> -> memref<1x128x128xf32, #tpu.memory_space<hbm>>
        %dma_start3A_30 = tpu.memref_squeeze %dma_start3A_29 : memref<1x128x128xf32, #tpu.memory_space<hbm>> -> memref<128x128xf32, #tpu.memory_space<hbm>>
        tpu.enqueue_dma source(%arg7 : memref<128x128xf32, #tpu.memory_space<vmem>>) target(%dma_start3A_30 : memref<128x128xf32, #tpu.memory_space<hbm>>) target_semaphore(%run_scoped3A_25 : memref<!tpu.dma_semaphore, #tpu.memory_space<semaphore_mem>>)
        %dma_wait3A = arith.constant 0 : i32
        %dma_wait3A_31 = tpu.memref_slice %arg4[%arg0, %add3A_24, %dma_wait3A] : memref<2x10240x128xf32, #tpu.memory_space<hbm>> -> memref<1x128x128xf32, #tpu.memory_space<hbm>>
        %dma_wait3A_32 = tpu.memref_squeeze %dma_wait3A_31 : memref<1x128x128xf32, #tpu.memory_space<hbm>> -> memref<128x128xf32, #tpu.memory_space<hbm>>
        %dma_wait3A_33 = arith.constant 0 : i32
        %dma_wait3A_34 = tpu.memref_slice %arg4[%arg0, %add3A_24, %dma_wait3A_33] : memref<2x10240x128xf32, #tpu.memory_space<hbm>> -> memref<1x128x128xf32, #tpu.memory_space<hbm>>
        %dma_wait3A_35 = tpu.memref_squeeze %dma_wait3A_34 : memref<1x128x128xf32, #tpu.memory_space<hbm>> -> memref<128x128xf32, #tpu.memory_space<hbm>>
        tpu.wait_dma2 semaphore(%run_scoped3A_25 : memref<!tpu.dma_semaphore, #tpu.memory_space<semaphore_mem>>) src(%arg7 : memref<128x128xf32, #tpu.memory_space<vmem>>) dst(%dma_wait3A_35 : memref<128x128xf32, #tpu.memory_space<hbm>>)
        tpu.yield
      }) : () -> ()
    }
    %scan3A_15 = arith.constant 5 : i32
    return
  }
}

#map = affine_map<(d0, d1) -> (0, 0)>
#map1 = affine_map<(d0, d1) -> (0, 0, 0, 0)>
#map2 = affine_map<(d0, d1) -> (0, 0, 0)>
module attributes {stable_mosaic.version = 14 : i64} {
  func.func @scat(%arg0: i32, %arg1: i32, %arg2: memref<10240x128xf32, #tpu.memory_space<hbm>>, %arg3: memref<2x16x79x128xi32, #tpu.memory_space<hbm>>, %arg4: memref<2x16x79x128xi32, #tpu.memory_space<hbm>>, %arg5: memref<2x10240x128xf32, #tpu.memory_space<hbm>>, %arg6: memref<79x128xi32, #tpu.memory_space<vmem>>, %arg7: memref<79x128xi32, #tpu.memory_space<vmem>>, %arg8: memref<128x128xf32, #tpu.memory_space<vmem>>, %arg9: memref<64x128xf32, #tpu.memory_space<vmem>>, %arg10: memref<10240x128xf32, #tpu.memory_space<vmem_shared>>, %arg11: memref<!tpu.dma_semaphore, #tpu.memory_space<semaphore_mem>>) attributes {dimension_semantics = [#tpu.dimension_semantics<core_parallel>, #tpu.dimension_semantics<subcore_parallel>], iteration_bounds = array<i64: 2, 16>, scalar_prefetch = 0 : i64, scratch_operands = 6 : i64, tpu.core_type = #tpu.core_type<sc_vector_subcore>, window_params = [{transform_indices = #map}, {transform_indices = #map1}, {transform_indices = #map1}, {transform_indices = #map2}]} {
    "tpu.region"() ({
      %run_scoped3A = tpu.sem_alloc : memref<!tpu.dma_semaphore, #tpu.memory_space<semaphore_mem>>
      %dma_start3A = arith.constant 0 : i32
      %dma_start3A_20 = arith.constant 0 : i32
      %dma_start3A_21 = tpu.memref_slice %arg3[%arg0, %arg1, %dma_start3A, %dma_start3A_20] : memref<2x16x79x128xi32, #tpu.memory_space<hbm>> -> memref<1x1x79x128xi32, #tpu.memory_space<hbm>>
      %dma_start3A_22 = tpu.memref_squeeze %dma_start3A_21 : memref<1x1x79x128xi32, #tpu.memory_space<hbm>> -> memref<79x128xi32, #tpu.memory_space<hbm>>
      %dma_start3A_23 = arith.constant 0 : i32
      %dma_start3A_24 = arith.constant 0 : i32
      %dma_start3A_25 = tpu.memref_slice %arg3[%arg0, %arg1, %dma_start3A_23, %dma_start3A_24] : memref<2x16x79x128xi32, #tpu.memory_space<hbm>> -> memref<1x1x79x128xi32, #tpu.memory_space<hbm>>
      %dma_start3A_26 = tpu.memref_squeeze %dma_start3A_25 : memref<1x1x79x128xi32, #tpu.memory_space<hbm>> -> memref<79x128xi32, #tpu.memory_space<hbm>>
      tpu.enqueue_dma source(%dma_start3A_26 : memref<79x128xi32, #tpu.memory_space<hbm>>) target(%arg6 : memref<79x128xi32, #tpu.memory_space<vmem>>) target_semaphore(%run_scoped3A : memref<!tpu.dma_semaphore, #tpu.memory_space<semaphore_mem>>)
      %dma_wait3A = arith.constant 0 : i32
      %dma_wait3A_27 = arith.constant 0 : i32
      %dma_wait3A_28 = tpu.memref_slice %arg3[%arg0, %arg1, %dma_wait3A, %dma_wait3A_27] : memref<2x16x79x128xi32, #tpu.memory_space<hbm>> -> memref<1x1x79x128xi32, #tpu.memory_space<hbm>>
      %dma_wait3A_29 = tpu.memref_squeeze %dma_wait3A_28 : memref<1x1x79x128xi32, #tpu.memory_space<hbm>> -> memref<79x128xi32, #tpu.memory_space<hbm>>
      %dma_wait3A_30 = arith.constant 0 : i32
      %dma_wait3A_31 = arith.constant 0 : i32
      %dma_wait3A_32 = tpu.memref_slice %arg3[%arg0, %arg1, %dma_wait3A_30, %dma_wait3A_31] : memref<2x16x79x128xi32, #tpu.memory_space<hbm>> -> memref<1x1x79x128xi32, #tpu.memory_space<hbm>>
      %dma_wait3A_33 = tpu.memref_squeeze %dma_wait3A_32 : memref<1x1x79x128xi32, #tpu.memory_space<hbm>> -> memref<79x128xi32, #tpu.memory_space<hbm>>
      tpu.wait_dma2 semaphore(%run_scoped3A : memref<!tpu.dma_semaphore, #tpu.memory_space<semaphore_mem>>) src(%dma_wait3A_33 : memref<79x128xi32, #tpu.memory_space<hbm>>) dst(%arg6 : memref<79x128xi32, #tpu.memory_space<vmem>>)
      tpu.yield
    }) : () -> ()
    "tpu.region"() ({
      %run_scoped3A = tpu.sem_alloc : memref<!tpu.dma_semaphore, #tpu.memory_space<semaphore_mem>>
      %dma_start3A = arith.constant 0 : i32
      %dma_start3A_20 = arith.constant 0 : i32
      %dma_start3A_21 = tpu.memref_slice %arg4[%arg0, %arg1, %dma_start3A, %dma_start3A_20] : memref<2x16x79x128xi32, #tpu.memory_space<hbm>> -> memref<1x1x79x128xi32, #tpu.memory_space<hbm>>
      %dma_start3A_22 = tpu.memref_squeeze %dma_start3A_21 : memref<1x1x79x128xi32, #tpu.memory_space<hbm>> -> memref<79x128xi32, #tpu.memory_space<hbm>>
      %dma_start3A_23 = arith.constant 0 : i32
      %dma_start3A_24 = arith.constant 0 : i32
      %dma_start3A_25 = tpu.memref_slice %arg4[%arg0, %arg1, %dma_start3A_23, %dma_start3A_24] : memref<2x16x79x128xi32, #tpu.memory_space<hbm>> -> memref<1x1x79x128xi32, #tpu.memory_space<hbm>>
      %dma_start3A_26 = tpu.memref_squeeze %dma_start3A_25 : memref<1x1x79x128xi32, #tpu.memory_space<hbm>> -> memref<79x128xi32, #tpu.memory_space<hbm>>
      tpu.enqueue_dma source(%dma_start3A_26 : memref<79x128xi32, #tpu.memory_space<hbm>>) target(%arg7 : memref<79x128xi32, #tpu.memory_space<vmem>>) target_semaphore(%run_scoped3A : memref<!tpu.dma_semaphore, #tpu.memory_space<semaphore_mem>>)
      %dma_wait3A = arith.constant 0 : i32
      %dma_wait3A_27 = arith.constant 0 : i32
      %dma_wait3A_28 = tpu.memref_slice %arg4[%arg0, %arg1, %dma_wait3A, %dma_wait3A_27] : memref<2x16x79x128xi32, #tpu.memory_space<hbm>> -> memref<1x1x79x128xi32, #tpu.memory_space<hbm>>
      %dma_wait3A_29 = tpu.memref_squeeze %dma_wait3A_28 : memref<1x1x79x128xi32, #tpu.memory_space<hbm>> -> memref<79x128xi32, #tpu.memory_space<hbm>>
      %dma_wait3A_30 = arith.constant 0 : i32
      %dma_wait3A_31 = arith.constant 0 : i32
      %dma_wait3A_32 = tpu.memref_slice %arg4[%arg0, %arg1, %dma_wait3A_30, %dma_wait3A_31] : memref<2x16x79x128xi32, #tpu.memory_space<hbm>> -> memref<1x1x79x128xi32, #tpu.memory_space<hbm>>
      %dma_wait3A_33 = tpu.memref_squeeze %dma_wait3A_32 : memref<1x1x79x128xi32, #tpu.memory_space<hbm>> -> memref<79x128xi32, #tpu.memory_space<hbm>>
      tpu.wait_dma2 semaphore(%run_scoped3A : memref<!tpu.dma_semaphore, #tpu.memory_space<semaphore_mem>>) src(%dma_wait3A_33 : memref<79x128xi32, #tpu.memory_space<hbm>>) dst(%arg7 : memref<79x128xi32, #tpu.memory_space<vmem>>)
      tpu.yield
    }) : () -> ()
    %scan3A = arith.constant 0 : i32
    %scan3A_0 = arith.constant 64 : i32
    %scan3A_1 = arith.addi %scan3A, %scan3A_0 : i32
    %scan3A_2 = arith.constant 1 : i32
    scf.for %scan3A_20 = %scan3A to %scan3A_1 step %scan3A_2  : i32 {
      %broadcast_in_dim3A = arith.constant 0.000000e+00 : f32
      %broadcast_in_dim3A_21 = vector.broadcast %broadcast_in_dim3A : f32 to vector<16xf32>
      %swap3A = arith.index_cast %scan3A_20 : i32 to index
      %swap3A_22 = arith.constant 0 : index
      %swap3A_23 = tpu.vector_load %arg9[%swap3A, %swap3A_22] {strides = array<i32>} : memref<64x128xf32, #tpu.memory_space<vmem>>, vector<1x16xf32>,
      %swap3A_24 = vector.shape_cast %swap3A_23 : vector<1x16xf32> to vector<16xf32>
      %swap3A_25 = vector.shape_cast %broadcast_in_dim3A_21 : vector<16xf32> to vector<1x16xf32>
      tpu.vector_store %arg9[%swap3A, %swap3A_22], %swap3A_25 {strides = array<i32>} : memref<64x128xf32, #tpu.memory_space<vmem>>, vector<1x16xf32>,
      %broadcast_in_dim3A_26 = arith.constant 0.000000e+00 : f32
      %broadcast_in_dim3A_27 = vector.broadcast %broadcast_in_dim3A_26 : f32 to vector<16xf32>
      %swap3A_28 = arith.index_cast %scan3A_20 : i32 to index
      %swap3A_29 = arith.constant 16 : index
      %swap3A_30 = tpu.vector_load %arg9[%swap3A_28, %swap3A_29] {strides = array<i32>} : memref<64x128xf32, #tpu.memory_space<vmem>>, vector<1x16xf32>,
      %swap3A_31 = vector.shape_cast %swap3A_30 : vector<1x16xf32> to vector<16xf32>
      %swap3A_32 = vector.shape_cast %broadcast_in_dim3A_27 : vector<16xf32> to vector<1x16xf32>
      tpu.vector_store %arg9[%swap3A_28, %swap3A_29], %swap3A_32 {strides = array<i32>} : memref<64x128xf32, #tpu.memory_space<vmem>>, vector<1x16xf32>,
      %broadcast_in_dim3A_33 = arith.constant 0.000000e+00 : f32
      %broadcast_in_dim3A_34 = vector.broadcast %broadcast_in_dim3A_33 : f32 to vector<16xf32>
      %swap3A_35 = arith.index_cast %scan3A_20 : i32 to index
      %swap3A_36 = arith.constant 32 : index
      %swap3A_37 = tpu.vector_load %arg9[%swap3A_35, %swap3A_36] {strides = array<i32>} : memref<64x128xf32, #tpu.memory_space<vmem>>, vector<1x16xf32>,
      %swap3A_38 = vector.shape_cast %swap3A_37 : vector<1x16xf32> to vector<16xf32>
      %swap3A_39 = vector.shape_cast %broadcast_in_dim3A_34 : vector<16xf32> to vector<1x16xf32>
      tpu.vector_store %arg9[%swap3A_35, %swap3A_36], %swap3A_39 {strides = array<i32>} : memref<64x128xf32, #tpu.memory_space<vmem>>, vector<1x16xf32>,
      %broadcast_in_dim3A_40 = arith.constant 0.000000e+00 : f32
      %broadcast_in_dim3A_41 = vector.broadcast %broadcast_in_dim3A_40 : f32 to vector<16xf32>
      %swap3A_42 = arith.index_cast %scan3A_20 : i32 to index
      %swap3A_43 = arith.constant 48 : index
      %swap3A_44 = tpu.vector_load %arg9[%swap3A_42, %swap3A_43] {strides = array<i32>} : memref<64x128xf32, #tpu.memory_space<vmem>>, vector<1x16xf32>,
      %swap3A_45 = vector.shape_cast %swap3A_44 : vector<1x16xf32> to vector<16xf32>
      %swap3A_46 = vector.shape_cast %broadcast_in_dim3A_41 : vector<16xf32> to vector<1x16xf32>
      tpu.vector_store %arg9[%swap3A_42, %swap3A_43], %swap3A_46 {strides = array<i32>} : memref<64x128xf32, #tpu.memory_space<vmem>>, vector<1x16xf32>,
      %broadcast_in_dim3A_47 = arith.constant 0.000000e+00 : f32
      %broadcast_in_dim3A_48 = vector.broadcast %broadcast_in_dim3A_47 : f32 to vector<16xf32>
      %swap3A_49 = arith.index_cast %scan3A_20 : i32 to index
      %swap3A_50 = arith.constant 64 : index
      %swap3A_51 = tpu.vector_load %arg9[%swap3A_49, %swap3A_50] {strides = array<i32>} : memref<64x128xf32, #tpu.memory_space<vmem>>, vector<1x16xf32>,
      %swap3A_52 = vector.shape_cast %swap3A_51 : vector<1x16xf32> to vector<16xf32>
      %swap3A_53 = vector.shape_cast %broadcast_in_dim3A_48 : vector<16xf32> to vector<1x16xf32>
      tpu.vector_store %arg9[%swap3A_49, %swap3A_50], %swap3A_53 {strides = array<i32>} : memref<64x128xf32, #tpu.memory_space<vmem>>, vector<1x16xf32>,
      %broadcast_in_dim3A_54 = arith.constant 0.000000e+00 : f32
      %broadcast_in_dim3A_55 = vector.broadcast %broadcast_in_dim3A_54 : f32 to vector<16xf32>
      %swap3A_56 = arith.index_cast %scan3A_20 : i32 to index
      %swap3A_57 = arith.constant 80 : index
      %swap3A_58 = tpu.vector_load %arg9[%swap3A_56, %swap3A_57] {strides = array<i32>} : memref<64x128xf32, #tpu.memory_space<vmem>>, vector<1x16xf32>,
      %swap3A_59 = vector.shape_cast %swap3A_58 : vector<1x16xf32> to vector<16xf32>
      %swap3A_60 = vector.shape_cast %broadcast_in_dim3A_55 : vector<16xf32> to vector<1x16xf32>
      tpu.vector_store %arg9[%swap3A_56, %swap3A_57], %swap3A_60 {strides = array<i32>} : memref<64x128xf32, #tpu.memory_space<vmem>>, vector<1x16xf32>,
      %broadcast_in_dim3A_61 = arith.constant 0.000000e+00 : f32
      %broadcast_in_dim3A_62 = vector.broadcast %broadcast_in_dim3A_61 : f32 to vector<16xf32>
      %swap3A_63 = arith.index_cast %scan3A_20 : i32 to index
      %swap3A_64 = arith.constant 96 : index
      %swap3A_65 = tpu.vector_load %arg9[%swap3A_63, %swap3A_64] {strides = array<i32>} : memref<64x128xf32, #tpu.memory_space<vmem>>, vector<1x16xf32>,
      %swap3A_66 = vector.shape_cast %swap3A_65 : vector<1x16xf32> to vector<16xf32>
      %swap3A_67 = vector.shape_cast %broadcast_in_dim3A_62 : vector<16xf32> to vector<1x16xf32>
      tpu.vector_store %arg9[%swap3A_63, %swap3A_64], %swap3A_67 {strides = array<i32>} : memref<64x128xf32, #tpu.memory_space<vmem>>, vector<1x16xf32>,
      %broadcast_in_dim3A_68 = arith.constant 0.000000e+00 : f32
      %broadcast_in_dim3A_69 = vector.broadcast %broadcast_in_dim3A_68 : f32 to vector<16xf32>
      %swap3A_70 = arith.index_cast %scan3A_20 : i32 to index
      %swap3A_71 = arith.constant 112 : index
      %swap3A_72 = tpu.vector_load %arg9[%swap3A_70, %swap3A_71] {strides = array<i32>} : memref<64x128xf32, #tpu.memory_space<vmem>>, vector<1x16xf32>,
      %swap3A_73 = vector.shape_cast %swap3A_72 : vector<1x16xf32> to vector<16xf32>
      %swap3A_74 = vector.shape_cast %broadcast_in_dim3A_69 : vector<16xf32> to vector<1x16xf32>
      tpu.vector_store %arg9[%swap3A_70, %swap3A_71], %swap3A_74 {strides = array<i32>} : memref<64x128xf32, #tpu.memory_space<vmem>>, vector<1x16xf32>,
    }
    %scan3A_3 = arith.constant 64 : i32
    %scan3A_4 = arith.constant 0 : i32
    %scan3A_5 = arith.constant 10 : i32
    %scan3A_6 = arith.addi %scan3A_4, %scan3A_5 : i32
    %scan3A_7 = arith.constant 1 : i32
    scf.for %scan3A_20 = %scan3A_4 to %scan3A_6 step %scan3A_7  : i32 {
      %mul3A = arith.constant 640 : i32
      %mul3A_21 = arith.muli %arg1, %mul3A : i32
      %mul3A_22 = arith.constant 64 : i32
      %mul3A_23 = arith.muli %scan3A_20, %mul3A_22 : i32
      %add3A = arith.addi %mul3A_21, %mul3A_23 : i32
      "tpu.region"() ({
        %run_scoped3A = tpu.sem_alloc : memref<!tpu.dma_semaphore, #tpu.memory_space<semaphore_mem>>
        %dma_start3A = arith.constant 0 : i32
        %dma_start3A_24 = tpu.memref_slice %arg10[%add3A, %dma_start3A] : memref<10240x128xf32, #tpu.memory_space<vmem_shared>> -> memref<64x128xf32, #tpu.memory_space<vmem_shared>>
        %dma_start3A_25 = arith.constant 0 : i32
        %dma_start3A_26 = tpu.memref_slice %arg10[%add3A, %dma_start3A_25] : memref<10240x128xf32, #tpu.memory_space<vmem_shared>> -> memref<64x128xf32, #tpu.memory_space<vmem_shared>>
        tpu.enqueue_dma source(%arg9 : memref<64x128xf32, #tpu.memory_space<vmem>>) target(%dma_start3A_26 : memref<64x128xf32, #tpu.memory_space<vmem_shared>>) target_semaphore(%run_scoped3A : memref<!tpu.dma_semaphore, #tpu.memory_space<semaphore_mem>>)
        %dma_wait3A = arith.constant 0 : i32
        %dma_wait3A_27 = tpu.memref_slice %arg10[%add3A, %dma_wait3A] : memref<10240x128xf32, #tpu.memory_space<vmem_shared>> -> memref<64x128xf32, #tpu.memory_space<vmem_shared>>
        %dma_wait3A_28 = arith.constant 0 : i32
        %dma_wait3A_29 = tpu.memref_slice %arg10[%add3A, %dma_wait3A_28] : memref<10240x128xf32, #tpu.memory_space<vmem_shared>> -> memref<64x128xf32, #tpu.memory_space<vmem_shared>>
        tpu.wait_dma2 semaphore(%run_scoped3A : memref<!tpu.dma_semaphore, #tpu.memory_space<semaphore_mem>>) src(%arg9 : memref<64x128xf32, #tpu.memory_space<vmem>>) dst(%dma_wait3A_29 : memref<64x128xf32, #tpu.memory_space<vmem_shared>>)
        tpu.yield
      }) : () -> ()
    }
    %scan3A_8 = arith.constant 10 : i32
    %barrier3A = arith.constant 0 : index
    tpu.barrier barrier_id(%barrier3A)
    %scan3A_9 = arith.constant 0 : i32
    %scan3A_10 = arith.constant 79 : i32
    %scan3A_11 = arith.addi %scan3A_9, %scan3A_10 : i32
    %scan3A_12 = arith.constant 1 : i32
    scf.for %scan3A_20 = %scan3A_9 to %scan3A_11 step %scan3A_12  : i32 {
      %dma_start3A = arith.constant 0 : i32
      %dma_start3A_21 = arith.constant 0 : i32
      %dma_start3A_22 = tpu.memref_slice %arg8[%dma_start3A, %dma_start3A_21] : memref<128x128xf32, #tpu.memory_space<vmem>> -> memref<64x128xf32, #tpu.memory_space<vmem>>
      %dma_start3A_23 = arith.constant 0 : i32
      %dma_start3A_24 = tpu.memref_slice %arg6[%scan3A_20, %dma_start3A_23] : memref<79x128xi32, #tpu.memory_space<vmem>> -> memref<1x64xi32, #tpu.memory_space<vmem>>
      %dma_start3A_25 = tpu.memref_squeeze %dma_start3A_24 : memref<1x64xi32, #tpu.memory_space<vmem>> -> memref<64xi32, #tpu.memory_space<vmem>>
      %dma_start3A_26 = arith.constant 0 : i32
      %dma_start3A_27 = arith.constant 0 : i32
      %dma_start3A_28 = tpu.memref_slice %arg2[%dma_start3A_26, %dma_start3A_27] : memref<10240x128xf32, #tpu.memory_space<hbm>> -> memref<10240x128xf32, #tpu.memory_space<hbm>>
      tpu.enqueue_indirect_dma source(%dma_start3A_28 : memref<10240x128xf32, #tpu.memory_space<hbm>>) target(%dma_start3A_22 : memref<64x128xf32, #tpu.memory_space<vmem>>) offsets(%dma_start3A_25 : memref<64xi32, #tpu.memory_space<vmem>>) semaphore(%arg11 : memref<!tpu.dma_semaphore, #tpu.memory_space<semaphore_mem>>)
      %dma_start3A_29 = arith.constant 64 : i32
      %dma_start3A_30 = arith.constant 0 : i32
      %dma_start3A_31 = tpu.memref_slice %arg8[%dma_start3A_29, %dma_start3A_30] : memref<128x128xf32, #tpu.memory_space<vmem>> -> memref<64x128xf32, #tpu.memory_space<vmem>>
      %dma_start3A_32 = arith.constant 64 : i32
      %dma_start3A_33 = tpu.memref_slice %arg6[%scan3A_20, %dma_start3A_32] : memref<79x128xi32, #tpu.memory_space<vmem>> -> memref<1x64xi32, #tpu.memory_space<vmem>>
      %dma_start3A_34 = tpu.memref_squeeze %dma_start3A_33 : memref<1x64xi32, #tpu.memory_space<vmem>> -> memref<64xi32, #tpu.memory_space<vmem>>
      %dma_start3A_35 = arith.constant 0 : i32
      %dma_start3A_36 = arith.constant 0 : i32
      %dma_start3A_37 = tpu.memref_slice %arg2[%dma_start3A_35, %dma_start3A_36] : memref<10240x128xf32, #tpu.memory_space<hbm>> -> memref<10240x128xf32, #tpu.memory_space<hbm>>
      tpu.enqueue_indirect_dma source(%dma_start3A_37 : memref<10240x128xf32, #tpu.memory_space<hbm>>) target(%dma_start3A_31 : memref<64x128xf32, #tpu.memory_space<vmem>>) offsets(%dma_start3A_34 : memref<64xi32, #tpu.memory_space<vmem>>) semaphore(%arg11 : memref<!tpu.dma_semaphore, #tpu.memory_space<semaphore_mem>>)
      %dma_wait3A = arith.constant 0 : i32
      %dma_wait3A_38 = arith.constant 0 : i32
      %dma_wait3A_39 = tpu.memref_slice %arg8[%dma_wait3A, %dma_wait3A_38] : memref<128x128xf32, #tpu.memory_space<vmem>> -> memref<64x128xf32, #tpu.memory_space<vmem>>
      %dma_wait3A_40 = arith.constant 0 : i32
      %dma_wait3A_41 = tpu.memref_slice %arg6[%scan3A_20, %dma_wait3A_40] : memref<79x128xi32, #tpu.memory_space<vmem>> -> memref<1x64xi32, #tpu.memory_space<vmem>>
      %dma_wait3A_42 = tpu.memref_squeeze %dma_wait3A_41 : memref<1x64xi32, #tpu.memory_space<vmem>> -> memref<64xi32, #tpu.memory_space<vmem>>
      %dma_wait3A_43 = arith.constant 0 : i32
      %dma_wait3A_44 = arith.constant 0 : i32
      %dma_wait3A_45 = tpu.memref_slice %arg2[%dma_wait3A_43, %dma_wait3A_44] : memref<10240x128xf32, #tpu.memory_space<hbm>> -> memref<10240x128xf32, #tpu.memory_space<hbm>>
      tpu.wait_indirect_dma semaphore(%arg11 : memref<!tpu.dma_semaphore, #tpu.memory_space<semaphore_mem>>) src(%dma_wait3A_45 : memref<10240x128xf32, #tpu.memory_space<hbm>>) dst(%dma_wait3A_39 : memref<64x128xf32, #tpu.memory_space<vmem>>)
      %dma_wait3A_46 = arith.constant 64 : i32
      %dma_wait3A_47 = arith.constant 0 : i32
      %dma_wait3A_48 = tpu.memref_slice %arg8[%dma_wait3A_46, %dma_wait3A_47] : memref<128x128xf32, #tpu.memory_space<vmem>> -> memref<64x128xf32, #tpu.memory_space<vmem>>
      %dma_wait3A_49 = arith.constant 64 : i32
      %dma_wait3A_50 = tpu.memref_slice %arg6[%scan3A_20, %dma_wait3A_49] : memref<79x128xi32, #tpu.memory_space<vmem>> -> memref<1x64xi32, #tpu.memory_space<vmem>>
      %dma_wait3A_51 = tpu.memref_squeeze %dma_wait3A_50 : memref<1x64xi32, #tpu.memory_space<vmem>> -> memref<64xi32, #tpu.memory_space<vmem>>
      %dma_wait3A_52 = arith.constant 0 : i32
      %dma_wait3A_53 = arith.constant 0 : i32
      %dma_wait3A_54 = tpu.memref_slice %arg2[%dma_wait3A_52, %dma_wait3A_53] : memref<10240x128xf32, #tpu.memory_space<hbm>> -> memref<10240x128xf32, #tpu.memory_space<hbm>>
      tpu.wait_indirect_dma semaphore(%arg11 : memref<!tpu.dma_semaphore, #tpu.memory_space<semaphore_mem>>) src(%dma_wait3A_54 : memref<10240x128xf32, #tpu.memory_space<hbm>>) dst(%dma_wait3A_48 : memref<64x128xf32, #tpu.memory_space<vmem>>)
      "tpu.region"() ({
        %run_scoped3A = tpu.sem_alloc : memref<!tpu.dma_semaphore, #tpu.memory_space<semaphore_mem>>
        %dma_start3A_55 = arith.constant 0 : i32
        %dma_start3A_56 = tpu.memref_slice %arg7[%scan3A_20, %dma_start3A_55] : memref<79x128xi32, #tpu.memory_space<vmem>> -> memref<1x128xi32, #tpu.memory_space<vmem>>
        %dma_start3A_57 = tpu.memref_squeeze %dma_start3A_56 : memref<1x128xi32, #tpu.memory_space<vmem>> -> memref<128xi32, #tpu.memory_space<vmem>>
        %dma_start3A_58 = arith.constant 0 : i32
        %dma_start3A_59 = arith.constant 0 : i32
        %dma_start3A_60 = tpu.memref_slice %arg10[%dma_start3A_58, %dma_start3A_59] : memref<10240x128xf32, #tpu.memory_space<vmem_shared>> -> memref<10240x128xf32, #tpu.memory_space<vmem_shared>>
        tpu.enqueue_indirect_dma source(%arg8 : memref<128x128xf32, #tpu.memory_space<vmem>>) target(%dma_start3A_60 : memref<10240x128xf32, #tpu.memory_space<vmem_shared>>) offsets(%dma_start3A_57 : memref<128xi32, #tpu.memory_space<vmem>>) semaphore(%run_scoped3A : memref<!tpu.dma_semaphore, #tpu.memory_space<semaphore_mem>>) {add = true}
        %dma_wait3A_61 = arith.constant 0 : i32
        %dma_wait3A_62 = tpu.memref_slice %arg7[%scan3A_20, %dma_wait3A_61] : memref<79x128xi32, #tpu.memory_space<vmem>> -> memref<1x128xi32, #tpu.memory_space<vmem>>
        %dma_wait3A_63 = tpu.memref_squeeze %dma_wait3A_62 : memref<1x128xi32, #tpu.memory_space<vmem>> -> memref<128xi32, #tpu.memory_space<vmem>>
        %dma_wait3A_64 = arith.constant 0 : i32
        %dma_wait3A_65 = arith.constant 0 : i32
        %dma_wait3A_66 = tpu.memref_slice %arg10[%dma_wait3A_64, %dma_wait3A_65] : memref<10240x128xf32, #tpu.memory_space<vmem_shared>> -> memref<10240x128xf32, #tpu.memory_space<vmem_shared>>
        tpu.wait_indirect_dma semaphore(%run_scoped3A : memref<!tpu.dma_semaphore, #tpu.memory_space<semaphore_mem>>) src(%arg8 : memref<128x128xf32, #tpu.memory_space<vmem>>) dst(%dma_wait3A_66 : memref<10240x128xf32, #tpu.memory_space<vmem_shared>>)
        tpu.yield
      }) : () -> ()
    }
    %scan3A_13 = arith.constant 79 : i32
    %barrier3A_14 = arith.constant 0 : index
    tpu.barrier barrier_id(%barrier3A_14)
    %scan3A_15 = arith.constant 0 : i32
    %scan3A_16 = arith.constant 5 : i32
    %scan3A_17 = arith.addi %scan3A_15, %scan3A_16 : i32
    %scan3A_18 = arith.constant 1 : i32
    scf.for %scan3A_20 = %scan3A_15 to %scan3A_17 step %scan3A_18  : i32 {
      %mul3A = arith.constant 640 : i32
      %mul3A_21 = arith.muli %arg1, %mul3A : i32
      %mul3A_22 = arith.constant 128 : i32
      %mul3A_23 = arith.muli %scan3A_20, %mul3A_22 : i32
      %add3A = arith.addi %mul3A_21, %mul3A_23 : i32
      "tpu.region"() ({
        %run_scoped3A = tpu.sem_alloc : memref<!tpu.dma_semaphore, #tpu.memory_space<semaphore_mem>>
        %dma_start3A = arith.constant 0 : i32
        %dma_start3A_29 = tpu.memref_slice %arg10[%add3A, %dma_start3A] : memref<10240x128xf32, #tpu.memory_space<vmem_shared>> -> memref<128x128xf32, #tpu.memory_space<vmem_shared>>
        %dma_start3A_30 = arith.constant 0 : i32
        %dma_start3A_31 = tpu.memref_slice %arg10[%add3A, %dma_start3A_30] : memref<10240x128xf32, #tpu.memory_space<vmem_shared>> -> memref<128x128xf32, #tpu.memory_space<vmem_shared>>
        tpu.enqueue_dma source(%dma_start3A_31 : memref<128x128xf32, #tpu.memory_space<vmem_shared>>) target(%arg8 : memref<128x128xf32, #tpu.memory_space<vmem>>) target_semaphore(%run_scoped3A : memref<!tpu.dma_semaphore, #tpu.memory_space<semaphore_mem>>)
        %dma_wait3A = arith.constant 0 : i32
        %dma_wait3A_32 = tpu.memref_slice %arg10[%add3A, %dma_wait3A] : memref<10240x128xf32, #tpu.memory_space<vmem_shared>> -> memref<128x128xf32, #tpu.memory_space<vmem_shared>>
        %dma_wait3A_33 = arith.constant 0 : i32
        %dma_wait3A_34 = tpu.memref_slice %arg10[%add3A, %dma_wait3A_33] : memref<10240x128xf32, #tpu.memory_space<vmem_shared>> -> memref<128x128xf32, #tpu.memory_space<vmem_shared>>
        tpu.wait_dma2 semaphore(%run_scoped3A : memref<!tpu.dma_semaphore, #tpu.memory_space<semaphore_mem>>) src(%dma_wait3A_34 : memref<128x128xf32, #tpu.memory_space<vmem_shared>>) dst(%arg8 : memref<128x128xf32, #tpu.memory_space<vmem>>)
        tpu.yield
      }) : () -> ()
      %mul3A_24 = arith.constant 640 : i32
      %mul3A_25 = arith.muli %arg1, %mul3A_24 : i32
      %mul3A_26 = arith.constant 128 : i32
      %mul3A_27 = arith.muli %scan3A_20, %mul3A_26 : i32
      %add3A_28 = arith.addi %mul3A_25, %mul3A_27 : i32
      "tpu.region"() ({
        %run_scoped3A = tpu.sem_alloc : memref<!tpu.dma_semaphore, #tpu.memory_space<semaphore_mem>>
        %dma_start3A = arith.constant 0 : i32
        %dma_start3A_29 = tpu.memref_slice %arg5[%arg0, %add3A_28, %dma_start3A] : memref<2x10240x128xf32, #tpu.memory_space<hbm>> -> memref<1x128x128xf32, #tpu.memory_space<hbm>>
        %dma_start3A_30 = tpu.memref_squeeze %dma_start3A_29 : memref<1x128x128xf32, #tpu.memory_space<hbm>> -> memref<128x128xf32, #tpu.memory_space<hbm>>
        %dma_start3A_31 = arith.constant 0 : i32
        %dma_start3A_32 = tpu.memref_slice %arg5[%arg0, %add3A_28, %dma_start3A_31] : memref<2x10240x128xf32, #tpu.memory_space<hbm>> -> memref<1x128x128xf32, #tpu.memory_space<hbm>>
        %dma_start3A_33 = tpu.memref_squeeze %dma_start3A_32 : memref<1x128x128xf32, #tpu.memory_space<hbm>> -> memref<128x128xf32, #tpu.memory_space<hbm>>
        tpu.enqueue_dma source(%arg8 : memref<128x128xf32, #tpu.memory_space<vmem>>) target(%dma_start3A_33 : memref<128x128xf32, #tpu.memory_space<hbm>>) target_semaphore(%run_scoped3A : memref<!tpu.dma_semaphore, #tpu.memory_space<semaphore_mem>>)
        %dma_wait3A = arith.constant 0 : i32
        %dma_wait3A_34 = tpu.memref_slice %arg5[%arg0, %add3A_28, %dma_wait3A] : memref<2x10240x128xf32, #tpu.memory_space<hbm>> -> memref<1x128x128xf32, #tpu.memory_space<hbm>>
        %dma_wait3A_35 = tpu.memref_squeeze %dma_wait3A_34 : memref<1x128x128xf32, #tpu.memory_space<hbm>> -> memref<128x128xf32, #tpu.memory_space<hbm>>
        %dma_wait3A_36 = arith.constant 0 : i32
        %dma_wait3A_37 = tpu.memref_slice %arg5[%arg0, %add3A_28, %dma_wait3A_36] : memref<2x10240x128xf32, #tpu.memory_space<hbm>> -> memref<1x128x128xf32, #tpu.memory_space<hbm>>
        %dma_wait3A_38 = tpu.memref_squeeze %dma_wait3A_37 : memref<1x128x128xf32, #tpu.memory_space<hbm>> -> memref<128x128xf32, #tpu.memory_space<hbm>>
        tpu.wait_dma2 semaphore(%run_scoped3A : memref<!tpu.dma_semaphore, #tpu.memory_space<semaphore_mem>>) src(%arg8 : memref<128x128xf32, #tpu.memory_space<vmem>>) dst(%dma_wait3A_38 : memref<128x128xf32, #tpu.memory_space<hbm>>)
        tpu.yield
      }) : () -> ()
    }
    %scan3A_19 = arith.constant 5 : i32
    return
  }
}

#map = affine_map<(d0, d1) -> (0, 0)>
#map1 = affine_map<(d0, d1) -> (0, 0, 0, 0)>
#map2 = affine_map<(d0, d1) -> (0, 0, 0)>
module attributes {stable_mosaic.version = 14 : i64} {
  func.func @scat(%arg0: i32, %arg1: i32, %arg2: memref<10240x128xf32, #tpu.memory_space<hbm>>, %arg3: memref<2x16x79x128xi32, #tpu.memory_space<hbm>>, %arg4: memref<2x16x79x128xi32, #tpu.memory_space<hbm>>, %arg5: memref<2x10240x128xf32, #tpu.memory_space<hbm>>, %arg6: memref<79x128xi32, #tpu.memory_space<vmem>>, %arg7: memref<79x128xi32, #tpu.memory_space<vmem>>, %arg8: memref<128x128xf32, #tpu.memory_space<vmem>>, %arg9: memref<64x128xf32, #tpu.memory_space<vmem>>, %arg10: memref<10240x128xf32, #tpu.memory_space<vmem_shared>>, %arg11: memref<!tpu.dma_semaphore, #tpu.memory_space<semaphore_mem>>) attributes {dimension_semantics = [#tpu.dimension_semantics<core_parallel>, #tpu.dimension_semantics<subcore_parallel>], iteration_bounds = array<i64: 2, 16>, scalar_prefetch = 0 : i64, scratch_operands = 6 : i64, tpu.core_type = #tpu.core_type<sc_vector_subcore>, window_params = [{transform_indices = #map}, {transform_indices = #map1}, {transform_indices = #map1}, {transform_indices = #map2}]} {
    "tpu.region"() ({
      %run_scoped3A = tpu.sem_alloc : memref<!tpu.dma_semaphore, #tpu.memory_space<semaphore_mem>>
      %dma_start3A = arith.constant 0 : i32
      %dma_start3A_20 = arith.constant 0 : i32
      %dma_start3A_21 = tpu.memref_slice %arg3[%arg0, %arg1, %dma_start3A, %dma_start3A_20] : memref<2x16x79x128xi32, #tpu.memory_space<hbm>> -> memref<1x1x79x128xi32, #tpu.memory_space<hbm>>
      %dma_start3A_22 = tpu.memref_squeeze %dma_start3A_21 : memref<1x1x79x128xi32, #tpu.memory_space<hbm>> -> memref<79x128xi32, #tpu.memory_space<hbm>>
      %dma_start3A_23 = arith.constant 0 : i32
      %dma_start3A_24 = arith.constant 0 : i32
      %dma_start3A_25 = tpu.memref_slice %arg3[%arg0, %arg1, %dma_start3A_23, %dma_start3A_24] : memref<2x16x79x128xi32, #tpu.memory_space<hbm>> -> memref<1x1x79x128xi32, #tpu.memory_space<hbm>>
      %dma_start3A_26 = tpu.memref_squeeze %dma_start3A_25 : memref<1x1x79x128xi32, #tpu.memory_space<hbm>> -> memref<79x128xi32, #tpu.memory_space<hbm>>
      tpu.enqueue_dma source(%dma_start3A_26 : memref<79x128xi32, #tpu.memory_space<hbm>>) target(%arg6 : memref<79x128xi32, #tpu.memory_space<vmem>>) target_semaphore(%run_scoped3A : memref<!tpu.dma_semaphore, #tpu.memory_space<semaphore_mem>>)
      %dma_wait3A = arith.constant 0 : i32
      %dma_wait3A_27 = arith.constant 0 : i32
      %dma_wait3A_28 = tpu.memref_slice %arg3[%arg0, %arg1, %dma_wait3A, %dma_wait3A_27] : memref<2x16x79x128xi32, #tpu.memory_space<hbm>> -> memref<1x1x79x128xi32, #tpu.memory_space<hbm>>
      %dma_wait3A_29 = tpu.memref_squeeze %dma_wait3A_28 : memref<1x1x79x128xi32, #tpu.memory_space<hbm>> -> memref<79x128xi32, #tpu.memory_space<hbm>>
      %dma_wait3A_30 = arith.constant 0 : i32
      %dma_wait3A_31 = arith.constant 0 : i32
      %dma_wait3A_32 = tpu.memref_slice %arg3[%arg0, %arg1, %dma_wait3A_30, %dma_wait3A_31] : memref<2x16x79x128xi32, #tpu.memory_space<hbm>> -> memref<1x1x79x128xi32, #tpu.memory_space<hbm>>
      %dma_wait3A_33 = tpu.memref_squeeze %dma_wait3A_32 : memref<1x1x79x128xi32, #tpu.memory_space<hbm>> -> memref<79x128xi32, #tpu.memory_space<hbm>>
      tpu.wait_dma2 semaphore(%run_scoped3A : memref<!tpu.dma_semaphore, #tpu.memory_space<semaphore_mem>>) src(%dma_wait3A_33 : memref<79x128xi32, #tpu.memory_space<hbm>>) dst(%arg6 : memref<79x128xi32, #tpu.memory_space<vmem>>)
      tpu.yield
    }) : () -> ()
    "tpu.region"() ({
      %run_scoped3A = tpu.sem_alloc : memref<!tpu.dma_semaphore, #tpu.memory_space<semaphore_mem>>
      %dma_start3A = arith.constant 0 : i32
      %dma_start3A_20 = arith.constant 0 : i32
      %dma_start3A_21 = tpu.memref_slice %arg4[%arg0, %arg1, %dma_start3A, %dma_start3A_20] : memref<2x16x79x128xi32, #tpu.memory_space<hbm>> -> memref<1x1x79x128xi32, #tpu.memory_space<hbm>>
      %dma_start3A_22 = tpu.memref_squeeze %dma_start3A_21 : memref<1x1x79x128xi32, #tpu.memory_space<hbm>> -> memref<79x128xi32, #tpu.memory_space<hbm>>
      %dma_start3A_23 = arith.constant 0 : i32
      %dma_start3A_24 = arith.constant 0 : i32
      %dma_start3A_25 = tpu.memref_slice %arg4[%arg0, %arg1, %dma_start3A_23, %dma_start3A_24] : memref<2x16x79x128xi32, #tpu.memory_space<hbm>> -> memref<1x1x79x128xi32, #tpu.memory_space<hbm>>
      %dma_start3A_26 = tpu.memref_squeeze %dma_start3A_25 : memref<1x1x79x128xi32, #tpu.memory_space<hbm>> -> memref<79x128xi32, #tpu.memory_space<hbm>>
      tpu.enqueue_dma source(%dma_start3A_26 : memref<79x128xi32, #tpu.memory_space<hbm>>) target(%arg7 : memref<79x128xi32, #tpu.memory_space<vmem>>) target_semaphore(%run_scoped3A : memref<!tpu.dma_semaphore, #tpu.memory_space<semaphore_mem>>)
      %dma_wait3A = arith.constant 0 : i32
      %dma_wait3A_27 = arith.constant 0 : i32
      %dma_wait3A_28 = tpu.memref_slice %arg4[%arg0, %arg1, %dma_wait3A, %dma_wait3A_27] : memref<2x16x79x128xi32, #tpu.memory_space<hbm>> -> memref<1x1x79x128xi32, #tpu.memory_space<hbm>>
      %dma_wait3A_29 = tpu.memref_squeeze %dma_wait3A_28 : memref<1x1x79x128xi32, #tpu.memory_space<hbm>> -> memref<79x128xi32, #tpu.memory_space<hbm>>
      %dma_wait3A_30 = arith.constant 0 : i32
      %dma_wait3A_31 = arith.constant 0 : i32
      %dma_wait3A_32 = tpu.memref_slice %arg4[%arg0, %arg1, %dma_wait3A_30, %dma_wait3A_31] : memref<2x16x79x128xi32, #tpu.memory_space<hbm>> -> memref<1x1x79x128xi32, #tpu.memory_space<hbm>>
      %dma_wait3A_33 = tpu.memref_squeeze %dma_wait3A_32 : memref<1x1x79x128xi32, #tpu.memory_space<hbm>> -> memref<79x128xi32, #tpu.memory_space<hbm>>
      tpu.wait_dma2 semaphore(%run_scoped3A : memref<!tpu.dma_semaphore, #tpu.memory_space<semaphore_mem>>) src(%dma_wait3A_33 : memref<79x128xi32, #tpu.memory_space<hbm>>) dst(%arg7 : memref<79x128xi32, #tpu.memory_space<vmem>>)
      tpu.yield
    }) : () -> ()
    %scan3A = arith.constant 0 : i32
    %scan3A_0 = arith.constant 64 : i32
    %scan3A_1 = arith.addi %scan3A, %scan3A_0 : i32
    %scan3A_2 = arith.constant 1 : i32
    scf.for %scan3A_20 = %scan3A to %scan3A_1 step %scan3A_2  : i32 {
      %broadcast_in_dim3A = arith.constant 0.000000e+00 : f32
      %broadcast_in_dim3A_21 = vector.broadcast %broadcast_in_dim3A : f32 to vector<16xf32>
      %swap3A = arith.index_cast %scan3A_20 : i32 to index
      %swap3A_22 = arith.constant 0 : index
      %swap3A_23 = tpu.vector_load %arg9[%swap3A, %swap3A_22] {strides = array<i32>} : memref<64x128xf32, #tpu.memory_space<vmem>>, vector<1x16xf32>,
      %swap3A_24 = vector.shape_cast %swap3A_23 : vector<1x16xf32> to vector<16xf32>
      %swap3A_25 = vector.shape_cast %broadcast_in_dim3A_21 : vector<16xf32> to vector<1x16xf32>
      tpu.vector_store %arg9[%swap3A, %swap3A_22], %swap3A_25 {strides = array<i32>} : memref<64x128xf32, #tpu.memory_space<vmem>>, vector<1x16xf32>,
      %broadcast_in_dim3A_26 = arith.constant 0.000000e+00 : f32
      %broadcast_in_dim3A_27 = vector.broadcast %broadcast_in_dim3A_26 : f32 to vector<16xf32>
      %swap3A_28 = arith.index_cast %scan3A_20 : i32 to index
      %swap3A_29 = arith.constant 16 : index
      %swap3A_30 = tpu.vector_load %arg9[%swap3A_28, %swap3A_29] {strides = array<i32>} : memref<64x128xf32, #tpu.memory_space<vmem>>, vector<1x16xf32>,
      %swap3A_31 = vector.shape_cast %swap3A_30 : vector<1x16xf32> to vector<16xf32>
      %swap3A_32 = vector.shape_cast %broadcast_in_dim3A_27 : vector<16xf32> to vector<1x16xf32>
      tpu.vector_store %arg9[%swap3A_28, %swap3A_29], %swap3A_32 {strides = array<i32>} : memref<64x128xf32, #tpu.memory_space<vmem>>, vector<1x16xf32>,
      %broadcast_in_dim3A_33 = arith.constant 0.000000e+00 : f32
      %broadcast_in_dim3A_34 = vector.broadcast %broadcast_in_dim3A_33 : f32 to vector<16xf32>
      %swap3A_35 = arith.index_cast %scan3A_20 : i32 to index
      %swap3A_36 = arith.constant 32 : index
      %swap3A_37 = tpu.vector_load %arg9[%swap3A_35, %swap3A_36] {strides = array<i32>} : memref<64x128xf32, #tpu.memory_space<vmem>>, vector<1x16xf32>,
      %swap3A_38 = vector.shape_cast %swap3A_37 : vector<1x16xf32> to vector<16xf32>
      %swap3A_39 = vector.shape_cast %broadcast_in_dim3A_34 : vector<16xf32> to vector<1x16xf32>
      tpu.vector_store %arg9[%swap3A_35, %swap3A_36], %swap3A_39 {strides = array<i32>} : memref<64x128xf32, #tpu.memory_space<vmem>>, vector<1x16xf32>,
      %broadcast_in_dim3A_40 = arith.constant 0.000000e+00 : f32
      %broadcast_in_dim3A_41 = vector.broadcast %broadcast_in_dim3A_40 : f32 to vector<16xf32>
      %swap3A_42 = arith.index_cast %scan3A_20 : i32 to index
      %swap3A_43 = arith.constant 48 : index
      %swap3A_44 = tpu.vector_load %arg9[%swap3A_42, %swap3A_43] {strides = array<i32>} : memref<64x128xf32, #tpu.memory_space<vmem>>, vector<1x16xf32>,
      %swap3A_45 = vector.shape_cast %swap3A_44 : vector<1x16xf32> to vector<16xf32>
      %swap3A_46 = vector.shape_cast %broadcast_in_dim3A_41 : vector<16xf32> to vector<1x16xf32>
      tpu.vector_store %arg9[%swap3A_42, %swap3A_43], %swap3A_46 {strides = array<i32>} : memref<64x128xf32, #tpu.memory_space<vmem>>, vector<1x16xf32>,
      %broadcast_in_dim3A_47 = arith.constant 0.000000e+00 : f32
      %broadcast_in_dim3A_48 = vector.broadcast %broadcast_in_dim3A_47 : f32 to vector<16xf32>
      %swap3A_49 = arith.index_cast %scan3A_20 : i32 to index
      %swap3A_50 = arith.constant 64 : index
      %swap3A_51 = tpu.vector_load %arg9[%swap3A_49, %swap3A_50] {strides = array<i32>} : memref<64x128xf32, #tpu.memory_space<vmem>>, vector<1x16xf32>,
      %swap3A_52 = vector.shape_cast %swap3A_51 : vector<1x16xf32> to vector<16xf32>
      %swap3A_53 = vector.shape_cast %broadcast_in_dim3A_48 : vector<16xf32> to vector<1x16xf32>
      tpu.vector_store %arg9[%swap3A_49, %swap3A_50], %swap3A_53 {strides = array<i32>} : memref<64x128xf32, #tpu.memory_space<vmem>>, vector<1x16xf32>,
      %broadcast_in_dim3A_54 = arith.constant 0.000000e+00 : f32
      %broadcast_in_dim3A_55 = vector.broadcast %broadcast_in_dim3A_54 : f32 to vector<16xf32>
      %swap3A_56 = arith.index_cast %scan3A_20 : i32 to index
      %swap3A_57 = arith.constant 80 : index
      %swap3A_58 = tpu.vector_load %arg9[%swap3A_56, %swap3A_57] {strides = array<i32>} : memref<64x128xf32, #tpu.memory_space<vmem>>, vector<1x16xf32>,
      %swap3A_59 = vector.shape_cast %swap3A_58 : vector<1x16xf32> to vector<16xf32>
      %swap3A_60 = vector.shape_cast %broadcast_in_dim3A_55 : vector<16xf32> to vector<1x16xf32>
      tpu.vector_store %arg9[%swap3A_56, %swap3A_57], %swap3A_60 {strides = array<i32>} : memref<64x128xf32, #tpu.memory_space<vmem>>, vector<1x16xf32>,
      %broadcast_in_dim3A_61 = arith.constant 0.000000e+00 : f32
      %broadcast_in_dim3A_62 = vector.broadcast %broadcast_in_dim3A_61 : f32 to vector<16xf32>
      %swap3A_63 = arith.index_cast %scan3A_20 : i32 to index
      %swap3A_64 = arith.constant 96 : index
      %swap3A_65 = tpu.vector_load %arg9[%swap3A_63, %swap3A_64] {strides = array<i32>} : memref<64x128xf32, #tpu.memory_space<vmem>>, vector<1x16xf32>,
      %swap3A_66 = vector.shape_cast %swap3A_65 : vector<1x16xf32> to vector<16xf32>
      %swap3A_67 = vector.shape_cast %broadcast_in_dim3A_62 : vector<16xf32> to vector<1x16xf32>
      tpu.vector_store %arg9[%swap3A_63, %swap3A_64], %swap3A_67 {strides = array<i32>} : memref<64x128xf32, #tpu.memory_space<vmem>>, vector<1x16xf32>,
      %broadcast_in_dim3A_68 = arith.constant 0.000000e+00 : f32
      %broadcast_in_dim3A_69 = vector.broadcast %broadcast_in_dim3A_68 : f32 to vector<16xf32>
      %swap3A_70 = arith.index_cast %scan3A_20 : i32 to index
      %swap3A_71 = arith.constant 112 : index
      %swap3A_72 = tpu.vector_load %arg9[%swap3A_70, %swap3A_71] {strides = array<i32>} : memref<64x128xf32, #tpu.memory_space<vmem>>, vector<1x16xf32>,
      %swap3A_73 = vector.shape_cast %swap3A_72 : vector<1x16xf32> to vector<16xf32>
      %swap3A_74 = vector.shape_cast %broadcast_in_dim3A_69 : vector<16xf32> to vector<1x16xf32>
      tpu.vector_store %arg9[%swap3A_70, %swap3A_71], %swap3A_74 {strides = array<i32>} : memref<64x128xf32, #tpu.memory_space<vmem>>, vector<1x16xf32>,
    }
    %scan3A_3 = arith.constant 64 : i32
    %scan3A_4 = arith.constant 0 : i32
    %scan3A_5 = arith.constant 10 : i32
    %scan3A_6 = arith.addi %scan3A_4, %scan3A_5 : i32
    %scan3A_7 = arith.constant 1 : i32
    scf.for %scan3A_20 = %scan3A_4 to %scan3A_6 step %scan3A_7  : i32 {
      %mul3A = arith.constant 640 : i32
      %mul3A_21 = arith.muli %arg1, %mul3A : i32
      %mul3A_22 = arith.constant 64 : i32
      %mul3A_23 = arith.muli %scan3A_20, %mul3A_22 : i32
      %add3A = arith.addi %mul3A_21, %mul3A_23 : i32
      "tpu.region"() ({
        %run_scoped3A = tpu.sem_alloc : memref<!tpu.dma_semaphore, #tpu.memory_space<semaphore_mem>>
        %dma_start3A = arith.constant 0 : i32
        %dma_start3A_24 = tpu.memref_slice %arg10[%add3A, %dma_start3A] : memref<10240x128xf32, #tpu.memory_space<vmem_shared>> -> memref<64x128xf32, #tpu.memory_space<vmem_shared>>
        %dma_start3A_25 = arith.constant 0 : i32
        %dma_start3A_26 = tpu.memref_slice %arg10[%add3A, %dma_start3A_25] : memref<10240x128xf32, #tpu.memory_space<vmem_shared>> -> memref<64x128xf32, #tpu.memory_space<vmem_shared>>
        tpu.enqueue_dma source(%arg9 : memref<64x128xf32, #tpu.memory_space<vmem>>) target(%dma_start3A_26 : memref<64x128xf32, #tpu.memory_space<vmem_shared>>) target_semaphore(%run_scoped3A : memref<!tpu.dma_semaphore, #tpu.memory_space<semaphore_mem>>)
        %dma_wait3A = arith.constant 0 : i32
        %dma_wait3A_27 = tpu.memref_slice %arg10[%add3A, %dma_wait3A] : memref<10240x128xf32, #tpu.memory_space<vmem_shared>> -> memref<64x128xf32, #tpu.memory_space<vmem_shared>>
        %dma_wait3A_28 = arith.constant 0 : i32
        %dma_wait3A_29 = tpu.memref_slice %arg10[%add3A, %dma_wait3A_28] : memref<10240x128xf32, #tpu.memory_space<vmem_shared>> -> memref<64x128xf32, #tpu.memory_space<vmem_shared>>
        tpu.wait_dma2 semaphore(%run_scoped3A : memref<!tpu.dma_semaphore, #tpu.memory_space<semaphore_mem>>) src(%arg9 : memref<64x128xf32, #tpu.memory_space<vmem>>) dst(%dma_wait3A_29 : memref<64x128xf32, #tpu.memory_space<vmem_shared>>)
        tpu.yield
      }) : () -> ()
    }
    %scan3A_8 = arith.constant 10 : i32
    %barrier3A = arith.constant 0 : index
    tpu.barrier barrier_id(%barrier3A)
    %scan3A_9 = arith.constant 0 : i32
    %scan3A_10 = arith.constant 79 : i32
    %scan3A_11 = arith.addi %scan3A_9, %scan3A_10 : i32
    %scan3A_12 = arith.constant 1 : i32
    scf.for %scan3A_20 = %scan3A_9 to %scan3A_11 step %scan3A_12  : i32 {
      %dma_start3A = arith.constant 0 : i32
      %dma_start3A_21 = arith.constant 0 : i32
      %dma_start3A_22 = tpu.memref_slice %arg8[%dma_start3A, %dma_start3A_21] : memref<128x128xf32, #tpu.memory_space<vmem>> -> memref<64x128xf32, #tpu.memory_space<vmem>>
      %dma_start3A_23 = arith.constant 0 : i32
      %dma_start3A_24 = tpu.memref_slice %arg6[%scan3A_20, %dma_start3A_23] : memref<79x128xi32, #tpu.memory_space<vmem>> -> memref<1x64xi32, #tpu.memory_space<vmem>>
      %dma_start3A_25 = tpu.memref_squeeze %dma_start3A_24 : memref<1x64xi32, #tpu.memory_space<vmem>> -> memref<64xi32, #tpu.memory_space<vmem>>
      %dma_start3A_26 = arith.constant 0 : i32
      %dma_start3A_27 = arith.constant 0 : i32
      %dma_start3A_28 = tpu.memref_slice %arg2[%dma_start3A_26, %dma_start3A_27] : memref<10240x128xf32, #tpu.memory_space<hbm>> -> memref<10240x128xf32, #tpu.memory_space<hbm>>
      tpu.enqueue_indirect_dma source(%dma_start3A_28 : memref<10240x128xf32, #tpu.memory_space<hbm>>) target(%dma_start3A_22 : memref<64x128xf32, #tpu.memory_space<vmem>>) offsets(%dma_start3A_25 : memref<64xi32, #tpu.memory_space<vmem>>) semaphore(%arg11 : memref<!tpu.dma_semaphore, #tpu.memory_space<semaphore_mem>>)
      %dma_start3A_29 = arith.constant 64 : i32
      %dma_start3A_30 = arith.constant 0 : i32
      %dma_start3A_31 = tpu.memref_slice %arg8[%dma_start3A_29, %dma_start3A_30] : memref<128x128xf32, #tpu.memory_space<vmem>> -> memref<64x128xf32, #tpu.memory_space<vmem>>
      %dma_start3A_32 = arith.constant 64 : i32
      %dma_start3A_33 = tpu.memref_slice %arg6[%scan3A_20, %dma_start3A_32] : memref<79x128xi32, #tpu.memory_space<vmem>> -> memref<1x64xi32, #tpu.memory_space<vmem>>
      %dma_start3A_34 = tpu.memref_squeeze %dma_start3A_33 : memref<1x64xi32, #tpu.memory_space<vmem>> -> memref<64xi32, #tpu.memory_space<vmem>>
      %dma_start3A_35 = arith.constant 0 : i32
      %dma_start3A_36 = arith.constant 0 : i32
      %dma_start3A_37 = tpu.memref_slice %arg2[%dma_start3A_35, %dma_start3A_36] : memref<10240x128xf32, #tpu.memory_space<hbm>> -> memref<10240x128xf32, #tpu.memory_space<hbm>>
      tpu.enqueue_indirect_dma source(%dma_start3A_37 : memref<10240x128xf32, #tpu.memory_space<hbm>>) target(%dma_start3A_31 : memref<64x128xf32, #tpu.memory_space<vmem>>) offsets(%dma_start3A_34 : memref<64xi32, #tpu.memory_space<vmem>>) semaphore(%arg11 : memref<!tpu.dma_semaphore, #tpu.memory_space<semaphore_mem>>)
      %dma_wait3A = arith.constant 0 : i32
      %dma_wait3A_38 = arith.constant 0 : i32
      %dma_wait3A_39 = tpu.memref_slice %arg8[%dma_wait3A, %dma_wait3A_38] : memref<128x128xf32, #tpu.memory_space<vmem>> -> memref<64x128xf32, #tpu.memory_space<vmem>>
      %dma_wait3A_40 = arith.constant 0 : i32
      %dma_wait3A_41 = tpu.memref_slice %arg6[%scan3A_20, %dma_wait3A_40] : memref<79x128xi32, #tpu.memory_space<vmem>> -> memref<1x64xi32, #tpu.memory_space<vmem>>
      %dma_wait3A_42 = tpu.memref_squeeze %dma_wait3A_41 : memref<1x64xi32, #tpu.memory_space<vmem>> -> memref<64xi32, #tpu.memory_space<vmem>>
      %dma_wait3A_43 = arith.constant 0 : i32
      %dma_wait3A_44 = arith.constant 0 : i32
      %dma_wait3A_45 = tpu.memref_slice %arg2[%dma_wait3A_43, %dma_wait3A_44] : memref<10240x128xf32, #tpu.memory_space<hbm>> -> memref<10240x128xf32, #tpu.memory_space<hbm>>
      tpu.wait_indirect_dma semaphore(%arg11 : memref<!tpu.dma_semaphore, #tpu.memory_space<semaphore_mem>>) src(%dma_wait3A_45 : memref<10240x128xf32, #tpu.memory_space<hbm>>) dst(%dma_wait3A_39 : memref<64x128xf32, #tpu.memory_space<vmem>>)
      %dma_wait3A_46 = arith.constant 64 : i32
      %dma_wait3A_47 = arith.constant 0 : i32
      %dma_wait3A_48 = tpu.memref_slice %arg8[%dma_wait3A_46, %dma_wait3A_47] : memref<128x128xf32, #tpu.memory_space<vmem>> -> memref<64x128xf32, #tpu.memory_space<vmem>>
      %dma_wait3A_49 = arith.constant 64 : i32
      %dma_wait3A_50 = tpu.memref_slice %arg6[%scan3A_20, %dma_wait3A_49] : memref<79x128xi32, #tpu.memory_space<vmem>> -> memref<1x64xi32, #tpu.memory_space<vmem>>
      %dma_wait3A_51 = tpu.memref_squeeze %dma_wait3A_50 : memref<1x64xi32, #tpu.memory_space<vmem>> -> memref<64xi32, #tpu.memory_space<vmem>>
      %dma_wait3A_52 = arith.constant 0 : i32
      %dma_wait3A_53 = arith.constant 0 : i32
      %dma_wait3A_54 = tpu.memref_slice %arg2[%dma_wait3A_52, %dma_wait3A_53] : memref<10240x128xf32, #tpu.memory_space<hbm>> -> memref<10240x128xf32, #tpu.memory_space<hbm>>
      tpu.wait_indirect_dma semaphore(%arg11 : memref<!tpu.dma_semaphore, #tpu.memory_space<semaphore_mem>>) src(%dma_wait3A_54 : memref<10240x128xf32, #tpu.memory_space<hbm>>) dst(%dma_wait3A_48 : memref<64x128xf32, #tpu.memory_space<vmem>>)
      "tpu.region"() ({
        %run_scoped3A = tpu.sem_alloc : memref<!tpu.dma_semaphore, #tpu.memory_space<semaphore_mem>>
        %dma_start3A_55 = arith.constant 0 : i32
        %dma_start3A_56 = tpu.memref_slice %arg7[%scan3A_20, %dma_start3A_55] : memref<79x128xi32, #tpu.memory_space<vmem>> -> memref<1x128xi32, #tpu.memory_space<vmem>>
        %dma_start3A_57 = tpu.memref_squeeze %dma_start3A_56 : memref<1x128xi32, #tpu.memory_space<vmem>> -> memref<128xi32, #tpu.memory_space<vmem>>
        %dma_start3A_58 = arith.constant 0 : i32
        %dma_start3A_59 = arith.constant 0 : i32
        %dma_start3A_60 = tpu.memref_slice %arg10[%dma_start3A_58, %dma_start3A_59] : memref<10240x128xf32, #tpu.memory_space<vmem_shared>> -> memref<10240x128xf32, #tpu.memory_space<vmem_shared>>
        tpu.enqueue_indirect_dma source(%arg8 : memref<128x128xf32, #tpu.memory_space<vmem>>) target(%dma_start3A_60 : memref<10240x128xf32, #tpu.memory_space<vmem_shared>>) offsets(%dma_start3A_57 : memref<128xi32, #tpu.memory_space<vmem>>) semaphore(%run_scoped3A : memref<!tpu.dma_semaphore, #tpu.memory_space<semaphore_mem>>) {add = true}
        %dma_wait3A_61 = arith.constant 0 : i32
        %dma_wait3A_62 = tpu.memref_slice %arg7[%scan3A_20, %dma_wait3A_61] : memref<79x128xi32, #tpu.memory_space<vmem>> -> memref<1x128xi32, #tpu.memory_space<vmem>>
        %dma_wait3A_63 = tpu.memref_squeeze %dma_wait3A_62 : memref<1x128xi32, #tpu.memory_space<vmem>> -> memref<128xi32, #tpu.memory_space<vmem>>
        %dma_wait3A_64 = arith.constant 0 : i32
        %dma_wait3A_65 = arith.constant 0 : i32
        %dma_wait3A_66 = tpu.memref_slice %arg10[%dma_wait3A_64, %dma_wait3A_65] : memref<10240x128xf32, #tpu.memory_space<vmem_shared>> -> memref<10240x128xf32, #tpu.memory_space<vmem_shared>>
        tpu.wait_indirect_dma semaphore(%run_scoped3A : memref<!tpu.dma_semaphore, #tpu.memory_space<semaphore_mem>>) src(%arg8 : memref<128x128xf32, #tpu.memory_space<vmem>>) dst(%dma_wait3A_66 : memref<10240x128xf32, #tpu.memory_space<vmem_shared>>)
        tpu.yield
      }) : () -> ()
    }
    %scan3A_13 = arith.constant 79 : i32
    %barrier3A_14 = arith.constant 0 : index
    tpu.barrier barrier_id(%barrier3A_14)
    %scan3A_15 = arith.constant 0 : i32
    %scan3A_16 = arith.constant 5 : i32
    %scan3A_17 = arith.addi %scan3A_15, %scan3A_16 : i32
    %scan3A_18 = arith.constant 1 : i32
    scf.for %scan3A_20 = %scan3A_15 to %scan3A_17 step %scan3A_18  : i32 {
      %mul3A = arith.constant 640 : i32
      %mul3A_21 = arith.muli %arg1, %mul3A : i32
      %mul3A_22 = arith.constant 128 : i32
      %mul3A_23 = arith.muli %scan3A_20, %mul3A_22 : i32
      %add3A = arith.addi %mul3A_21, %mul3A_23 : i32
      "tpu.region"() ({
        %run_scoped3A = tpu.sem_alloc : memref<!tpu.dma_semaphore, #tpu.memory_space<semaphore_mem>>
        %dma_start3A = arith.constant 0 : i32
        %dma_start3A_29 = tpu.memref_slice %arg10[%add3A, %dma_start3A] : memref<10240x128xf32, #tpu.memory_space<vmem_shared>> -> memref<128x128xf32, #tpu.memory_space<vmem_shared>>
        %dma_start3A_30 = arith.constant 0 : i32
        %dma_start3A_31 = tpu.memref_slice %arg10[%add3A, %dma_start3A_30] : memref<10240x128xf32, #tpu.memory_space<vmem_shared>> -> memref<128x128xf32, #tpu.memory_space<vmem_shared>>
        tpu.enqueue_dma source(%dma_start3A_31 : memref<128x128xf32, #tpu.memory_space<vmem_shared>>) target(%arg8 : memref<128x128xf32, #tpu.memory_space<vmem>>) target_semaphore(%run_scoped3A : memref<!tpu.dma_semaphore, #tpu.memory_space<semaphore_mem>>)
        %dma_wait3A = arith.constant 0 : i32
        %dma_wait3A_32 = tpu.memref_slice %arg10[%add3A, %dma_wait3A] : memref<10240x128xf32, #tpu.memory_space<vmem_shared>> -> memref<128x128xf32, #tpu.memory_space<vmem_shared>>
        %dma_wait3A_33 = arith.constant 0 : i32
        %dma_wait3A_34 = tpu.memref_slice %arg10[%add3A, %dma_wait3A_33] : memref<10240x128xf32, #tpu.memory_space<vmem_shared>> -> memref<128x128xf32, #tpu.memory_space<vmem_shared>>
        tpu.wait_dma2 semaphore(%run_scoped3A : memref<!tpu.dma_semaphore, #tpu.memory_space<semaphore_mem>>) src(%dma_wait3A_34 : memref<128x128xf32, #tpu.memory_space<vmem_shared>>) dst(%arg8 : memref<128x128xf32, #tpu.memory_space<vmem>>)
        tpu.yield
      }) : () -> ()
      %mul3A_24 = arith.constant 640 : i32
      %mul3A_25 = arith.muli %arg1, %mul3A_24 : i32
      %mul3A_26 = arith.constant 128 : i32
      %mul3A_27 = arith.muli %scan3A_20, %mul3A_26 : i32
      %add3A_28 = arith.addi %mul3A_25, %mul3A_27 : i32
      "tpu.region"() ({
        %run_scoped3A = tpu.sem_alloc : memref<!tpu.dma_semaphore, #tpu.memory_space<semaphore_mem>>
        %dma_start3A = arith.constant 0 : i32
        %dma_start3A_29 = tpu.memref_slice %arg5[%arg0, %add3A_28, %dma_start3A] : memref<2x10240x128xf32, #tpu.memory_space<hbm>> -> memref<1x128x128xf32, #tpu.memory_space<hbm>>
        %dma_start3A_30 = tpu.memref_squeeze %dma_start3A_29 : memref<1x128x128xf32, #tpu.memory_space<hbm>> -> memref<128x128xf32, #tpu.memory_space<hbm>>
        %dma_start3A_31 = arith.constant 0 : i32
        %dma_start3A_32 = tpu.memref_slice %arg5[%arg0, %add3A_28, %dma_start3A_31] : memref<2x10240x128xf32, #tpu.memory_space<hbm>> -> memref<1x128x128xf32, #tpu.memory_space<hbm>>
        %dma_start3A_33 = tpu.memref_squeeze %dma_start3A_32 : memref<1x128x128xf32, #tpu.memory_space<hbm>> -> memref<128x128xf32, #tpu.memory_space<hbm>>
        tpu.enqueue_dma source(%arg8 : memref<128x128xf32, #tpu.memory_space<vmem>>) target(%dma_start3A_33 : memref<128x128xf32, #tpu.memory_space<hbm>>) target_semaphore(%run_scoped3A : memref<!tpu.dma_semaphore, #tpu.memory_space<semaphore_mem>>)
        %dma_wait3A = arith.constant 0 : i32
        %dma_wait3A_34 = tpu.memref_slice %arg5[%arg0, %add3A_28, %dma_wait3A] : memref<2x10240x128xf32, #tpu.memory_space<hbm>> -> memref<1x128x128xf32, #tpu.memory_space<hbm>>
        %dma_wait3A_35 = tpu.memref_squeeze %dma_wait3A_34 : memref<1x128x128xf32, #tpu.memory_space<hbm>> -> memref<128x128xf32, #tpu.memory_space<hbm>>
        %dma_wait3A_36 = arith.constant 0 : i32
        %dma_wait3A_37 = tpu.memref_slice %arg5[%arg0, %add3A_28, %dma_wait3A_36] : memref<2x10240x128xf32, #tpu.memory_space<hbm>> -> memref<1x128x128xf32, #tpu.memory_space<hbm>>
        %dma_wait3A_38 = tpu.memref_squeeze %dma_wait3A_37 : memref<1x128x128xf32, #tpu.memory_space<hbm>> -> memref<128x128xf32, #tpu.memory_space<hbm>>
        tpu.wait_dma2 semaphore(%run_scoped3A : memref<!tpu.dma_semaphore, #tpu.memory_space<semaphore_mem>>) src(%arg8 : memref<128x128xf32, #tpu.memory_space<vmem>>) dst(%dma_wait3A_38 : memref<128x128xf32, #tpu.memory_space<hbm>>)
        tpu.yield
      }) : () -> ()
    }
    %scan3A_19 = arith.constant 5 : i32
    return
  }
}

#map = affine_map<(d0, d1) -> (0, 0)>
#map1 = affine_map<(d0, d1) -> (0, 0, 0, 0)>
#map2 = affine_map<(d0, d1) -> (0, 0, 0)>
module attributes {stable_mosaic.version = 14 : i64} {
  func.func @scat(%arg0: i32, %arg1: i32, %arg2: memref<10240x128xf32, #tpu.memory_space<hbm>>, %arg3: memref<2x16x79x128xi32, #tpu.memory_space<hbm>>, %arg4: memref<2x16x79x128xi32, #tpu.memory_space<hbm>>, %arg5: memref<2x10240x128xf32, #tpu.memory_space<hbm>>, %arg6: memref<79x128xi32, #tpu.memory_space<vmem>>, %arg7: memref<79x128xi32, #tpu.memory_space<vmem>>, %arg8: memref<128x128xf32, #tpu.memory_space<vmem>>, %arg9: memref<64x128xf32, #tpu.memory_space<vmem>>, %arg10: memref<10240x128xf32, #tpu.memory_space<vmem_shared>>, %arg11: memref<!tpu.dma_semaphore, #tpu.memory_space<semaphore_mem>>) attributes {dimension_semantics = [#tpu.dimension_semantics<core_parallel>, #tpu.dimension_semantics<subcore_parallel>], iteration_bounds = array<i64: 2, 16>, scalar_prefetch = 0 : i64, scratch_operands = 6 : i64, tpu.core_type = #tpu.core_type<sc_vector_subcore>, window_params = [{transform_indices = #map}, {transform_indices = #map1}, {transform_indices = #map1}, {transform_indices = #map2}]} {
    "tpu.region"() ({
      %run_scoped3A = tpu.sem_alloc : memref<!tpu.dma_semaphore, #tpu.memory_space<semaphore_mem>>
      %dma_start3A = arith.constant 0 : i32
      %dma_start3A_20 = arith.constant 0 : i32
      %dma_start3A_21 = tpu.memref_slice %arg3[%arg0, %arg1, %dma_start3A, %dma_start3A_20] : memref<2x16x79x128xi32, #tpu.memory_space<hbm>> -> memref<1x1x79x128xi32, #tpu.memory_space<hbm>>
      %dma_start3A_22 = tpu.memref_squeeze %dma_start3A_21 : memref<1x1x79x128xi32, #tpu.memory_space<hbm>> -> memref<79x128xi32, #tpu.memory_space<hbm>>
      %dma_start3A_23 = arith.constant 0 : i32
      %dma_start3A_24 = arith.constant 0 : i32
      %dma_start3A_25 = tpu.memref_slice %arg3[%arg0, %arg1, %dma_start3A_23, %dma_start3A_24] : memref<2x16x79x128xi32, #tpu.memory_space<hbm>> -> memref<1x1x79x128xi32, #tpu.memory_space<hbm>>
      %dma_start3A_26 = tpu.memref_squeeze %dma_start3A_25 : memref<1x1x79x128xi32, #tpu.memory_space<hbm>> -> memref<79x128xi32, #tpu.memory_space<hbm>>
      tpu.enqueue_dma source(%dma_start3A_26 : memref<79x128xi32, #tpu.memory_space<hbm>>) target(%arg6 : memref<79x128xi32, #tpu.memory_space<vmem>>) target_semaphore(%run_scoped3A : memref<!tpu.dma_semaphore, #tpu.memory_space<semaphore_mem>>)
      %dma_wait3A = arith.constant 0 : i32
      %dma_wait3A_27 = arith.constant 0 : i32
      %dma_wait3A_28 = tpu.memref_slice %arg3[%arg0, %arg1, %dma_wait3A, %dma_wait3A_27] : memref<2x16x79x128xi32, #tpu.memory_space<hbm>> -> memref<1x1x79x128xi32, #tpu.memory_space<hbm>>
      %dma_wait3A_29 = tpu.memref_squeeze %dma_wait3A_28 : memref<1x1x79x128xi32, #tpu.memory_space<hbm>> -> memref<79x128xi32, #tpu.memory_space<hbm>>
      %dma_wait3A_30 = arith.constant 0 : i32
      %dma_wait3A_31 = arith.constant 0 : i32
      %dma_wait3A_32 = tpu.memref_slice %arg3[%arg0, %arg1, %dma_wait3A_30, %dma_wait3A_31] : memref<2x16x79x128xi32, #tpu.memory_space<hbm>> -> memref<1x1x79x128xi32, #tpu.memory_space<hbm>>
      %dma_wait3A_33 = tpu.memref_squeeze %dma_wait3A_32 : memref<1x1x79x128xi32, #tpu.memory_space<hbm>> -> memref<79x128xi32, #tpu.memory_space<hbm>>
      tpu.wait_dma2 semaphore(%run_scoped3A : memref<!tpu.dma_semaphore, #tpu.memory_space<semaphore_mem>>) src(%dma_wait3A_33 : memref<79x128xi32, #tpu.memory_space<hbm>>) dst(%arg6 : memref<79x128xi32, #tpu.memory_space<vmem>>)
      tpu.yield
    }) : () -> ()
    "tpu.region"() ({
      %run_scoped3A = tpu.sem_alloc : memref<!tpu.dma_semaphore, #tpu.memory_space<semaphore_mem>>
      %dma_start3A = arith.constant 0 : i32
      %dma_start3A_20 = arith.constant 0 : i32
      %dma_start3A_21 = tpu.memref_slice %arg4[%arg0, %arg1, %dma_start3A, %dma_start3A_20] : memref<2x16x79x128xi32, #tpu.memory_space<hbm>> -> memref<1x1x79x128xi32, #tpu.memory_space<hbm>>
      %dma_start3A_22 = tpu.memref_squeeze %dma_start3A_21 : memref<1x1x79x128xi32, #tpu.memory_space<hbm>> -> memref<79x128xi32, #tpu.memory_space<hbm>>
      %dma_start3A_23 = arith.constant 0 : i32
      %dma_start3A_24 = arith.constant 0 : i32
      %dma_start3A_25 = tpu.memref_slice %arg4[%arg0, %arg1, %dma_start3A_23, %dma_start3A_24] : memref<2x16x79x128xi32, #tpu.memory_space<hbm>> -> memref<1x1x79x128xi32, #tpu.memory_space<hbm>>
      %dma_start3A_26 = tpu.memref_squeeze %dma_start3A_25 : memref<1x1x79x128xi32, #tpu.memory_space<hbm>> -> memref<79x128xi32, #tpu.memory_space<hbm>>
      tpu.enqueue_dma source(%dma_start3A_26 : memref<79x128xi32, #tpu.memory_space<hbm>>) target(%arg7 : memref<79x128xi32, #tpu.memory_space<vmem>>) target_semaphore(%run_scoped3A : memref<!tpu.dma_semaphore, #tpu.memory_space<semaphore_mem>>)
      %dma_wait3A = arith.constant 0 : i32
      %dma_wait3A_27 = arith.constant 0 : i32
      %dma_wait3A_28 = tpu.memref_slice %arg4[%arg0, %arg1, %dma_wait3A, %dma_wait3A_27] : memref<2x16x79x128xi32, #tpu.memory_space<hbm>> -> memref<1x1x79x128xi32, #tpu.memory_space<hbm>>
      %dma_wait3A_29 = tpu.memref_squeeze %dma_wait3A_28 : memref<1x1x79x128xi32, #tpu.memory_space<hbm>> -> memref<79x128xi32, #tpu.memory_space<hbm>>
      %dma_wait3A_30 = arith.constant 0 : i32
      %dma_wait3A_31 = arith.constant 0 : i32
      %dma_wait3A_32 = tpu.memref_slice %arg4[%arg0, %arg1, %dma_wait3A_30, %dma_wait3A_31] : memref<2x16x79x128xi32, #tpu.memory_space<hbm>> -> memref<1x1x79x128xi32, #tpu.memory_space<hbm>>
      %dma_wait3A_33 = tpu.memref_squeeze %dma_wait3A_32 : memref<1x1x79x128xi32, #tpu.memory_space<hbm>> -> memref<79x128xi32, #tpu.memory_space<hbm>>
      tpu.wait_dma2 semaphore(%run_scoped3A : memref<!tpu.dma_semaphore, #tpu.memory_space<semaphore_mem>>) src(%dma_wait3A_33 : memref<79x128xi32, #tpu.memory_space<hbm>>) dst(%arg7 : memref<79x128xi32, #tpu.memory_space<vmem>>)
      tpu.yield
    }) : () -> ()
    %scan3A = arith.constant 0 : i32
    %scan3A_0 = arith.constant 64 : i32
    %scan3A_1 = arith.addi %scan3A, %scan3A_0 : i32
    %scan3A_2 = arith.constant 1 : i32
    scf.for %scan3A_20 = %scan3A to %scan3A_1 step %scan3A_2  : i32 {
      %broadcast_in_dim3A = arith.constant 0.000000e+00 : f32
      %broadcast_in_dim3A_21 = vector.broadcast %broadcast_in_dim3A : f32 to vector<16xf32>
      %swap3A = arith.index_cast %scan3A_20 : i32 to index
      %swap3A_22 = arith.constant 0 : index
      %swap3A_23 = tpu.vector_load %arg9[%swap3A, %swap3A_22] {strides = array<i32>} : memref<64x128xf32, #tpu.memory_space<vmem>>, vector<1x16xf32>,
      %swap3A_24 = vector.shape_cast %swap3A_23 : vector<1x16xf32> to vector<16xf32>
      %swap3A_25 = vector.shape_cast %broadcast_in_dim3A_21 : vector<16xf32> to vector<1x16xf32>
      tpu.vector_store %arg9[%swap3A, %swap3A_22], %swap3A_25 {strides = array<i32>} : memref<64x128xf32, #tpu.memory_space<vmem>>, vector<1x16xf32>,
      %broadcast_in_dim3A_26 = arith.constant 0.000000e+00 : f32
      %broadcast_in_dim3A_27 = vector.broadcast %broadcast_in_dim3A_26 : f32 to vector<16xf32>
      %swap3A_28 = arith.index_cast %scan3A_20 : i32 to index
      %swap3A_29 = arith.constant 16 : index
      %swap3A_30 = tpu.vector_load %arg9[%swap3A_28, %swap3A_29] {strides = array<i32>} : memref<64x128xf32, #tpu.memory_space<vmem>>, vector<1x16xf32>,
      %swap3A_31 = vector.shape_cast %swap3A_30 : vector<1x16xf32> to vector<16xf32>
      %swap3A_32 = vector.shape_cast %broadcast_in_dim3A_27 : vector<16xf32> to vector<1x16xf32>
      tpu.vector_store %arg9[%swap3A_28, %swap3A_29], %swap3A_32 {strides = array<i32>} : memref<64x128xf32, #tpu.memory_space<vmem>>, vector<1x16xf32>,
      %broadcast_in_dim3A_33 = arith.constant 0.000000e+00 : f32
      %broadcast_in_dim3A_34 = vector.broadcast %broadcast_in_dim3A_33 : f32 to vector<16xf32>
      %swap3A_35 = arith.index_cast %scan3A_20 : i32 to index
      %swap3A_36 = arith.constant 32 : index
      %swap3A_37 = tpu.vector_load %arg9[%swap3A_35, %swap3A_36] {strides = array<i32>} : memref<64x128xf32, #tpu.memory_space<vmem>>, vector<1x16xf32>,
      %swap3A_38 = vector.shape_cast %swap3A_37 : vector<1x16xf32> to vector<16xf32>
      %swap3A_39 = vector.shape_cast %broadcast_in_dim3A_34 : vector<16xf32> to vector<1x16xf32>
      tpu.vector_store %arg9[%swap3A_35, %swap3A_36], %swap3A_39 {strides = array<i32>} : memref<64x128xf32, #tpu.memory_space<vmem>>, vector<1x16xf32>,
      %broadcast_in_dim3A_40 = arith.constant 0.000000e+00 : f32
      %broadcast_in_dim3A_41 = vector.broadcast %broadcast_in_dim3A_40 : f32 to vector<16xf32>
      %swap3A_42 = arith.index_cast %scan3A_20 : i32 to index
      %swap3A_43 = arith.constant 48 : index
      %swap3A_44 = tpu.vector_load %arg9[%swap3A_42, %swap3A_43] {strides = array<i32>} : memref<64x128xf32, #tpu.memory_space<vmem>>, vector<1x16xf32>,
      %swap3A_45 = vector.shape_cast %swap3A_44 : vector<1x16xf32> to vector<16xf32>
      %swap3A_46 = vector.shape_cast %broadcast_in_dim3A_41 : vector<16xf32> to vector<1x16xf32>
      tpu.vector_store %arg9[%swap3A_42, %swap3A_43], %swap3A_46 {strides = array<i32>} : memref<64x128xf32, #tpu.memory_space<vmem>>, vector<1x16xf32>,
      %broadcast_in_dim3A_47 = arith.constant 0.000000e+00 : f32
      %broadcast_in_dim3A_48 = vector.broadcast %broadcast_in_dim3A_47 : f32 to vector<16xf32>
      %swap3A_49 = arith.index_cast %scan3A_20 : i32 to index
      %swap3A_50 = arith.constant 64 : index
      %swap3A_51 = tpu.vector_load %arg9[%swap3A_49, %swap3A_50] {strides = array<i32>} : memref<64x128xf32, #tpu.memory_space<vmem>>, vector<1x16xf32>,
      %swap3A_52 = vector.shape_cast %swap3A_51 : vector<1x16xf32> to vector<16xf32>
      %swap3A_53 = vector.shape_cast %broadcast_in_dim3A_48 : vector<16xf32> to vector<1x16xf32>
      tpu.vector_store %arg9[%swap3A_49, %swap3A_50], %swap3A_53 {strides = array<i32>} : memref<64x128xf32, #tpu.memory_space<vmem>>, vector<1x16xf32>,
      %broadcast_in_dim3A_54 = arith.constant 0.000000e+00 : f32
      %broadcast_in_dim3A_55 = vector.broadcast %broadcast_in_dim3A_54 : f32 to vector<16xf32>
      %swap3A_56 = arith.index_cast %scan3A_20 : i32 to index
      %swap3A_57 = arith.constant 80 : index
      %swap3A_58 = tpu.vector_load %arg9[%swap3A_56, %swap3A_57] {strides = array<i32>} : memref<64x128xf32, #tpu.memory_space<vmem>>, vector<1x16xf32>,
      %swap3A_59 = vector.shape_cast %swap3A_58 : vector<1x16xf32> to vector<16xf32>
      %swap3A_60 = vector.shape_cast %broadcast_in_dim3A_55 : vector<16xf32> to vector<1x16xf32>
      tpu.vector_store %arg9[%swap3A_56, %swap3A_57], %swap3A_60 {strides = array<i32>} : memref<64x128xf32, #tpu.memory_space<vmem>>, vector<1x16xf32>,
      %broadcast_in_dim3A_61 = arith.constant 0.000000e+00 : f32
      %broadcast_in_dim3A_62 = vector.broadcast %broadcast_in_dim3A_61 : f32 to vector<16xf32>
      %swap3A_63 = arith.index_cast %scan3A_20 : i32 to index
      %swap3A_64 = arith.constant 96 : index
      %swap3A_65 = tpu.vector_load %arg9[%swap3A_63, %swap3A_64] {strides = array<i32>} : memref<64x128xf32, #tpu.memory_space<vmem>>, vector<1x16xf32>,
      %swap3A_66 = vector.shape_cast %swap3A_65 : vector<1x16xf32> to vector<16xf32>
      %swap3A_67 = vector.shape_cast %broadcast_in_dim3A_62 : vector<16xf32> to vector<1x16xf32>
      tpu.vector_store %arg9[%swap3A_63, %swap3A_64], %swap3A_67 {strides = array<i32>} : memref<64x128xf32, #tpu.memory_space<vmem>>, vector<1x16xf32>,
      %broadcast_in_dim3A_68 = arith.constant 0.000000e+00 : f32
      %broadcast_in_dim3A_69 = vector.broadcast %broadcast_in_dim3A_68 : f32 to vector<16xf32>
      %swap3A_70 = arith.index_cast %scan3A_20 : i32 to index
      %swap3A_71 = arith.constant 112 : index
      %swap3A_72 = tpu.vector_load %arg9[%swap3A_70, %swap3A_71] {strides = array<i32>} : memref<64x128xf32, #tpu.memory_space<vmem>>, vector<1x16xf32>,
      %swap3A_73 = vector.shape_cast %swap3A_72 : vector<1x16xf32> to vector<16xf32>
      %swap3A_74 = vector.shape_cast %broadcast_in_dim3A_69 : vector<16xf32> to vector<1x16xf32>
      tpu.vector_store %arg9[%swap3A_70, %swap3A_71], %swap3A_74 {strides = array<i32>} : memref<64x128xf32, #tpu.memory_space<vmem>>, vector<1x16xf32>,
    }
    %scan3A_3 = arith.constant 64 : i32
    %scan3A_4 = arith.constant 0 : i32
    %scan3A_5 = arith.constant 10 : i32
    %scan3A_6 = arith.addi %scan3A_4, %scan3A_5 : i32
    %scan3A_7 = arith.constant 1 : i32
    scf.for %scan3A_20 = %scan3A_4 to %scan3A_6 step %scan3A_7  : i32 {
      %mul3A = arith.constant 640 : i32
      %mul3A_21 = arith.muli %arg1, %mul3A : i32
      %mul3A_22 = arith.constant 64 : i32
      %mul3A_23 = arith.muli %scan3A_20, %mul3A_22 : i32
      %add3A = arith.addi %mul3A_21, %mul3A_23 : i32
      "tpu.region"() ({
        %run_scoped3A = tpu.sem_alloc : memref<!tpu.dma_semaphore, #tpu.memory_space<semaphore_mem>>
        %dma_start3A = arith.constant 0 : i32
        %dma_start3A_24 = tpu.memref_slice %arg10[%add3A, %dma_start3A] : memref<10240x128xf32, #tpu.memory_space<vmem_shared>> -> memref<64x128xf32, #tpu.memory_space<vmem_shared>>
        %dma_start3A_25 = arith.constant 0 : i32
        %dma_start3A_26 = tpu.memref_slice %arg10[%add3A, %dma_start3A_25] : memref<10240x128xf32, #tpu.memory_space<vmem_shared>> -> memref<64x128xf32, #tpu.memory_space<vmem_shared>>
        tpu.enqueue_dma source(%arg9 : memref<64x128xf32, #tpu.memory_space<vmem>>) target(%dma_start3A_26 : memref<64x128xf32, #tpu.memory_space<vmem_shared>>) target_semaphore(%run_scoped3A : memref<!tpu.dma_semaphore, #tpu.memory_space<semaphore_mem>>)
        %dma_wait3A = arith.constant 0 : i32
        %dma_wait3A_27 = tpu.memref_slice %arg10[%add3A, %dma_wait3A] : memref<10240x128xf32, #tpu.memory_space<vmem_shared>> -> memref<64x128xf32, #tpu.memory_space<vmem_shared>>
        %dma_wait3A_28 = arith.constant 0 : i32
        %dma_wait3A_29 = tpu.memref_slice %arg10[%add3A, %dma_wait3A_28] : memref<10240x128xf32, #tpu.memory_space<vmem_shared>> -> memref<64x128xf32, #tpu.memory_space<vmem_shared>>
        tpu.wait_dma2 semaphore(%run_scoped3A : memref<!tpu.dma_semaphore, #tpu.memory_space<semaphore_mem>>) src(%arg9 : memref<64x128xf32, #tpu.memory_space<vmem>>) dst(%dma_wait3A_29 : memref<64x128xf32, #tpu.memory_space<vmem_shared>>)
        tpu.yield
      }) : () -> ()
    }
    %scan3A_8 = arith.constant 10 : i32
    %barrier3A = arith.constant 0 : index
    tpu.barrier barrier_id(%barrier3A)
    %scan3A_9 = arith.constant 0 : i32
    %scan3A_10 = arith.constant 79 : i32
    %scan3A_11 = arith.addi %scan3A_9, %scan3A_10 : i32
    %scan3A_12 = arith.constant 1 : i32
    scf.for %scan3A_20 = %scan3A_9 to %scan3A_11 step %scan3A_12  : i32 {
      %dma_start3A = arith.constant 0 : i32
      %dma_start3A_21 = arith.constant 0 : i32
      %dma_start3A_22 = tpu.memref_slice %arg8[%dma_start3A, %dma_start3A_21] : memref<128x128xf32, #tpu.memory_space<vmem>> -> memref<64x128xf32, #tpu.memory_space<vmem>>
      %dma_start3A_23 = arith.constant 0 : i32
      %dma_start3A_24 = tpu.memref_slice %arg6[%scan3A_20, %dma_start3A_23] : memref<79x128xi32, #tpu.memory_space<vmem>> -> memref<1x64xi32, #tpu.memory_space<vmem>>
      %dma_start3A_25 = tpu.memref_squeeze %dma_start3A_24 : memref<1x64xi32, #tpu.memory_space<vmem>> -> memref<64xi32, #tpu.memory_space<vmem>>
      %dma_start3A_26 = arith.constant 0 : i32
      %dma_start3A_27 = arith.constant 0 : i32
      %dma_start3A_28 = tpu.memref_slice %arg2[%dma_start3A_26, %dma_start3A_27] : memref<10240x128xf32, #tpu.memory_space<hbm>> -> memref<10240x128xf32, #tpu.memory_space<hbm>>
      tpu.enqueue_indirect_dma source(%dma_start3A_28 : memref<10240x128xf32, #tpu.memory_space<hbm>>) target(%dma_start3A_22 : memref<64x128xf32, #tpu.memory_space<vmem>>) offsets(%dma_start3A_25 : memref<64xi32, #tpu.memory_space<vmem>>) semaphore(%arg11 : memref<!tpu.dma_semaphore, #tpu.memory_space<semaphore_mem>>)
      %dma_start3A_29 = arith.constant 64 : i32
      %dma_start3A_30 = arith.constant 0 : i32
      %dma_start3A_31 = tpu.memref_slice %arg8[%dma_start3A_29, %dma_start3A_30] : memref<128x128xf32, #tpu.memory_space<vmem>> -> memref<64x128xf32, #tpu.memory_space<vmem>>
      %dma_start3A_32 = arith.constant 64 : i32
      %dma_start3A_33 = tpu.memref_slice %arg6[%scan3A_20, %dma_start3A_32] : memref<79x128xi32, #tpu.memory_space<vmem>> -> memref<1x64xi32, #tpu.memory_space<vmem>>
      %dma_start3A_34 = tpu.memref_squeeze %dma_start3A_33 : memref<1x64xi32, #tpu.memory_space<vmem>> -> memref<64xi32, #tpu.memory_space<vmem>>
      %dma_start3A_35 = arith.constant 0 : i32
      %dma_start3A_36 = arith.constant 0 : i32
      %dma_start3A_37 = tpu.memref_slice %arg2[%dma_start3A_35, %dma_start3A_36] : memref<10240x128xf32, #tpu.memory_space<hbm>> -> memref<10240x128xf32, #tpu.memory_space<hbm>>
      tpu.enqueue_indirect_dma source(%dma_start3A_37 : memref<10240x128xf32, #tpu.memory_space<hbm>>) target(%dma_start3A_31 : memref<64x128xf32, #tpu.memory_space<vmem>>) offsets(%dma_start3A_34 : memref<64xi32, #tpu.memory_space<vmem>>) semaphore(%arg11 : memref<!tpu.dma_semaphore, #tpu.memory_space<semaphore_mem>>)
      %dma_wait3A = arith.constant 0 : i32
      %dma_wait3A_38 = arith.constant 0 : i32
      %dma_wait3A_39 = tpu.memref_slice %arg8[%dma_wait3A, %dma_wait3A_38] : memref<128x128xf32, #tpu.memory_space<vmem>> -> memref<64x128xf32, #tpu.memory_space<vmem>>
      %dma_wait3A_40 = arith.constant 0 : i32
      %dma_wait3A_41 = tpu.memref_slice %arg6[%scan3A_20, %dma_wait3A_40] : memref<79x128xi32, #tpu.memory_space<vmem>> -> memref<1x64xi32, #tpu.memory_space<vmem>>
      %dma_wait3A_42 = tpu.memref_squeeze %dma_wait3A_41 : memref<1x64xi32, #tpu.memory_space<vmem>> -> memref<64xi32, #tpu.memory_space<vmem>>
      %dma_wait3A_43 = arith.constant 0 : i32
      %dma_wait3A_44 = arith.constant 0 : i32
      %dma_wait3A_45 = tpu.memref_slice %arg2[%dma_wait3A_43, %dma_wait3A_44] : memref<10240x128xf32, #tpu.memory_space<hbm>> -> memref<10240x128xf32, #tpu.memory_space<hbm>>
      tpu.wait_indirect_dma semaphore(%arg11 : memref<!tpu.dma_semaphore, #tpu.memory_space<semaphore_mem>>) src(%dma_wait3A_45 : memref<10240x128xf32, #tpu.memory_space<hbm>>) dst(%dma_wait3A_39 : memref<64x128xf32, #tpu.memory_space<vmem>>)
      %dma_wait3A_46 = arith.constant 64 : i32
      %dma_wait3A_47 = arith.constant 0 : i32
      %dma_wait3A_48 = tpu.memref_slice %arg8[%dma_wait3A_46, %dma_wait3A_47] : memref<128x128xf32, #tpu.memory_space<vmem>> -> memref<64x128xf32, #tpu.memory_space<vmem>>
      %dma_wait3A_49 = arith.constant 64 : i32
      %dma_wait3A_50 = tpu.memref_slice %arg6[%scan3A_20, %dma_wait3A_49] : memref<79x128xi32, #tpu.memory_space<vmem>> -> memref<1x64xi32, #tpu.memory_space<vmem>>
      %dma_wait3A_51 = tpu.memref_squeeze %dma_wait3A_50 : memref<1x64xi32, #tpu.memory_space<vmem>> -> memref<64xi32, #tpu.memory_space<vmem>>
      %dma_wait3A_52 = arith.constant 0 : i32
      %dma_wait3A_53 = arith.constant 0 : i32
      %dma_wait3A_54 = tpu.memref_slice %arg2[%dma_wait3A_52, %dma_wait3A_53] : memref<10240x128xf32, #tpu.memory_space<hbm>> -> memref<10240x128xf32, #tpu.memory_space<hbm>>
      tpu.wait_indirect_dma semaphore(%arg11 : memref<!tpu.dma_semaphore, #tpu.memory_space<semaphore_mem>>) src(%dma_wait3A_54 : memref<10240x128xf32, #tpu.memory_space<hbm>>) dst(%dma_wait3A_48 : memref<64x128xf32, #tpu.memory_space<vmem>>)
      "tpu.region"() ({
        %run_scoped3A = tpu.sem_alloc : memref<!tpu.dma_semaphore, #tpu.memory_space<semaphore_mem>>
        %dma_start3A_55 = arith.constant 0 : i32
        %dma_start3A_56 = tpu.memref_slice %arg7[%scan3A_20, %dma_start3A_55] : memref<79x128xi32, #tpu.memory_space<vmem>> -> memref<1x128xi32, #tpu.memory_space<vmem>>
        %dma_start3A_57 = tpu.memref_squeeze %dma_start3A_56 : memref<1x128xi32, #tpu.memory_space<vmem>> -> memref<128xi32, #tpu.memory_space<vmem>>
        %dma_start3A_58 = arith.constant 0 : i32
        %dma_start3A_59 = arith.constant 0 : i32
        %dma_start3A_60 = tpu.memref_slice %arg10[%dma_start3A_58, %dma_start3A_59] : memref<10240x128xf32, #tpu.memory_space<vmem_shared>> -> memref<10240x128xf32, #tpu.memory_space<vmem_shared>>
        tpu.enqueue_indirect_dma source(%arg8 : memref<128x128xf32, #tpu.memory_space<vmem>>) target(%dma_start3A_60 : memref<10240x128xf32, #tpu.memory_space<vmem_shared>>) offsets(%dma_start3A_57 : memref<128xi32, #tpu.memory_space<vmem>>) semaphore(%run_scoped3A : memref<!tpu.dma_semaphore, #tpu.memory_space<semaphore_mem>>) {add = true}
        %dma_wait3A_61 = arith.constant 0 : i32
        %dma_wait3A_62 = tpu.memref_slice %arg7[%scan3A_20, %dma_wait3A_61] : memref<79x128xi32, #tpu.memory_space<vmem>> -> memref<1x128xi32, #tpu.memory_space<vmem>>
        %dma_wait3A_63 = tpu.memref_squeeze %dma_wait3A_62 : memref<1x128xi32, #tpu.memory_space<vmem>> -> memref<128xi32, #tpu.memory_space<vmem>>
        %dma_wait3A_64 = arith.constant 0 : i32
        %dma_wait3A_65 = arith.constant 0 : i32
        %dma_wait3A_66 = tpu.memref_slice %arg10[%dma_wait3A_64, %dma_wait3A_65] : memref<10240x128xf32, #tpu.memory_space<vmem_shared>> -> memref<10240x128xf32, #tpu.memory_space<vmem_shared>>
        tpu.wait_indirect_dma semaphore(%run_scoped3A : memref<!tpu.dma_semaphore, #tpu.memory_space<semaphore_mem>>) src(%arg8 : memref<128x128xf32, #tpu.memory_space<vmem>>) dst(%dma_wait3A_66 : memref<10240x128xf32, #tpu.memory_space<vmem_shared>>)
        tpu.yield
      }) : () -> ()
    }
    %scan3A_13 = arith.constant 79 : i32
    %barrier3A_14 = arith.constant 0 : index
    tpu.barrier barrier_id(%barrier3A_14)
    %scan3A_15 = arith.constant 0 : i32
    %scan3A_16 = arith.constant 5 : i32
    %scan3A_17 = arith.addi %scan3A_15, %scan3A_16 : i32
    %scan3A_18 = arith.constant 1 : i32
    scf.for %scan3A_20 = %scan3A_15 to %scan3A_17 step %scan3A_18  : i32 {
      %mul3A = arith.constant 640 : i32
      %mul3A_21 = arith.muli %arg1, %mul3A : i32
      %mul3A_22 = arith.constant 128 : i32
      %mul3A_23 = arith.muli %scan3A_20, %mul3A_22 : i32
      %add3A = arith.addi %mul3A_21, %mul3A_23 : i32
      "tpu.region"() ({
        %run_scoped3A = tpu.sem_alloc : memref<!tpu.dma_semaphore, #tpu.memory_space<semaphore_mem>>
        %dma_start3A = arith.constant 0 : i32
        %dma_start3A_29 = tpu.memref_slice %arg10[%add3A, %dma_start3A] : memref<10240x128xf32, #tpu.memory_space<vmem_shared>> -> memref<128x128xf32, #tpu.memory_space<vmem_shared>>
        %dma_start3A_30 = arith.constant 0 : i32
        %dma_start3A_31 = tpu.memref_slice %arg10[%add3A, %dma_start3A_30] : memref<10240x128xf32, #tpu.memory_space<vmem_shared>> -> memref<128x128xf32, #tpu.memory_space<vmem_shared>>
        tpu.enqueue_dma source(%dma_start3A_31 : memref<128x128xf32, #tpu.memory_space<vmem_shared>>) target(%arg8 : memref<128x128xf32, #tpu.memory_space<vmem>>) target_semaphore(%run_scoped3A : memref<!tpu.dma_semaphore, #tpu.memory_space<semaphore_mem>>)
        %dma_wait3A = arith.constant 0 : i32
        %dma_wait3A_32 = tpu.memref_slice %arg10[%add3A, %dma_wait3A] : memref<10240x128xf32, #tpu.memory_space<vmem_shared>> -> memref<128x128xf32, #tpu.memory_space<vmem_shared>>
        %dma_wait3A_33 = arith.constant 0 : i32
        %dma_wait3A_34 = tpu.memref_slice %arg10[%add3A, %dma_wait3A_33] : memref<10240x128xf32, #tpu.memory_space<vmem_shared>> -> memref<128x128xf32, #tpu.memory_space<vmem_shared>>
        tpu.wait_dma2 semaphore(%run_scoped3A : memref<!tpu.dma_semaphore, #tpu.memory_space<semaphore_mem>>) src(%dma_wait3A_34 : memref<128x128xf32, #tpu.memory_space<vmem_shared>>) dst(%arg8 : memref<128x128xf32, #tpu.memory_space<vmem>>)
        tpu.yield
      }) : () -> ()
      %mul3A_24 = arith.constant 640 : i32
      %mul3A_25 = arith.muli %arg1, %mul3A_24 : i32
      %mul3A_26 = arith.constant 128 : i32
      %mul3A_27 = arith.muli %scan3A_20, %mul3A_26 : i32
      %add3A_28 = arith.addi %mul3A_25, %mul3A_27 : i32
      "tpu.region"() ({
        %run_scoped3A = tpu.sem_alloc : memref<!tpu.dma_semaphore, #tpu.memory_space<semaphore_mem>>
        %dma_start3A = arith.constant 0 : i32
        %dma_start3A_29 = tpu.memref_slice %arg5[%arg0, %add3A_28, %dma_start3A] : memref<2x10240x128xf32, #tpu.memory_space<hbm>> -> memref<1x128x128xf32, #tpu.memory_space<hbm>>
        %dma_start3A_30 = tpu.memref_squeeze %dma_start3A_29 : memref<1x128x128xf32, #tpu.memory_space<hbm>> -> memref<128x128xf32, #tpu.memory_space<hbm>>
        %dma_start3A_31 = arith.constant 0 : i32
        %dma_start3A_32 = tpu.memref_slice %arg5[%arg0, %add3A_28, %dma_start3A_31] : memref<2x10240x128xf32, #tpu.memory_space<hbm>> -> memref<1x128x128xf32, #tpu.memory_space<hbm>>
        %dma_start3A_33 = tpu.memref_squeeze %dma_start3A_32 : memref<1x128x128xf32, #tpu.memory_space<hbm>> -> memref<128x128xf32, #tpu.memory_space<hbm>>
        tpu.enqueue_dma source(%arg8 : memref<128x128xf32, #tpu.memory_space<vmem>>) target(%dma_start3A_33 : memref<128x128xf32, #tpu.memory_space<hbm>>) target_semaphore(%run_scoped3A : memref<!tpu.dma_semaphore, #tpu.memory_space<semaphore_mem>>)
        %dma_wait3A = arith.constant 0 : i32
        %dma_wait3A_34 = tpu.memref_slice %arg5[%arg0, %add3A_28, %dma_wait3A] : memref<2x10240x128xf32, #tpu.memory_space<hbm>> -> memref<1x128x128xf32, #tpu.memory_space<hbm>>
        %dma_wait3A_35 = tpu.memref_squeeze %dma_wait3A_34 : memref<1x128x128xf32, #tpu.memory_space<hbm>> -> memref<128x128xf32, #tpu.memory_space<hbm>>
        %dma_wait3A_36 = arith.constant 0 : i32
        %dma_wait3A_37 = tpu.memref_slice %arg5[%arg0, %add3A_28, %dma_wait3A_36] : memref<2x10240x128xf32, #tpu.memory_space<hbm>> -> memref<1x128x128xf32, #tpu.memory_space<hbm>>
        %dma_wait3A_38 = tpu.memref_squeeze %dma_wait3A_37 : memref<1x128x128xf32, #tpu.memory_space<hbm>> -> memref<128x128xf32, #tpu.memory_space<hbm>>
        tpu.wait_dma2 semaphore(%run_scoped3A : memref<!tpu.dma_semaphore, #tpu.memory_space<semaphore_mem>>) src(%arg8 : memref<128x128xf32, #tpu.memory_space<vmem>>) dst(%dma_wait3A_38 : memref<128x128xf32, #tpu.memory_space<hbm>>)
        tpu.yield
      }) : () -> ()
    }
    %scan3A_19 = arith.constant 5 : i32
    return
  }
}

module attributes {stable_mosaic.version = 14 : i64} {
  func.func @_mid_body(%arg0: i32, %arg1: memref<2x1280x128xf32, #tpu.memory_space<vmem>>, %arg2: memref<1280x128xf32, #tpu.memory_space<vmem>>, %arg3: memref<1280x1xf32, #tpu.memory_space<vmem>>, %arg4: memref<1x128xf32, #tpu.memory_space<vmem>>, %arg5: memref<128x128xf32, #tpu.memory_space<vmem>>, %arg6: memref<1280x128xf32, #tpu.memory_space<vmem>>) attributes {dimension_semantics = [#tpu.dimension_semantics<arbitrary>], iteration_bounds = array<i64: 8>, scalar_prefetch = 0 : i64, scratch_operands = 0 : i64, tpu.core_type = #tpu.core_type<tc>, window_params = [{transform_indices = @transform_0, window_bounds = array<i64: 2, 1280, 128>}, {transform_indices = @transform_1, window_bounds = array<i64: 1280, 128>}, {transform_indices = @transform_2, window_bounds = array<i64: 1280, 1>}, {pipeline_mode = #tpu.pipeline_mode<synchronous>, transform_indices = @transform_3, window_bounds = array<i64: 1, 128>}, {pipeline_mode = #tpu.pipeline_mode<synchronous>, transform_indices = @transform_4, window_bounds = array<i64: 128, 128>}, {transform_indices = @transform_5, window_bounds = array<i64: 1280, 128>}]} {
    %get3A = arith.constant 0 : index
    %get3A_0 = arith.constant 0 : index
    %get3A_1 = arith.constant 0 : index
    %get3A_2 = vector.load %arg1[%get3A, %get3A_0, %get3A_1] : memref<2x1280x128xf32, #tpu.memory_space<vmem>>, vector<1x1280x128xf32>
    %get3A_3 = vector.shape_cast %get3A_2 : vector<1x1280x128xf32> to vector<1280x128xf32>
    %get3A_4 = arith.constant 1 : index
    %get3A_5 = arith.constant 0 : index
    %get3A_6 = arith.constant 0 : index
    %get3A_7 = vector.load %arg1[%get3A_4, %get3A_5, %get3A_6] : memref<2x1280x128xf32, #tpu.memory_space<vmem>>, vector<1x1280x128xf32>
    %get3A_8 = vector.shape_cast %get3A_7 : vector<1x1280x128xf32> to vector<1280x128xf32>
    %add3A = arith.addf %get3A_3, %get3A_8 : vector<1280x128xf32>
    %get3A_9 = arith.constant 0 : index
    %get3A_10 = arith.constant 0 : index
    %get3A_11 = vector.load %arg2[%get3A_9, %get3A_10] : memref<1280x128xf32, #tpu.memory_space<vmem>>, vector<1280x128xf32>
    %add3A_12 = arith.addf %add3A, %get3A_11 : vector<1280x128xf32>
    %get3A_13 = arith.constant 0 : index
    %get3A_14 = arith.constant 0 : index
    %get3A_15 = vector.load %arg3[%get3A_13, %get3A_14] : memref<1280x1xf32, #tpu.memory_space<vmem>>, vector<1280x1xf32>
    %mul3A = vector.broadcast %get3A_15 : vector<1280x1xf32> to vector<1280x128xf32>
    %mul3A_16 = arith.mulf %add3A_12, %mul3A : vector<1280x128xf32>
    %get3A_17 = arith.constant 0 : index
    %get3A_18 = arith.constant 0 : index
    %get3A_19 = vector.load %arg4[%get3A_17, %get3A_18] : memref<1x128xf32, #tpu.memory_space<vmem>>, vector<1x128xf32>
    %add3A_20 = vector.broadcast %get3A_19 : vector<1x128xf32> to vector<1280x128xf32>
    %add3A_21 = arith.addf %mul3A_16, %add3A_20 : vector<1280x128xf32>
    %max3A = arith.constant 0.000000e+00 : f32
    %max3A_22 = vector.broadcast %max3A : f32 to vector<1280x128xf32>
    %max3A_23 = arith.maximumf %add3A_21, %max3A_22 : vector<1280x128xf32>
    %get3A_24 = arith.constant 0 : index
    %get3A_25 = arith.constant 0 : index
    %get3A_26 = vector.load %arg5[%get3A_24, %get3A_25] : memref<128x128xf32, #tpu.memory_space<vmem>>, vector<128x128xf32>
    %dot_general3A = arith.constant dense<0.000000e+00> : vector<1280x128xf32>
    %dot_general3A_27 = tpu.matmul %max3A_23, %get3A_26, %dot_general3A {dimension_numbers = #tpu.dot_dimension_numbers<[1], [0], [0], [1], [0, 0, 1, 1], [], []>, transpose_lhs_hint = false} : vector<1280x128xf32>, vector<128x128xf32>, vector<1280x128xf32> -> vector<1280x128xf32>
    %get3A_28 = arith.constant 0 : index
    %get3A_29 = arith.constant 0 : index
    %get3A_30 = vector.load %arg3[%get3A_28, %get3A_29] : memref<1280x1xf32, #tpu.memory_space<vmem>>, vector<1280x1xf32>
    %mul3A_31 = vector.broadcast %get3A_30 : vector<1280x1xf32> to vector<1280x128xf32>
    %mul3A_32 = arith.mulf %dot_general3A_27, %mul3A_31 : vector<1280x128xf32>
    %swap3A = arith.constant 0 : index
    %swap3A_33 = arith.constant 0 : index
    %swap3A_34 = vector.load %arg6[%swap3A, %swap3A_33] : memref<1280x128xf32, #tpu.memory_space<vmem>>, vector<1280x128xf32>
    tpu.vector_store %arg6[%swap3A, %swap3A_33], %mul3A_32 {strides = array<i32>} : memref<1280x128xf32, #tpu.memory_space<vmem>>, vector<1280x128xf32>,
    return
  }
  func.func @transform_0(%arg0: i32) -> (i32, i32, i32) {
    %c0_i32 = arith.constant 0 : i32
    %c0_i32_0 = arith.constant 0 : i32
    %c0_i32_1 = arith.constant 0 : i32
    return %c0_i32, %arg0, %c0_i32_0 : i32, i32, i32
  }
  func.func @transform_1(%arg0: i32) -> (i32, i32) {
    %c0_i32 = arith.constant 0 : i32
    %c0_i32_0 = arith.constant 0 : i32
    return %arg0, %c0_i32 : i32, i32
  }
  func.func @transform_2(%arg0: i32) -> (i32, i32) {
    %c0_i32 = arith.constant 0 : i32
    %c0_i32_0 = arith.constant 0 : i32
    return %arg0, %c0_i32 : i32, i32
  }
  func.func @transform_3(%arg0: i32) -> (i32, i32) {
    %c0_i32 = arith.constant 0 : i32
    %c0_i32_0 = arith.constant 0 : i32
    %c0_i32_1 = arith.constant 0 : i32
    return %c0_i32, %c0_i32_0 : i32, i32
  }
  func.func @transform_4(%arg0: i32) -> (i32, i32) {
    %c0_i32 = arith.constant 0 : i32
    %c0_i32_0 = arith.constant 0 : i32
    %c0_i32_1 = arith.constant 0 : i32
    return %c0_i32, %c0_i32_0 : i32, i32
  }
  func.func @transform_5(%arg0: i32) -> (i32, i32) {
    %c0_i32 = arith.constant 0 : i32
    %c0_i32_0 = arith.constant 0 : i32
    return %arg0, %c0_i32 : i32, i32
  }
}

module attributes {stable_mosaic.version = 14 : i64} {
  func.func @_prep_body(%arg0: i32, %arg1: memref<2x1280x1xf32, #tpu.memory_space<vmem>>, %arg2: memref<1280x128xf32, #tpu.memory_space<vmem>>, %arg3: memref<128x128xf32, #tpu.memory_space<vmem>>, %arg4: memref<1280x128xf32, #tpu.memory_space<vmem>>, %arg5: memref<1280x1xf32, #tpu.memory_space<vmem>>) attributes {dimension_semantics = [#tpu.dimension_semantics<arbitrary>], iteration_bounds = array<i64: 8>, scalar_prefetch = 0 : i64, scratch_operands = 0 : i64, tpu.core_type = #tpu.core_type<tc>, window_params = [{transform_indices = @transform_0, window_bounds = array<i64: 2, 1280, 1>}, {transform_indices = @transform_1, window_bounds = array<i64: 1280, 128>}, {pipeline_mode = #tpu.pipeline_mode<synchronous>, transform_indices = @transform_2, window_bounds = array<i64: 128, 128>}, {transform_indices = @transform_3, window_bounds = array<i64: 1280, 128>}, {transform_indices = @transform_4, window_bounds = array<i64: 1280, 1>}]} {
    %get3A = arith.constant 0 : index
    %get3A_0 = arith.constant 0 : index
    %get3A_1 = arith.constant 0 : index
    %get3A_2 = vector.load %arg1[%get3A, %get3A_0, %get3A_1] : memref<2x1280x1xf32, #tpu.memory_space<vmem>>, vector<2x1280x1xf32>
    %reduce_sum3A = arith.constant dense<0.000000e+00> : vector<1280x1xf32>
    %reduce_sum3A_3 = vector.multi_reduction <add>, %get3A_2, %reduce_sum3A [0] : vector<2x1280x1xf32> to vector<1280x1xf32>
    %gt3A = arith.constant 0.000000e+00 : f32
    %gt3A_4 = vector.broadcast %gt3A : f32 to vector<1280x1xf32>
    %gt3A_5 = arith.cmpf ogt, %reduce_sum3A_3, %gt3A_4 : vector<1280x1xf32>
    %rsqrt3A = math.rsqrt %reduce_sum3A_3 : vector<1280x1xf32>
    %jit3A = arith.constant 0.000000e+00 : f32
    %broadcast_in_dim3A = vector.broadcast %jit3A : f32 to vector<1280x1xf32>
    %select_n3A = arith.select %gt3A_5, %rsqrt3A, %broadcast_in_dim3A : vector<1280x1xi1>, vector<1280x1xf32>
    %get3A_6 = arith.constant 0 : index
    %get3A_7 = arith.constant 0 : index
    %get3A_8 = vector.load %arg2[%get3A_6, %get3A_7] : memref<1280x128xf32, #tpu.memory_space<vmem>>, vector<1280x128xf32>
    %get3A_9 = arith.constant 0 : index
    %get3A_10 = arith.constant 0 : index
    %get3A_11 = vector.load %arg3[%get3A_9, %get3A_10] : memref<128x128xf32, #tpu.memory_space<vmem>>, vector<128x128xf32>
    %dot_general3A = arith.constant dense<0.000000e+00> : vector<1280x128xf32>
    %dot_general3A_12 = tpu.matmul %get3A_8, %get3A_11, %dot_general3A {dimension_numbers = #tpu.dot_dimension_numbers<[1], [0], [0], [1], [0, 0, 1, 1], [], []>, transpose_lhs_hint = false} : vector<1280x128xf32>, vector<128x128xf32>, vector<1280x128xf32> -> vector<1280x128xf32>
    %mul3A = vector.broadcast %select_n3A : vector<1280x1xf32> to vector<1280x128xf32>
    %mul3A_13 = arith.mulf %dot_general3A_12, %mul3A : vector<1280x128xf32>
    %swap3A = arith.constant 0 : index
    %swap3A_14 = arith.constant 0 : index
    %swap3A_15 = vector.load %arg4[%swap3A, %swap3A_14] : memref<1280x128xf32, #tpu.memory_space<vmem>>, vector<1280x128xf32>
    tpu.vector_store %arg4[%swap3A, %swap3A_14], %mul3A_13 {strides = array<i32>} : memref<1280x128xf32, #tpu.memory_space<vmem>>, vector<1280x128xf32>,
    %swap3A_16 = arith.constant 0 : index
    %swap3A_17 = arith.constant 0 : index
    %swap3A_18 = vector.load %arg5[%swap3A_16, %swap3A_17] : memref<1280x1xf32, #tpu.memory_space<vmem>>, vector<1280x1xf32>
    tpu.vector_store %arg5[%swap3A_16, %swap3A_17], %select_n3A {strides = array<i32>} : memref<1280x1xf32, #tpu.memory_space<vmem>>, vector<1280x1xf32>,
    return
  }
  func.func @transform_0(%arg0: i32) -> (i32, i32, i32) {
    %c0_i32 = arith.constant 0 : i32
    %c0_i32_0 = arith.constant 0 : i32
    %c0_i32_1 = arith.constant 0 : i32
    return %c0_i32, %arg0, %c0_i32_0 : i32, i32, i32
  }
  func.func @transform_1(%arg0: i32) -> (i32, i32) {
    %c0_i32 = arith.constant 0 : i32
    %c0_i32_0 = arith.constant 0 : i32
    return %arg0, %c0_i32 : i32, i32
  }
  func.func @transform_2(%arg0: i32) -> (i32, i32) {
    %c0_i32 = arith.constant 0 : i32
    %c0_i32_0 = arith.constant 0 : i32
    %c0_i32_1 = arith.constant 0 : i32
    return %c0_i32, %c0_i32_0 : i32, i32
  }
  func.func @transform_3(%arg0: i32) -> (i32, i32) {
    %c0_i32 = arith.constant 0 : i32
    %c0_i32_0 = arith.constant 0 : i32
    return %arg0, %c0_i32 : i32, i32
  }
  func.func @transform_4(%arg0: i32) -> (i32, i32) {
    %c0_i32 = arith.constant 0 : i32
    %c0_i32_0 = arith.constant 0 : i32
    return %arg0, %c0_i32 : i32, i32
  }
}

module attributes {stable_mosaic.version = 14 : i64} {
  func.func @_post_body(%arg0: i32, %arg1: memref<2x1280x128xf32, #tpu.memory_space<vmem>>, %arg2: memref<1280x128xf32, #tpu.memory_space<vmem>>, %arg3: memref<1280x1xf32, #tpu.memory_space<vmem>>, %arg4: memref<1x128xf32, #tpu.memory_space<vmem>>, %arg5: memref<1280x128xf32, #tpu.memory_space<vmem>>) attributes {dimension_semantics = [#tpu.dimension_semantics<arbitrary>], iteration_bounds = array<i64: 8>, scalar_prefetch = 0 : i64, scratch_operands = 0 : i64, tpu.core_type = #tpu.core_type<tc>, window_params = [{transform_indices = @transform_0, window_bounds = array<i64: 2, 1280, 128>}, {transform_indices = @transform_1, window_bounds = array<i64: 1280, 128>}, {transform_indices = @transform_2, window_bounds = array<i64: 1280, 1>}, {pipeline_mode = #tpu.pipeline_mode<synchronous>, transform_indices = @transform_3, window_bounds = array<i64: 1, 128>}, {transform_indices = @transform_4, window_bounds = array<i64: 1280, 128>}]} {
    %get3A = arith.constant 0 : index
    %get3A_0 = arith.constant 0 : index
    %get3A_1 = arith.constant 0 : index
    %get3A_2 = vector.load %arg1[%get3A, %get3A_0, %get3A_1] : memref<2x1280x128xf32, #tpu.memory_space<vmem>>, vector<1x1280x128xf32>
    %get3A_3 = vector.shape_cast %get3A_2 : vector<1x1280x128xf32> to vector<1280x128xf32>
    %get3A_4 = arith.constant 1 : index
    %get3A_5 = arith.constant 0 : index
    %get3A_6 = arith.constant 0 : index
    %get3A_7 = vector.load %arg1[%get3A_4, %get3A_5, %get3A_6] : memref<2x1280x128xf32, #tpu.memory_space<vmem>>, vector<1x1280x128xf32>
    %get3A_8 = vector.shape_cast %get3A_7 : vector<1x1280x128xf32> to vector<1280x128xf32>
    %add3A = arith.addf %get3A_3, %get3A_8 : vector<1280x128xf32>
    %get3A_9 = arith.constant 0 : index
    %get3A_10 = arith.constant 0 : index
    %get3A_11 = vector.load %arg2[%get3A_9, %get3A_10] : memref<1280x128xf32, #tpu.memory_space<vmem>>, vector<1280x128xf32>
    %add3A_12 = arith.addf %add3A, %get3A_11 : vector<1280x128xf32>
    %get3A_13 = arith.constant 0 : index
    %get3A_14 = arith.constant 0 : index
    %get3A_15 = vector.load %arg3[%get3A_13, %get3A_14] : memref<1280x1xf32, #tpu.memory_space<vmem>>, vector<1280x1xf32>
    %mul3A = vector.broadcast %get3A_15 : vector<1280x1xf32> to vector<1280x128xf32>
    %mul3A_16 = arith.mulf %add3A_12, %mul3A : vector<1280x128xf32>
    %get3A_17 = arith.constant 0 : index
    %get3A_18 = arith.constant 0 : index
    %get3A_19 = vector.load %arg4[%get3A_17, %get3A_18] : memref<1x128xf32, #tpu.memory_space<vmem>>, vector<1x128xf32>
    %add3A_20 = vector.broadcast %get3A_19 : vector<1x128xf32> to vector<1280x128xf32>
    %add3A_21 = arith.addf %mul3A_16, %add3A_20 : vector<1280x128xf32>
    %swap3A = arith.constant 0 : index
    %swap3A_22 = arith.constant 0 : index
    %swap3A_23 = vector.load %arg5[%swap3A, %swap3A_22] : memref<1280x128xf32, #tpu.memory_space<vmem>>, vector<1280x128xf32>
    tpu.vector_store %arg5[%swap3A, %swap3A_22], %add3A_21 {strides = array<i32>} : memref<1280x128xf32, #tpu.memory_space<vmem>>, vector<1280x128xf32>,
    return
  }
  func.func @transform_0(%arg0: i32) -> (i32, i32, i32) {
    %c0_i32 = arith.constant 0 : i32
    %c0_i32_0 = arith.constant 0 : i32
    %c0_i32_1 = arith.constant 0 : i32
    return %c0_i32, %arg0, %c0_i32_0 : i32, i32, i32
  }
  func.func @transform_1(%arg0: i32) -> (i32, i32) {
    %c0_i32 = arith.constant 0 : i32
    %c0_i32_0 = arith.constant 0 : i32
    return %arg0, %c0_i32 : i32, i32
  }
  func.func @transform_2(%arg0: i32) -> (i32, i32) {
    %c0_i32 = arith.constant 0 : i32
    %c0_i32_0 = arith.constant 0 : i32
    return %arg0, %c0_i32 : i32, i32
  }
  func.func @transform_3(%arg0: i32) -> (i32, i32) {
    %c0_i32 = arith.constant 0 : i32
    %c0_i32_0 = arith.constant 0 : i32
    %c0_i32_1 = arith.constant 0 : i32
    return %c0_i32, %c0_i32_0 : i32, i32
  }
  func.func @transform_4(%arg0: i32) -> (i32, i32) {
    %c0_i32 = arith.constant 0 : i32
    %c0_i32_0 = arith.constant 0 : i32
    return %arg0, %c0_i32 : i32, i32
  }
}

</mosaic_0001>

<sc_bundles>
// kernel: kernel.10.cloned.1.call-start
scs
__scs_entry_jumppad:
0x0: {  	(pc) =	sbr.rel $0x88, $3  }
0x1: {  	(tag) =	ssettag $0x0;
	lr =	simm.s32 $0x1  }
0x2: {  	[smem:$0x3F99] =	sst lr;
	_ =	strace $0xD0000000  }
0x3: {  	_ = 	snop  }
0x4: {  	_ = 	snop  }
0x5: {  	_ = 	snop  }
0x6: {  	_ = 	snop  }
0x7: {  	_ = 	snop  }
__scs_overlays_trampoline_lowered:
0x8: {  	[smem:$0x3FA8] =	sst s0  }
0x9: {  	[smem:$0x3FA9] =	sst s1  }
0xa: {  	[smem:$0x3FAA] =	sst s2  }
0xb: {  	[smem:$0x3FAB] =	sst s3  }
0xc: {  	[smem:$0x3FAC] =	sst s4  }
0xd: {  	[smem:$0x3FAD] =	sst s5  }
0xe: {  	[smem:$0x3FAE] =	sst s6  }
0xf: {  	[smem:$0x3FAF] =	sst s7  }
0x10: {  	[smem:$0x3FB0] =	sst s8  }
0x11: {  	[smem:$0x3FB1] =	sst s9;
	s0 =	simm.s32 @!p0 $0x0  }
0x12: {  	s1 =	sld [smem:$0x3F97];
	s0 =	simm.s32 @p0 $0x1  }
0x13: {  	[smem:$0x3FB2] =	sst s0;
	s0 =	simm.s32 @!p1 $0x0  }
0x14: {  	s2 =	sld [smem:$0x3F96];
	s0 =	simm.s32 @p1 $0x1  }
0x15: {  	[smem:$0x3FB3] =	sst s0;
	s0 =	simm.s32 @!p2 $0x0  }
0x16: {  	s3 =	sld [smem:$0x3FDB];
	s0 =	simm.s32 @p2 $0x1  }
0x17: {  	s4 =	simm.s32 $0x1BF5;
	[smem:$0x3FB5] =	sst s0  }
0x18: {  	s0 =	sld [smem:$0x3F98];
	_ =	swait.ge [sflag:s4], $0x0  }
0x19: {  	s7 =	sld [smem:$0x3F99]  }
0x1a: {  	s8 =	sadd.s32 $0xFFFFE003, lr  }
0x1b: {  	s9 =	sadd.s32 $0xFFFFFEF7, lr;
	s5 =	simm.s32 $0xFFFFFFFF;
	p2 =	slt.u32 s8, $0xFFFFF086  }
0x1c: {  	p1 =	slt.u32 s9, $0xF7A;
	s5 =	simm.s32 @!p2 $0x0  }
0x1d: {  	s5 =	simm.s32 @p1 $0x1;
	p0 =	seq.s32 s7, s2  }
0x1e: {  	s7 =	smul.u32 @!p0 $0xF7A, s2;
	p2 =	seq.s32 @!p0 s5, $0x0  }
0x1f: {  	s9 =	smul.u32 $0xF7A, s1;
	s8 =	simm.s32 @!p0 $0x1BF5;
	p2 =	por !p2, p0  }
0x20: {  	[sflag:s8] =	ssyncset.s32 @!p0 $0xFFFFF086;
	s6 =	sadd.s32 @!p0 s3, s7;
	s7 =	simm.s32 @!p0 $0x108  }
0x21: {  	s3 =	sadd.s32 s3, s9;
	s6 =	sadd.s32 @!p0 $0x88, s6;
	s7 =	simm.s32 @p2 $0x1082  }
0x22: {  	[simem:s7], [sflag:s8] =	dma.local @!p0 [hbm:s6], $0xF7A  }
0x23: {  	s9 =	sor.u32 $0xD0000000, s2;
	s6 =	simm.s32 $0x108;
	_ =	swait.ge @!p0 [sflag:s8], $0x0  }
0x24: {  	s3 =	sadd.s32 $0x88, s3;
	s6 =	simm.s32 @!p1 $0x1082;
	[sflag:s4] =	ssyncset.s32 $0xFFFFF086  }
0x25: {  	[simem:s6], [sflag:s4] =	dma.local [hbm:s3], $0xF7A  }
0x26: {  	[smem:$0x3F99] =	sst s1;
	(tag) =	ssettag s2;
	_ =	strace s9  }
0x27: {  	s1 =	sld [smem:$0x3FA9]  }
0x28: {  	s2 =	sld [smem:$0x3FAA]  }
0x29: {  	s4 =	sld [smem:$0x3FAC]  }
0x2a: {  	p0 =	seq.s32 s5, $0x0;
	s5 =	sld [smem:$0x3FAD]  }
0x2b: {  	s6 =	sld [smem:$0x3FAE]  }
0x2c: {  	s7 =	sld [smem:$0x3FAF]  }
0x2d: {  	s3 =	simm.s32 $0x108;
	s8 =	sld [smem:$0x3FB0]  }
0x2e: {  	s3 =	simm.s32 @!p0 $0x1082;
	s9 =	sld [smem:$0x3FB1]  }
0x2f: {  	lr =	sadd.s32 s0, s3;
	s0 =	sld [smem:$0x3FA8]  }
0x30: {  	s3 =	sld [smem:$0x3FAB]  }
0x31: {  	[smem:$0x3FB4] =	sst s10  }
0x32: {  	s10 =	sld [smem:$0x3FB2];
	_ =	sdelay $0x3  }
0x33: {  	p0 =	seq.s32 s10, $0x1;
	s10 =	sld [smem:$0x3FB4];
	_ =	sdelay $0x3  }
0x34: {  	[smem:$0x3FB4] =	sst s10  }
0x35: {  	s10 =	sld [smem:$0x3FB3];
	_ =	sdelay $0x3  }
0x36: {  	p1 =	seq.s32 s10, $0x1;
	s10 =	sld [smem:$0x3FB4];
	_ =	sdelay $0x3  }
0x37: {  	[smem:$0x3FB4] =	sst s10  }
0x38: {  	s10 =	sld [smem:$0x3FB5]  }
0x39: {  	_ = 	snop;
	(pc) =	sbr.ind lr, $3  }
0x3a: {  	_ = 	snop  }
0x3b: {  	_ = 	snop  }
0x3c: {  	p2 =	seq.s32 s10, $0x1;
	s10 =	sld [smem:$0x3FB4]  }
0x3d: {  	_ =	shalt  }
0x3e: {  	_ =	shalt  }
0x3f: {  	_ =	shalt  }
0x40: {  	_ =	shalt  }
0x41: {  	_ =	shalt  }
0x42: {  	_ =	shalt  }
0x43: {  	_ =	shalt  }
0x44: {  	_ =	shalt  }
0x45: {  	_ =	shalt  }
0x46: {  	_ =	shalt  }
0x47: {  	_ =	shalt  }
0x48: {  	_ =	shalt  }
0x49: {  	_ =	shalt  }
0x4a: {  	_ =	shalt  }
0x4b: {  	_ =	shalt  }
0x4c: {  	_ =	shalt  }
0x4d: {  	_ =	shalt  }
0x4e: {  	_ =	shalt  }
0x4f: {  	_ =	shalt  }
0x50: {  	_ =	shalt  }
0x51: {  	_ =	shalt  }
0x52: {  	_ =	shalt  }
0x53: {  	_ =	shalt  }
0x54: {  	_ =	shalt  }
0x55: {  	_ =	shalt  }
0x56: {  	_ =	shalt  }
0x57: {  	_ =	shalt  }
0x58: {  	_ =	shalt  }
0x59: {  	_ =	shalt  }
0x5a: {  	_ =	shalt  }
0x5b: {  	_ =	shalt  }
0x5c: {  	_ =	shalt  }
0x5d: {  	_ =	shalt  }
0x5e: {  	_ =	shalt  }
0x5f: {  	_ =	shalt  }
0x60: {  	_ =	shalt  }
0x61: {  	_ =	shalt  }
0x62: {  	_ =	shalt  }
0x63: {  	_ =	shalt  }
0x64: {  	_ =	shalt  }
0x65: {  	_ =	shalt  }
0x66: {  	_ =	shalt  }
0x67: {  	_ =	shalt  }
0x68: {  	_ =	shalt  }
0x69: {  	_ =	shalt  }
0x6a: {  	_ =	shalt  }
0x6b: {  	_ =	shalt  }
0x6c: {  	_ =	shalt  }
0x6d: {  	_ =	shalt  }
0x6e: {  	_ =	shalt  }
0x6f: {  	_ =	shalt  }
0x70: {  	_ =	shalt  }
0x71: {  	_ =	shalt  }
0x72: {  	_ =	shalt  }
0x73: {  	_ =	shalt  }
0x74: {  	_ =	shalt  }
0x75: {  	_ =	shalt  }
0x76: {  	_ =	shalt  }
0x77: {  	_ =	shalt  }
0x78: {  	_ =	shalt  }
0x79: {  	_ =	shalt  }
0x7a: {  	_ =	shalt  }
0x7b: {  	_ =	shalt  }
0x7c: {  	_ =	shalt  }
0x7d: {  	_ =	shalt  }
0x7e: {  	_ =	shalt  }
0x7f: {  	_ =	shalt  }
0x80: {  	_ =	shalt  }
0x81: {  	_ =	shalt  }
0x82: {  	_ =	shalt  }
0x83: {  	_ =	shalt  }
0x84: {  	_ =	shalt  }
0x85: {  	_ =	shalt  }
0x86: {  	_ =	shalt  }
0x87: {  	_ =	shalt  }
.Lfunc_end0:
.L_simem_size_0:
called_computation_lowered:
.L_overlay_start_0:
0x88: {  	s2 =	sld [smem:$0x3FD9]  }
0x89: {  	s3 =	sld [smem:$0x3FFE];
	_ =	sdelay $0x1  }
0x8a: {  	s1 =	srdreg.scid  }
0x8b: {  	s0 =	sand.u32 $0x1, s1  }
0x8c: {  	s17 =	sshll.u32 s0, $0xA;
	s2 =	sadd.s32 s3, s2  }
0x8d: {  	s2 =	sadd.s32 s2, s17  }
0x8e: {  	[smem:$0x3FC0] =	sst s2  }
0x8f: {  	_ = 	snop  }
0x90: {  	s2 =	sld [smem:$0x3FD0];
	(tm) =	ssettm $0x1  }
0x91: {  	s18 =	sld [smem:$0x3FFB];
	_ =	sdelay $0x3  }
0x92: {  	_ =	strace s18  }
0x93: {  	s3 =	sld [smem:$0x3FFC];
	_ =	sdelay $0x3  }
0x94: {  	_ =	strace s3  }
0x95: {  	s3 =	sld [smem:$0x3FFD];
	_ =	sdelay $0x3  }
0x96: {  	_ =	strace s3  }
0x97: {  	_ =	strace $0x8FFFFFFF  }
0x98: {  	s19 =	sld [smem:$0x3FDB];
	_ =	sdelay $0x1  }
0x99: {  	s4 =	simm.s32 $_scs_section_size  }
0x9a: {  	s5 =	simm.s32 $_size__tile_overlayer_lowered;
	s6 =	simm.s32 $_tile_overlayer_lowered  }
0x9b: {  	s22 =	simm.s32 $0x1BFF;
	s21 =	sshll.u32 s6, $0x1;
	s3 =	sadd.s32 s4, s19  }
0x9c: {  	s7 =	simm.s32 $0x0;
	s20 =	sshll.u32 s5, $0x1;
	s5 =	sadd.s32 s21, s3  }
0x9d: {  	[timem:s7], [sflag:s22] =	dma.local [hbm:s5], s20  }
0x9e: {  	_ =	swait.ge [sflag:s22], s20  }
0x9f: {  	s4 =	ssub.s32 $0x0, s20;
	[sflag:s22] =	ssyncset.done $0x0  }
0xa0: {  	[sflag:s22] =	ssyncadd.s32 s4;
	_ =	sdelay $0x1  }
0xa1: {  	s23 =	simm.s32 $0x1B8B  }
0xa2: {  	_ =	swait.ge [sflag:s23], $0x1  }
0xa3: {  	[sflag:s23] =	ssyncset.done $0x0  }
0xa4: {  	s25 =	simm.s32 $0x1B8E;
	s24 =	sld [smem:$0x3FFE];
	[sflag:s23] =	ssyncadd.s32 $0xFFFFFFFF  }
0xa5: {  	s26 =	simm.s32 $execute0_lowered;
	[smem:$0x3FD2] =	sst s25  }
0xa6: {  	s5 =	sshll.u32 s26, $0x1;
	_ =	strace $0x80000046;
	[dreg:$0x1] =	wrdreg $0xFFFFFFFF  }
0xa7: {  	s28 =	simm.s32 $_size_execute0_lowered;
	s3 =	sadd.s32 s3, s5;
	[dreg:$0x0] =	wrdreg $0x0  }
0xa8: {  	s5 =	sshll.u32 s28, $0x1;
	[dreg:$0x2] =	wrdreg s3  }
0xa9: {  	[dreg:$0x3] =	wrdreg s5  }
0xaa: {  	[dreg:$0x4] =	wrdreg $0xC0  }
0xab: {  	_ =	task [dreg:s7], $0x5FFFF  }
0xac: {  	[dreg:$0x1] =	wrdreg $0xFFFFFFFF  }
0xad: {  	[dreg:$0x0] =	wrdreg $0x60  }
0xae: {  	[dreg:$0x2] =	wrdreg s2  }
0xaf: {  	[dreg:$0x3] =	wrdreg s24  }
0xb0: {  	[dreg:$0x4] =	wrdreg $0xAC000  }
0xb1: {  	[dreg:$0x5] =	wrdreg $0x9  }
0xb2: {  	_ =	task.clear_ibuf [dreg:s7], $0x6FFFF;
	_ =	strace $0x90000046  }
0xb3: {  	s29 =	simm.s32 $0x9;
	_ =	strace $0x80000048  }
0xb4: {  	_ =	swait.ge [sflag:s29], $0x1  }
0xb5: {  	[sflag:s29] =	ssyncadd.s32 $0xFFFFFFFF  }
0xb6: {  	_ =	strace $0x90000048  }
0xb7: {  	_ =	sfence  }
0xb8: {  	s30 =	sld [smem:$0x0];
	_ =	sdelay $0x2  }
0xb9: {  	s31 =	sshll.u32 s1, $0xD;
	s1 =	sshrl.u32 s1, $0x2  }
0xba: {  	s3 =	sand.u32 $0x4000, s31;
	s1 =	sadd.s32 s1, s30  }
0xbb: {  	s0 =	sor.u32 s3, s0;
	s1 =	sshll.u32 s1, $0x11  }
0xbc: {  	s0 =	sor.u32 s1, s0  }
0xbd: {  	s0 =	sadd.s32 $0x8F2B, s0  }
0xbe: {  	[sflag:s0] =	ssyncadd.remote.s32 $0x1  }
0xbf: {  	_ =	sfence.sel $0xFFFF  }
0xc0: {  	[dreg:$0x0] =	wrdreg $0xFFFFFFFF;
	(pc) =	sbr.abs _section_cstart, $3  }
0xc1: {  	[dreg:$0x1] =	wrdreg $0xFFFFFFFF  }
0xc2: {  	_ =	task.clear_ibuf [dreg:s7], $0x2FFFF;
	_ =	strace $0x9FFFFFFF  }
0xc3: {  	(tm) =	ssettm $0x7FFFFFFF  }
tec
execute0_lowered:
.L_overlay_start_1:
0x0: {  	(tag) =	ssettag $0x1  }
0x1: {  	s5 =	rddreg [dreg:$0x0]  }
0x2: {  	s6 =	rddreg [dreg:$0x1]  }
0x3: {  	s1 =	rddreg [dreg:$0x2]  }
0x4: {  	s2 =	srdreg.scid;
	s0 =	rddreg [dreg:$0x3]  }
0x5: {  	s3 =	simm.s32 $0x0;
	s24 =	simm.s32 $0x6C00;
	s7 =	sand.u32 $0x1, s2  }
0x6: {  	s25 =	simm.s32 $0x80;
	s2 =	stileid.u32;
	s8 =	smul.u32 $0x2C000, s7  }
0x7: {  	s26 =	simm.s32 $0x0;
	[smem:$0x7FF] =	sst s3;
	s9 =	smul.u32 $0x2C00, s2  }
0x8: {  	s4 =	sadd.s32 $0x3200, s6;
	s21 =	sadd.s32 $0x4200, s6;
	s28 =	smul.u32 $0x50000, s2  }
0x9: {  	s6 =	sadd.s32 $0x3A00, s6;
	s10 =	ssub.s32 $0x2, s7;
	s19 =	smul.u32 $0x140000, s7  }
0xa: {  	_ =	strace $0x80000047;
	s18 =	smul.u32 $0x14000, s2;
	s11 =	sshrl.u32 s10, $0x1  }
0xb: {  	s8 =	sadd.s32 s9, s8;
	s10 =	ssub.s32 s10, s11;
	s29 =	sshrl.u32 s28, $0x2  }
0xc: {  	s13 =	sadd.s32 s19, s18;
	s14 =	sadd.s32 $0x4000, s18;
	s16 =	sadd.s32 $0x8000, s18  }
0xd: {  	s20 =	sadd.s32 $0xC000, s18;
	s23 =	sadd.s32 $0x10000, s18;
	s8 =	sshrl.u32 s8, $0x3  }
0xe: {  	s7 =	sadd.s32 s29, s1;
	s13 =	sshrl.u32 s13, $0x3;
	s15 =	sadd.s32 s19, s14  }
0xf: {  	s14 =	sadd.s32 s14, s1;
	s17 =	sadd.s32 s19, s16;
	s16 =	sadd.s32 s16, s1  }
0x10: {  	s22 =	sadd.s32 s19, s20;
	s18 =	sadd.s32 s20, s1;
	s31 =	sadd.s32 s19, s23  }
0x11: {  	s20 =	sadd.s32 s23, s1;
	s23 =	simm.s32 $0x2C00;
	s5 =	sadd.s32 s5, s8  }
0x12: {  	s8 =	smax.u32 s10, $0x1;
	s9 =	sadd.s32 $0x4000, s7;
	s10 =	sadd.s32 $0x8000, s7  }
0x13: {  	s11 =	sadd.s32 $0xC000, s7;
	s12 =	sadd.s32 $0x10000, s7;
	s13 =	sadd.s32 s21, s13  }
0x14: {  	s15 =	sshrl.u32 s15, $0x3;
	s17 =	sshrl.u32 s17, $0x3;
	s30 =	sshrl.u32 s22, $0x3  }
0x15: {  	s22 =	sshrl.u32 s31, $0x3;
	s15 =	sadd.s32 s21, s15;
	s17 =	sadd.s32 s21, s17  }
0x16: {  	s19 =	sadd.s32 s21, s30;
	s21 =	sadd.s32 s21, s22;
	s22 =	simm.s32 $0x1  }
.LBB2_1:
0x17: {  	[tilespmem:s3], [sflag:$0x1] =	stream.linear.gather [hbm4b:s5+s3], $0x2880, $0x38;
	[tilespmem:$0x1EC00] =	vst v63  }
0x18: {  	_ =	swait.ge [sflag:s22], $0x2880  }
0x19: {  	[sflag:s22] =	ssyncset.done $0x0  }
0x1a: {  	[sflag:s22] =	ssyncadd.s32 $0xFFFFD780  }
0x1b: {  	[tilespmem:s23], [sflag:$0x1] =	stream.linear.gather [hbm4b:s4+s3], $0x4000, $0x38;
	[tilespmem:$0x1EC00] =	vst v63  }
0x1c: {  	_ =	swait.ge [sflag:s22], $0x4000  }
0x1d: {  	[sflag:s22] =	ssyncset.done $0x0  }
0x1e: {  	[sflag:s22] =	ssyncadd.s32 $0xFFFFC000  }
0x1f: {  	[tilespmem:s24], [sflag:$0x1] =	stream.linear.gather [hbm4b:s6+s3], $0x4000, $0x38;
	[tilespmem:$0x1EC00] =	vst v63  }
0x20: {  	_ =	swait.ge [sflag:s22], $0x4000  }
0x21: {  	[sflag:s22] =	ssyncset.done $0x0  }
0x22: {  	[sflag:s22] =	ssyncadd.s32 $0xFFFFC000  }
0x23: {  	[spmem:s7] =	stream.linear.scatter [tilespmem:s24], [sflag:$0x1], $0x4000, $0x38;
	[tilespmem:$0x1EC00] =	vst v63  }
0x24: {  	_ =	swait.ge [sflag:s22], $0x4000  }
0x25: {  	[sflag:s22] =	ssyncset.done $0x0  }
0x26: {  	[sflag:s22] =	ssyncadd.s32 $0xFFFFC000  }
0x27: {  	[spmem:s9] =	stream.linear.scatter [tilespmem:s24], [sflag:$0x1], $0x4000, $0x38;
	[tilespmem:$0x1EC00] =	vst v63  }
0x28: {  	_ =	swait.ge [sflag:s22], $0x4000  }
0x29: {  	[sflag:s22] =	ssyncset.done $0x0  }
0x2a: {  	[sflag:s22] =	ssyncadd.s32 $0xFFFFC000  }
0x2b: {  	[spmem:s10] =	stream.linear.scatter [tilespmem:s24], [sflag:$0x1], $0x4000, $0x38;
	[tilespmem:$0x1EC00] =	vst v63  }
0x2c: {  	_ =	swait.ge [sflag:s22], $0x4000  }
0x2d: {  	[sflag:s22] =	ssyncset.done $0x0  }
0x2e: {  	[sflag:s22] =	ssyncadd.s32 $0xFFFFC000  }
0x2f: {  	[spmem:s11] =	stream.linear.scatter [tilespmem:s24], [sflag:$0x1], $0x4000, $0x38;
	[tilespmem:$0x1EC00] =	vst v63  }
0x30: {  	_ =	swait.ge [sflag:s22], $0x4000  }
0x31: {  	[sflag:s22] =	ssyncset.done $0x0  }
0x32: {  	[sflag:s22] =	ssyncadd.s32 $0xFFFFC000  }
0x33: {  	[spmem:s12] =	stream.linear.scatter [tilespmem:s24], [sflag:$0x1], $0x4000, $0x38;
	[tilespmem:$0x1EC00] =	vst v63  }
0x34: {  	_ =	swait.ge [sflag:s22], $0x4000  }
0x35: {  	[sflag:s22] =	ssyncset.done $0x0  }
0x36: {  	[sflag:s22] =	ssyncadd.s32 $0xFFFFC000  }
0x37: {  	s28 =	simm.s32 $0x0;
	[bflag:$0x0] =	sbarrier.arrive $0xFFFF  }
0x38: {  	[spmem:s1] =	stream.indirect.scatter.add.f32 [tilespmem:s23], [sflag:$0x1], $0x80, s28, s25, $0xb8;
	[tilespmem:$0x1EC00] =	vst v63  }
0x39: {  	_ =	swait.ge [sflag:s22], $0x4000  }
0x3a: {  	s28 =	simm.s32 $0x200;
	[sflag:s22] =	ssyncset.done $0x0  }
.LBB2_2:
0x3b: {  	s29 =	sshra.s32 s28, $0x2;
	[sflag:s22] =	ssyncadd.s32 $0xFFFFC000;
	p0 =	sne.s32 s28, $0xA000  }
0x3c: {  	[spmem:s1] =	stream.indirect.scatter.add.f32 [tilespmem:s23], [sflag:$0x1], $0x80, s29, s25, $0xb8;
	[tilespmem:$0x1EC00] =	vst v63  }
.Ltmp0:
0x3d: {  	_ = 	snop;
	(pc) =	sbr.rel @p0 .LBB2_2-.Ltmp0, $4  }
0x3e: {  	_ = 	snop  }
0x3f: {  	s28 =	sadd.s32 $0x200, s28  }
0x40: {  	_ =	swait.ge [sflag:s22], $0x4000  }
0x41: {  	[sflag:s22] =	ssyncset.done $0x0  }
0x42: {  	[sflag:s22] =	ssyncadd.s32 $0xFFFFC000  }
0x43: {  	[bflag:$0x0] =	sbarrier.arrive $0xFFFF  }
0x44: {  	[tilespmem:s24], [sflag:$0x1] =	stream.linear.gather [spmem:s7], $0x4000, $0x38;
	[tilespmem:$0x1EC00] =	vst v63  }
0x45: {  	_ =	swait.ge [sflag:s22], $0x4000  }
0x46: {  	[sflag:s22] =	ssyncset.done $0x0  }
0x47: {  	[sflag:s22] =	ssyncadd.s32 $0xFFFFC000  }
0x48: {  	[hbm4b:s13+s3] =	stream.linear.scatter [tilespmem:s24], [sflag:$0x1], $0x4000, $0x38;
	[tilespmem:$0x1EC00] =	vst v63  }
0x49: {  	_ =	swait.ge [sflag:s22], $0x4000  }
0x4a: {  	[sflag:s22] =	ssyncset.done $0x0  }
0x4b: {  	[sflag:s22] =	ssyncadd.s32 $0xFFFFC000  }
0x4c: {  	[tilespmem:s24], [sflag:$0x1] =	stream.linear.gather [spmem:s14], $0x4000, $0x38;
	[tilespmem:$0x1EC00] =	vst v63  }
0x4d: {  	_ =	swait.ge [sflag:s22], $0x4000  }
0x4e: {  	[sflag:s22] =	ssyncset.done $0x0  }
0x4f: {  	[sflag:s22] =	ssyncadd.s32 $0xFFFFC000  }
0x50: {  	[hbm4b:s15+s3] =	stream.linear.scatter [tilespmem:s24], [sflag:$0x1], $0x4000, $0x38;
	[tilespmem:$0x1EC00] =	vst v63  }
0x51: {  	_ =	swait.ge [sflag:s22], $0x4000  }
0x52: {  	[sflag:s22] =	ssyncset.done $0x0  }
0x53: {  	[sflag:s22] =	ssyncadd.s32 $0xFFFFC000  }
0x54: {  	[tilespmem:s24], [sflag:$0x1] =	stream.linear.gather [spmem:s16], $0x4000, $0x38;
	[tilespmem:$0x1EC00] =	vst v63  }
0x55: {  	_ =	swait.ge [sflag:s22], $0x4000  }
0x56: {  	[sflag:s22] =	ssyncset.done $0x0  }
0x57: {  	[sflag:s22] =	ssyncadd.s32 $0xFFFFC000  }
0x58: {  	[hbm4b:s17+s3] =	stream.linear.scatter [tilespmem:s24], [sflag:$0x1], $0x4000, $0x38;
	[tilespmem:$0x1EC00] =	vst v63  }
0x59: {  	_ =	swait.ge [sflag:s22], $0x4000  }
0x5a: {  	[sflag:s22] =	ssyncset.done $0x0  }
0x5b: {  	[sflag:s22] =	ssyncadd.s32 $0xFFFFC000  }
0x5c: {  	[tilespmem:s24], [sflag:$0x1] =	stream.linear.gather [spmem:s18], $0x4000, $0x38;
	[tilespmem:$0x1EC00] =	vst v63  }
0x5d: {  	_ =	swait.ge [sflag:s22], $0x4000  }
0x5e: {  	[sflag:s22] =	ssyncset.done $0x0  }
0x5f: {  	[sflag:s22] =	ssyncadd.s32 $0xFFFFC000  }
0x60: {  	[hbm4b:s19+s3] =	stream.linear.scatter [tilespmem:s24], [sflag:$0x1], $0x4000, $0x38;
	[tilespmem:$0x1EC00] =	vst v63  }
0x61: {  	_ =	swait.ge [sflag:s22], $0x4000  }
0x62: {  	[sflag:s22] =	ssyncset.done $0x0  }
0x63: {  	[sflag:s22] =	ssyncadd.s32 $0xFFFFC000  }
0x64: {  	[tilespmem:s24], [sflag:$0x1] =	stream.linear.gather [spmem:s20], $0x4000, $0x38;
	[tilespmem:$0x1EC00] =	vst v63  }
0x65: {  	s26 =	sadd.s32 $0x1, s26;
	_ =	swait.ge [sflag:s22], $0x4000  }
0x66: {  	p0 =	sne.s32 s26, s8;
	[sflag:s22] =	ssyncset.done $0x0  }
.Ltmp1:
0x67: {  	[sflag:s22] =	ssyncadd.s32 $0xFFFFC000;
	(pc) =	sbr.rel @p0 .LBB2_1-.Ltmp1, $4  }
0x68: {  	[hbm4b:s21+s3] =	stream.linear.scatter [tilespmem:s24], [sflag:$0x1], $0x4000, $0x38;
	[tilespmem:$0x1EC00] =	vst v63  }
0x69: {  	_ =	swait.ge [sflag:s22], $0x4000  }
0x6a: {  	[sflag:s22] =	ssyncset.done $0x0  }
0x6b: {  	[sflag:s22] =	ssyncadd.s32 $0xFFFFC000  }
0x6c: {  	_ =	sfence.sel $0x180000  }
0x6d: {  	[bflag:$0x0] =	sbarrier.arrive $0xFFFF  }
0x6e: {  	p0 =	sne.s32 s2, $0x0;
	_ =	strace $0x90000047  }
0x6f: {  	s0 =	sadd.s32 @!p0 $0x100000, s0;
	[bflag:$0x2] =	sbarrier.arrive $0xFFFF  }
0x70: {  	[sflag:s0] =	ssyncadd.tile.s32 @!p0 $0x1;
	_ =	shalt  }
.Lfunc_end2:
_tile_overlayer_lowered:
.L_overlay_start_2:
0x71: {  	(tag) =	ssettag $0x2  }
0x72: {  	s0 =	rddreg [dreg:$0x0];
	s2 =	stileid.u32  }
0x73: {  	s1 =	rddreg [dreg:$0x1];
	p0 =	sne.s32 s2, $0x0  }
0x74: {  	s3 =	rddreg [dreg:$0x2];
	[bflag:$0x3] =	sbarrier.arrive $0xFFFF;
	s2 =	simm.s32 @!p0 $0x1C01  }
0x75: {  	[timem:s3], [sflag:s2] =	dma.local @!p0 [hbm:s0], s1  }
0x76: {  	s0 =	simm.s32 @!p0 $0x1  }
0x77: {  	_ =	swait.ge @!p0 [sflag:s0], s1  }
0x78: {  	s1 =	ssub.s32 @!p0 $0x0, s1;
	[sflag:s0] =	ssyncset.done @!p0 $0x0  }
0x79: {  	[sflag:s0] =	ssyncadd.s32 @!p0 s1  }
0x7a: {  	[bflag:$0x3] =	sbarrier.arrive $0xFFFF  }
0x7b: {  	_ =	shalt  }

// kernel: kernel.13.cloned.1.call-start
scs
__scs_entry_jumppad:
0x0: {  	(pc) =	sbr.rel $0x88, $3  }
0x1: {  	(tag) =	ssettag $0x0;
	lr =	simm.s32 $0x1  }
0x2: {  	[smem:$0x3F99] =	sst lr;
	_ =	strace $0xD0000000  }
0x3: {  	_ = 	snop  }
0x4: {  	_ = 	snop  }
0x5: {  	_ = 	snop  }
0x6: {  	_ = 	snop  }
0x7: {  	_ = 	snop  }
__scs_overlays_trampoline_lowered:
0x8: {  	[smem:$0x3FA8] =	sst s0  }
0x9: {  	[smem:$0x3FA9] =	sst s1  }
0xa: {  	[smem:$0x3FAA] =	sst s2  }
0xb: {  	[smem:$0x3FAB] =	sst s3  }
0xc: {  	[smem:$0x3FAC] =	sst s4  }
0xd: {  	[smem:$0x3FAD] =	sst s5  }
0xe: {  	[smem:$0x3FAE] =	sst s6  }
0xf: {  	[smem:$0x3FAF] =	sst s7  }
0x10: {  	[smem:$0x3FB0] =	sst s8  }
0x11: {  	[smem:$0x3FB1] =	sst s9;
	s0 =	simm.s32 @!p0 $0x0  }
0x12: {  	s1 =	sld [smem:$0x3F97];
	s0 =	simm.s32 @p0 $0x1  }
0x13: {  	[smem:$0x3FB2] =	sst s0;
	s0 =	simm.s32 @!p1 $0x0  }
0x14: {  	s2 =	sld [smem:$0x3F96];
	s0 =	simm.s32 @p1 $0x1  }
0x15: {  	[smem:$0x3FB3] =	sst s0;
	s0 =	simm.s32 @!p2 $0x0  }
0x16: {  	s3 =	sld [smem:$0x3FDB];
	s0 =	simm.s32 @p2 $0x1  }
0x17: {  	s4 =	simm.s32 $0x1BF5;
	[smem:$0x3FB5] =	sst s0  }
0x18: {  	s0 =	sld [smem:$0x3F98];
	_ =	swait.ge [sflag:s4], $0x0  }
0x19: {  	s7 =	sld [smem:$0x3F99]  }
0x1a: {  	s8 =	sadd.s32 $0xFFFFE003, lr  }
0x1b: {  	s9 =	sadd.s32 $0xFFFFFEF7, lr;
	s5 =	simm.s32 $0xFFFFFFFF;
	p2 =	slt.u32 s8, $0xFFFFF086  }
0x1c: {  	p1 =	slt.u32 s9, $0xF7A;
	s5 =	simm.s32 @!p2 $0x0  }
0x1d: {  	s5 =	simm.s32 @p1 $0x1;
	p0 =	seq.s32 s7, s2  }
0x1e: {  	s7 =	smul.u32 @!p0 $0xF7A, s2;
	p2 =	seq.s32 @!p0 s5, $0x0  }
0x1f: {  	s9 =	smul.u32 $0xF7A, s1;
	s8 =	simm.s32 @!p0 $0x1BF5;
	p2 =	por !p2, p0  }
0x20: {  	[sflag:s8] =	ssyncset.s32 @!p0 $0xFFFFF086;
	s6 =	sadd.s32 @!p0 s3, s7;
	s7 =	simm.s32 @!p0 $0x108  }
0x21: {  	s3 =	sadd.s32 s3, s9;
	s6 =	sadd.s32 @!p0 $0x88, s6;
	s7 =	simm.s32 @p2 $0x1082  }
0x22: {  	[simem:s7], [sflag:s8] =	dma.local @!p0 [hbm:s6], $0xF7A  }
0x23: {  	s9 =	sor.u32 $0xD0000000, s2;
	s6 =	simm.s32 $0x108;
	_ =	swait.ge @!p0 [sflag:s8], $0x0  }
0x24: {  	s3 =	sadd.s32 $0x88, s3;
	s6 =	simm.s32 @!p1 $0x1082;
	[sflag:s4] =	ssyncset.s32 $0xFFFFF086  }
0x25: {  	[simem:s6], [sflag:s4] =	dma.local [hbm:s3], $0xF7A  }
0x26: {  	[smem:$0x3F99] =	sst s1;
	(tag) =	ssettag s2;
	_ =	strace s9  }
0x27: {  	s1 =	sld [smem:$0x3FA9]  }
0x28: {  	s2 =	sld [smem:$0x3FAA]  }
0x29: {  	s4 =	sld [smem:$0x3FAC]  }
0x2a: {  	p0 =	seq.s32 s5, $0x0;
	s5 =	sld [smem:$0x3FAD]  }
0x2b: {  	s6 =	sld [smem:$0x3FAE]  }
0x2c: {  	s7 =	sld [smem:$0x3FAF]  }
0x2d: {  	s3 =	simm.s32 $0x108;
	s8 =	sld [smem:$0x3FB0]  }
0x2e: {  	s3 =	simm.s32 @!p0 $0x1082;
	s9 =	sld [smem:$0x3FB1]  }
0x2f: {  	lr =	sadd.s32 s0, s3;
	s0 =	sld [smem:$0x3FA8]  }
0x30: {  	s3 =	sld [smem:$0x3FAB]  }
0x31: {  	[smem:$0x3FB4] =	sst s10  }
0x32: {  	s10 =	sld [smem:$0x3FB2];
	_ =	sdelay $0x3  }
0x33: {  	p0 =	seq.s32 s10, $0x1;
	s10 =	sld [smem:$0x3FB4];
	_ =	sdelay $0x3  }
0x34: {  	[smem:$0x3FB4] =	sst s10  }
0x35: {  	s10 =	sld [smem:$0x3FB3];
	_ =	sdelay $0x3  }
0x36: {  	p1 =	seq.s32 s10, $0x1;
	s10 =	sld [smem:$0x3FB4];
	_ =	sdelay $0x3  }
0x37: {  	[smem:$0x3FB4] =	sst s10  }
0x38: {  	s10 =	sld [smem:$0x3FB5]  }
0x39: {  	_ = 	snop;
	(pc) =	sbr.ind lr, $3  }
0x3a: {  	_ = 	snop  }
0x3b: {  	_ = 	snop  }
0x3c: {  	p2 =	seq.s32 s10, $0x1;
	s10 =	sld [smem:$0x3FB4]  }
0x3d: {  	_ =	shalt  }
0x3e: {  	_ =	shalt  }
0x3f: {  	_ =	shalt  }
0x40: {  	_ =	shalt  }
0x41: {  	_ =	shalt  }
0x42: {  	_ =	shalt  }
0x43: {  	_ =	shalt  }
0x44: {  	_ =	shalt  }
0x45: {  	_ =	shalt  }
0x46: {  	_ =	shalt  }
0x47: {  	_ =	shalt  }
0x48: {  	_ =	shalt  }
0x49: {  	_ =	shalt  }
0x4a: {  	_ =	shalt  }
0x4b: {  	_ =	shalt  }
0x4c: {  	_ =	shalt  }
0x4d: {  	_ =	shalt  }
0x4e: {  	_ =	shalt  }
0x4f: {  	_ =	shalt  }
0x50: {  	_ =	shalt  }
0x51: {  	_ =	shalt  }
0x52: {  	_ =	shalt  }
0x53: {  	_ =	shalt  }
0x54: {  	_ =	shalt  }
0x55: {  	_ =	shalt  }
0x56: {  	_ =	shalt  }
0x57: {  	_ =	shalt  }
0x58: {  	_ =	shalt  }
0x59: {  	_ =	shalt  }
0x5a: {  	_ =	shalt  }
0x5b: {  	_ =	shalt  }
0x5c: {  	_ =	shalt  }
0x5d: {  	_ =	shalt  }
0x5e: {  	_ =	shalt  }
0x5f: {  	_ =	shalt  }
0x60: {  	_ =	shalt  }
0x61: {  	_ =	shalt  }
0x62: {  	_ =	shalt  }
0x63: {  	_ =	shalt  }
0x64: {  	_ =	shalt  }
0x65: {  	_ =	shalt  }
0x66: {  	_ =	shalt  }
0x67: {  	_ =	shalt  }
0x68: {  	_ =	shalt  }
0x69: {  	_ =	shalt  }
0x6a: {  	_ =	shalt  }
0x6b: {  	_ =	shalt  }
0x6c: {  	_ =	shalt  }
0x6d: {  	_ =	shalt  }
0x6e: {  	_ =	shalt  }
0x6f: {  	_ =	shalt  }
0x70: {  	_ =	shalt  }
0x71: {  	_ =	shalt  }
0x72: {  	_ =	shalt  }
0x73: {  	_ =	shalt  }
0x74: {  	_ =	shalt  }
0x75: {  	_ =	shalt  }
0x76: {  	_ =	shalt  }
0x77: {  	_ =	shalt  }
0x78: {  	_ =	shalt  }
0x79: {  	_ =	shalt  }
0x7a: {  	_ =	shalt  }
0x7b: {  	_ =	shalt  }
0x7c: {  	_ =	shalt  }
0x7d: {  	_ =	shalt  }
0x7e: {  	_ =	shalt  }
0x7f: {  	_ =	shalt  }
0x80: {  	_ =	shalt  }
0x81: {  	_ =	shalt  }
0x82: {  	_ =	shalt  }
0x83: {  	_ =	shalt  }
0x84: {  	_ =	shalt  }
0x85: {  	_ =	shalt  }
0x86: {  	_ =	shalt  }
0x87: {  	_ =	shalt  }
.Lfunc_end0:
.L_simem_size_0:
called_computation.1_lowered:
.L_overlay_start_0:
0x88: {  	s2 =	sld [smem:$0x3FD9]  }
0x89: {  	s3 =	sld [smem:$0x3FFE];
	_ =	sdelay $0x1  }
0x8a: {  	s1 =	srdreg.scid  }
0x8b: {  	s0 =	sand.u32 $0x1, s1  }
0x8c: {  	s16 =	sshll.u32 s0, $0xA;
	s2 =	sadd.s32 s3, s2  }
0x8d: {  	s2 =	sadd.s32 s2, s16  }
0x8e: {  	[smem:$0x3FC0] =	sst s2  }
0x8f: {  	_ = 	snop  }
0x90: {  	(tm) =	ssettm $0x1  }
0x91: {  	s17 =	sld [smem:$0x3FFB];
	_ =	sdelay $0x3  }
0x92: {  	_ =	strace s17  }
0x93: {  	s2 =	sld [smem:$0x3FFC];
	_ =	sdelay $0x3  }
0x94: {  	_ =	strace s2  }
0x95: {  	s2 =	sld [smem:$0x3FFD];
	_ =	sdelay $0x3  }
0x96: {  	_ =	strace s2  }
0x97: {  	_ =	strace $0x8FFFFFFF  }
0x98: {  	s18 =	sld [smem:$0x3FDB];
	_ =	sdelay $0x1  }
0x99: {  	s19 =	simm.s32 $_scs_section_size  }
0x9a: {  	s4 =	simm.s32 $_size__tile_overlayer_lowered;
	s5 =	simm.s32 $_tile_overlayer_lowered  }
0x9b: {  	s22 =	simm.s32 $0x1BFF;
	s21 =	sshll.u32 s5, $0x1;
	s2 =	sadd.s32 s19, s18  }
0x9c: {  	s6 =	simm.s32 $0x0;
	s20 =	sshll.u32 s4, $0x1;
	s4 =	sadd.s32 s21, s2  }
0x9d: {  	[timem:s6], [sflag:s22] =	dma.local [hbm:s4], s20  }
0x9e: {  	_ =	swait.ge [sflag:s22], s20  }
0x9f: {  	s3 =	ssub.s32 $0x0, s20;
	[sflag:s22] =	ssyncset.done $0x0  }
0xa0: {  	[sflag:s22] =	ssyncadd.s32 s3;
	_ =	sdelay $0x1  }
0xa1: {  	s23 =	simm.s32 $0x1B8B  }
0xa2: {  	_ =	swait.ge [sflag:s23], $0x1  }
0xa3: {  	[sflag:s23] =	ssyncset.done $0x0  }
0xa4: {  	s25 =	simm.s32 $0x1B8E;
	s24 =	sld [smem:$0x3FFE];
	[sflag:s23] =	ssyncadd.s32 $0xFFFFFFFF  }
0xa5: {  	s26 =	simm.s32 $execute0_lowered;
	[smem:$0x3FD2] =	sst s25  }
0xa6: {  	s4 =	sshll.u32 s26, $0x1;
	_ =	strace $0x80000049;
	[dreg:$0x1] =	wrdreg $0xFFFFFFFF  }
0xa7: {  	s28 =	simm.s32 $_size_execute0_lowered;
	s2 =	sadd.s32 s2, s4;
	[dreg:$0x0] =	wrdreg $0x0  }
0xa8: {  	s4 =	sshll.u32 s28, $0x1;
	[dreg:$0x2] =	wrdreg s2  }
0xa9: {  	[dreg:$0x3] =	wrdreg s4  }
0xaa: {  	[dreg:$0x4] =	wrdreg $0xC0  }
0xab: {  	_ =	task [dreg:s6], $0x5FFFF  }
0xac: {  	[dreg:$0x1] =	wrdreg $0xFFFFFFFF  }
0xad: {  	[dreg:$0x0] =	wrdreg $0x60  }
0xae: {  	[dreg:$0x2] =	wrdreg s24  }
0xaf: {  	[dreg:$0x3] =	wrdreg $0xB0000  }
0xb0: {  	[dreg:$0x4] =	wrdreg $0x9  }
0xb1: {  	_ =	task.clear_ibuf [dreg:s6], $0x5FFFF;
	_ =	strace $0x90000049  }
0xb2: {  	s29 =	simm.s32 $0x9;
	_ =	strace $0x8000004B  }
0xb3: {  	_ =	swait.ge [sflag:s29], $0x1  }
0xb4: {  	[sflag:s29] =	ssyncadd.s32 $0xFFFFFFFF  }
0xb5: {  	_ =	strace $0x9000004B  }
0xb6: {  	_ =	sfence  }
0xb7: {  	s30 =	sld [smem:$0x0];
	_ =	sdelay $0x2  }
0xb8: {  	s31 =	sshll.u32 s1, $0xD;
	s1 =	sshrl.u32 s1, $0x2  }
0xb9: {  	s3 =	sand.u32 $0x4000, s31;
	s1 =	sadd.s32 s1, s30  }
0xba: {  	s0 =	sor.u32 s3, s0;
	s1 =	sshll.u32 s1, $0x11  }
0xbb: {  	s0 =	sor.u32 s1, s0  }
0xbc: {  	s0 =	sadd.s32 $0x8F2B, s0  }
0xbd: {  	[sflag:s0] =	ssyncadd.remote.s32 $0x1  }
0xbe: {  	_ =	sfence.sel $0xFFFF  }
0xbf: {  	[dreg:$0x0] =	wrdreg $0xFFFFFFFF;
	(pc) =	sbr.abs _section_cstart, $3  }
0xc0: {  	[dreg:$0x1] =	wrdreg $0xFFFFFFFF  }
0xc1: {  	_ =	task.clear_ibuf [dreg:s6], $0x2FFFF;
	_ =	strace $0x9FFFFFFF  }
0xc2: {  	(tm) =	ssettm $0x7FFFFFFF  }
0xc3: {  	_ =	shalt  }
tec
execute0_lowered:
.L_overlay_start_1:
0x0: {  	(tag) =	ssettag $0x1  }
0x1: {  	s0 =	rddreg [dreg:$0x0]  }
0x2: {  	s1 =	rddreg [dreg:$0x1];
	s2 =	srdreg.scid  }
0x3: {  	s3 =	simm.s32 $0x0;
	s9 =	stileid.u32;
	s28 =	simm.s32 $0x2  }
0x4: {  	s30 =	simm.s32 $0x9000;
	s31 =	simm.s32 $0x40;
	s6 =	smul.u32 $0x2800, s9  }
0x5: {  	s29 =	simm.s32 $0x1;
	s2 =	sand.u32 $0x1, s2;
	s8 =	smul.u32 $0x50000, s9  }
0x6: {  	[smem:$0x7FF] =	sst s3;
	s4 =	sadd.s32 $0x3200, s0;
	s18 =	smul.u32 $0x14000, s9  }
0x7: {  	s5 =	smul.u32 $0x28000, s2;
	_ =	strace $0x8000004A;
	s15 =	ssub.s32 $0x2, s2  }
0x8: {  	s2 =	smul.u32 $0x140000, s2;
	s7 =	sshrl.u32 s15, $0x1;
	s17 =	sshrl.u32 s8, $0x2  }
0x9: {  	s22 =	sadd.s32 $0x4000, s18;
	s25 =	sadd.s32 $0x8000, s18;
	s26 =	sadd.s32 $0xC000, s18  }
0xa: {  	s5 =	sadd.s32 s6, s5;
	s6 =	ssub.s32 s15, s7;
	s7 =	sadd.s32 s17, s1  }
0xb: {  	s23 =	sadd.s32 s2, s18;
	s24 =	sadd.s32 s2, s22;
	s22 =	sadd.s32 s22, s1  }
0xc: {  	s5 =	sshrl.u32 s5, $0x3;
	s6 =	smax.u32 s6, $0x1;
	s19 =	sadd.s32 $0x2000, s7  }
0xd: {  	s20 =	sadd.s32 $0x4000, s7;
	s21 =	sadd.s32 $0x6000, s7;
	s12 =	sadd.s32 $0x8000, s7  }
0xe: {  	s13 =	sadd.s32 $0xA000, s7;
	s14 =	sadd.s32 $0xC000, s7;
	s8 =	sshrl.u32 s23, $0x3  }
0xf: {  	s9 =	sshrl.u32 s24, $0x3;
	s15 =	sadd.s32 $0xE000, s7;
	[dreg:$0x5] =	wrdreg s6  }
0x10: {  	s23 =	sadd.s32 s25, s1;
	s24 =	sadd.s32 s26, s1;
	[dreg:$0x6] =	wrdreg s19  }
0x11: {  	s5 =	sadd.s32 s5, s0;
	s0 =	sadd.s32 $0x68200, s0;
	[dreg:$0x7] =	wrdreg s20  }
0x12: {  	[dreg:$0x8] =	wrdreg s21;
	s19 =	sadd.s32 s2, s26;
	s21 =	sadd.s32 $0x10000, s7  }
0x13: {  	s26 =	sadd.s32 $0x12000, s7;
	s6 =	simm.s32 $0x0;
	s16 =	sadd.s32 $0x5E200, s5  }
0x14: {  	s5 =	sadd.s32 $0x54200, s5;
	s17 =	sadd.s32 s0, s9;
	[dreg:$0x3] =	wrdreg s16  }
0x15: {  	s19 =	sshrl.u32 s19, $0x3;
	[dreg:$0x4] =	wrdreg s5;
	s16 =	sadd.s32 s0, s8  }
0x16: {  	s5 =	sadd.s32 $0x10000, s18;
	s18 =	sadd.s32 s2, s25;
	s19 =	sadd.s32 s0, s19  }
0x17: {  	s2 =	sadd.s32 s2, s5;
	s18 =	sshrl.u32 s18, $0x3;
	s25 =	sadd.s32 s5, s1  }
0x18: {  	s5 =	simm.s32 $0x80;
	s2 =	sshrl.u32 s2, $0x3;
	s18 =	sadd.s32 s0, s18  }
0x19: {  	v0 =	vimm.f32 $0.0e+00;
	s20 =	sadd.s32 s0, s2;
	s0 =	simm.s32 $0x5000;
	s2 =	simm.s32 $0x7000  }
.LBB2_1:
0x1a: {  	s8 =	rddreg [dreg:$0x3]  }
0x1b: {  	[tilespmem:s3], [sflag:$0x2] =	stream.linear.gather [hbm4b:s8+s3], $0x2780, $0x38;
	[tilespmem:$0x1F000] =	vst v63  }
0x1c: {  	_ =	swait.ge [sflag:s28], $0x2780  }
0x1d: {  	[sflag:s28] =	ssyncset.done $0x0  }
0x1e: {  	s9 =	simm.s32 $0x2800;
	s11 =	rddreg [dreg:$0x4];
	[sflag:s28] =	ssyncadd.s32 $0xFFFFD880  }
0x1f: {  	[tilespmem:s9], [sflag:$0x2] =	stream.linear.gather [hbm4b:s11+s3], $0x2780, $0x38;
	[tilespmem:$0x1F000] =	vst v63  }
0x20: {  	_ =	swait.ge [sflag:s28], $0x2780  }
0x21: {  	[sflag:s28] =	ssyncset.done $0x0  }
0x22: {  	s8 =	simm.s32 $0x0;
	s9 =	simm.s32 $0x200;
	[sflag:s28] =	ssyncadd.s32 $0xFFFFD880  }
.LBB2_2:
0x23: {  	p0 =	sne.s32 s9, $0x7E00;
	[tilespmem:s8+$0x9070] =	vst v0  }
0x24: {  	[tilespmem:s8+$0x9000] =	vst v0  }
0x25: {  	[tilespmem:s8+$0x9010] =	vst v0  }
.Ltmp0:
0x26: {  	[tilespmem:s8+$0x9020] =	vst v0;
	(pc) =	sbr.rel @p0 .LBB2_2-.Ltmp0, $4  }
0x27: {  	[tilespmem:s8+$0x9030] =	vst v0  }
0x28: {  	[tilespmem:s8+$0x9040] =	vst v0  }
0x29: {  	[tilespmem:s8+$0x9050] =	vst v0  }
0x2a: {  	[tilespmem:s8+$0x9060] =	vst v0;
	s8 =	sshra.s32 s9, $0x2;
	s9 =	sadd.s32 $0x200, s9  }
0x2b: {  	[tilespmem:s8+$0x9070] =	vst v0  }
0x2c: {  	[tilespmem:s8+$0x9000] =	vst v0  }
0x2d: {  	[tilespmem:s8+$0x9010] =	vst v0  }
0x2e: {  	[tilespmem:s8+$0x9020] =	vst v0  }
0x2f: {  	[tilespmem:s8+$0x9030] =	vst v0  }
0x30: {  	[tilespmem:s8+$0x9040] =	vst v0  }
0x31: {  	[tilespmem:s8+$0x9050] =	vst v0  }
0x32: {  	[tilespmem:s8+$0x9060] =	vst v0  }
0x33: {  	[spmem:s7] =	stream.linear.scatter [tilespmem:s30], [sflag:$0x2], $0x2000, $0x38;
	[tilespmem:$0x1F000] =	vst v63  }
0x34: {  	_ =	swait.ge [sflag:s28], $0x2000  }
0x35: {  	[sflag:s28] =	ssyncset.done $0x0  }
0x36: {  	s9 =	rddreg [dreg:$0x6];
	[sflag:s28] =	ssyncadd.s32 $0xFFFFE000  }
0x37: {  	[spmem:s9] =	stream.linear.scatter [tilespmem:s30], [sflag:$0x2], $0x2000, $0x38;
	[tilespmem:$0x1F000] =	vst v63  }
0x38: {  	_ =	swait.ge [sflag:s28], $0x2000  }
0x39: {  	[sflag:s28] =	ssyncset.done $0x0  }
0x3a: {  	s10 =	rddreg [dreg:$0x7];
	[sflag:s28] =	ssyncadd.s32 $0xFFFFE000  }
0x3b: {  	[spmem:s10] =	stream.linear.scatter [tilespmem:s30], [sflag:$0x2], $0x2000, $0x38;
	[tilespmem:$0x1F000] =	vst v63  }
0x3c: {  	_ =	swait.ge [sflag:s28], $0x2000  }
0x3d: {  	[sflag:s28] =	ssyncset.done $0x0  }
0x3e: {  	s11 =	rddreg [dreg:$0x8];
	[sflag:s28] =	ssyncadd.s32 $0xFFFFE000  }
0x3f: {  	[spmem:s11] =	stream.linear.scatter [tilespmem:s30], [sflag:$0x2], $0x2000, $0x38;
	[tilespmem:$0x1F000] =	vst v63  }
0x40: {  	_ =	swait.ge [sflag:s28], $0x2000  }
0x41: {  	[sflag:s28] =	ssyncset.done $0x0  }
0x42: {  	[sflag:s28] =	ssyncadd.s32 $0xFFFFE000  }
0x43: {  	[spmem:s12] =	stream.linear.scatter [tilespmem:s30], [sflag:$0x2], $0x2000, $0x38;
	[tilespmem:$0x1F000] =	vst v63  }
0x44: {  	_ =	swait.ge [sflag:s28], $0x2000  }
0x45: {  	[sflag:s28] =	ssyncset.done $0x0  }
0x46: {  	[sflag:s28] =	ssyncadd.s32 $0xFFFFE000  }
0x47: {  	[spmem:s13] =	stream.linear.scatter [tilespmem:s30], [sflag:$0x2], $0x2000, $0x38;
	[tilespmem:$0x1F000] =	vst v63  }
0x48: {  	_ =	swait.ge [sflag:s28], $0x2000  }
0x49: {  	[sflag:s28] =	ssyncset.done $0x0  }
0x4a: {  	[sflag:s28] =	ssyncadd.s32 $0xFFFFE000  }
0x4b: {  	[spmem:s14] =	stream.linear.scatter [tilespmem:s30], [sflag:$0x2], $0x2000, $0x38;
	[tilespmem:$0x1F000] =	vst v63  }
0x4c: {  	_ =	swait.ge [sflag:s28], $0x2000  }
0x4d: {  	[sflag:s28] =	ssyncset.done $0x0  }
0x4e: {  	[sflag:s28] =	ssyncadd.s32 $0xFFFFE000  }
0x4f: {  	[spmem:s15] =	stream.linear.scatter [tilespmem:s30], [sflag:$0x2], $0x2000, $0x38;
	[tilespmem:$0x1F000] =	vst v63  }
0x50: {  	_ =	swait.ge [sflag:s28], $0x2000  }
0x51: {  	[sflag:s28] =	ssyncset.done $0x0  }
0x52: {  	[sflag:s28] =	ssyncadd.s32 $0xFFFFE000  }
0x53: {  	[spmem:s21] =	stream.linear.scatter [tilespmem:s30], [sflag:$0x2], $0x2000, $0x38;
	[tilespmem:$0x1F000] =	vst v63  }
0x54: {  	_ =	swait.ge [sflag:s28], $0x2000  }
0x55: {  	[sflag:s28] =	ssyncset.done $0x0  }
0x56: {  	[sflag:s28] =	ssyncadd.s32 $0xFFFFE000  }
0x57: {  	[spmem:s26] =	stream.linear.scatter [tilespmem:s30], [sflag:$0x2], $0x2000, $0x38;
	[tilespmem:$0x1F000] =	vst v63  }
0x58: {  	_ =	swait.ge [sflag:s28], $0x2000  }
0x59: {  	[sflag:s28] =	ssyncset.done $0x0  }
0x5a: {  	[sflag:s28] =	ssyncadd.s32 $0xFFFFE000  }
0x5b: {  	s9 =	simm.s32 $0x0;
	[bflag:$0x0] =	sbarrier.arrive $0xFFFF  }
0x5c: {  	[tilespmem:s0], [sflag:$0x1] =	stream.indirect.gather [hbm4b:s4+s31], $0x80, s9, s31, $0xb8;
	[tilespmem:$0x1F000] =	vst v63  }
0x5d: {  	s10 =	simm.s32 $0x40  }
0x5e: {  	[tilespmem:s2], [sflag:$0x1] =	stream.indirect.gather [hbm4b:s4+s31], $0x80, s10, s31, $0xb8;
	[tilespmem:$0x1F000] =	vst v63  }
0x5f: {  	_ =	swait.ge [sflag:s29], $0x2000  }
0x60: {  	[sflag:s29] =	ssyncset.done $0x0  }
0x61: {  	[sflag:s29] =	ssyncadd.s32 $0xFFFFE000  }
0x62: {  	_ =	swait.ge [sflag:s29], $0x2000  }
0x63: {  	[sflag:s29] =	ssyncset.done $0x0  }
0x64: {  	s11 =	simm.s32 $0x2800;
	[sflag:s29] =	ssyncadd.s32 $0xFFFFE000  }
0x65: {  	[spmem:s1] =	stream.indirect.scatter.add.f32 [tilespmem:s0], [sflag:$0x2], $0x80, s11, s5, $0xb8;
	[tilespmem:$0x1F000] =	vst v63  }
0x66: {  	_ =	swait.ge [sflag:s28], $0x4000  }
0x67: {  	s8 =	simm.s32 $0x200;
	s9 =	simm.s32 $0x400;
	[sflag:s28] =	ssyncset.done $0x0  }
.LBB2_4:
0x68: {  	s10 =	sshra.s32 s8, $0x2  }
0x69: {  	[sflag:s28] =	ssyncadd.s32 $0xFFFFC000;
	s8 =	smov.u32 s9;
	s11 =	sadd.s32 $0x200, s9  }
0x6a: {  	[tilespmem:s0], [sflag:$0x1] =	stream.indirect.gather [hbm4b:s4+s31], $0x80, s10, s31, $0xb8;
	[tilespmem:$0x1F000] =	vst v63  }
0x6b: {  	p0 =	sne.s32 s9, $0x9C00;
	s9 =	sadd.s32 $0x40, s10  }
0x6c: {  	[tilespmem:s2], [sflag:$0x1] =	stream.indirect.gather [hbm4b:s4+s31], $0x80, s9, s31, $0xb8;
	[tilespmem:$0x1F000] =	vst v63  }
0x6d: {  	_ =	swait.ge [sflag:s29], $0x2000  }
0x6e: {  	[sflag:s29] =	ssyncset.done $0x0  }
0x6f: {  	[sflag:s29] =	ssyncadd.s32 $0xFFFFE000  }
0x70: {  	_ =	swait.ge [sflag:s29], $0x2000  }
.Ltmp1:
0x71: {  	[sflag:s29] =	ssyncset.done $0x0;
	(pc) =	sbr.rel @p0 .LBB2_4-.Ltmp1, $4  }
0x72: {  	s9 =	sadd.s32 $0x2800, s10;
	[sflag:s29] =	ssyncadd.s32 $0xFFFFE000  }
0x73: {  	[spmem:s1] =	stream.indirect.scatter.add.f32 [tilespmem:s0], [sflag:$0x2], $0x80, s9, s5, $0xb8;
	[tilespmem:$0x1F000] =	vst v63  }
0x74: {  	_ =	swait.ge [sflag:s28], $0x4000  }
0x75: {  	s9 =	smov.u32 s11;
	[sflag:s28] =	ssyncset.done $0x0  }
0x76: {  	s8 =	sshra.s32 s8, $0x2;
	[sflag:s28] =	ssyncadd.s32 $0xFFFFC000  }
0x77: {  	[tilespmem:s0], [sflag:$0x1] =	stream.indirect.gather [hbm4b:s4+s31], $0x80, s8, s31, $0xb8;
	[tilespmem:$0x1F000] =	vst v63  }
0x78: {  	s9 =	sadd.s32 $0x40, s8  }
0x79: {  	[tilespmem:s2], [sflag:$0x1] =	stream.indirect.gather [hbm4b:s4+s31], $0x80, s9, s31, $0xb8;
	[tilespmem:$0x1F000] =	vst v63  }
0x7a: {  	_ =	swait.ge [sflag:s29], $0x2000  }
0x7b: {  	[sflag:s29] =	ssyncset.done $0x0  }
0x7c: {  	[sflag:s29] =	ssyncadd.s32 $0xFFFFE000  }
0x7d: {  	_ =	swait.ge [sflag:s29], $0x2000  }
0x7e: {  	[sflag:s29] =	ssyncset.done $0x0  }
0x7f: {  	s8 =	sadd.s32 $0x2800, s8;
	[sflag:s29] =	ssyncadd.s32 $0xFFFFE000  }
0x80: {  	[spmem:s1] =	stream.indirect.scatter.add.f32 [tilespmem:s0], [sflag:$0x2], $0x80, s8, s5, $0xb8;
	[tilespmem:$0x1F000] =	vst v63  }
0x81: {  	_ =	swait.ge [sflag:s28], $0x4000  }
0x82: {  	[sflag:s28] =	ssyncset.done $0x0  }
0x83: {  	[sflag:s28] =	ssyncadd.s32 $0xFFFFC000  }
0x84: {  	[bflag:$0x0] =	sbarrier.arrive $0xFFFF  }
0x85: {  	[tilespmem:s0], [sflag:$0x2] =	stream.linear.gather [spmem:s7], $0x4000, $0x38;
	[tilespmem:$0x1F000] =	vst v63  }
0x86: {  	_ =	swait.ge [sflag:s28], $0x4000  }
0x87: {  	[sflag:s28] =	ssyncset.done $0x0  }
0x88: {  	[sflag:s28] =	ssyncadd.s32 $0xFFFFC000  }
0x89: {  	[hbm4b:s16+s3] =	stream.linear.scatter [tilespmem:s0], [sflag:$0x2], $0x4000, $0x38;
	[tilespmem:$0x1F000] =	vst v63  }
0x8a: {  	_ =	swait.ge [sflag:s28], $0x4000  }
0x8b: {  	[sflag:s28] =	ssyncset.done $0x0  }
0x8c: {  	[sflag:s28] =	ssyncadd.s32 $0xFFFFC000  }
0x8d: {  	[tilespmem:s0], [sflag:$0x2] =	stream.linear.gather [spmem:s22], $0x4000, $0x38;
	[tilespmem:$0x1F000] =	vst v63  }
0x8e: {  	_ =	swait.ge [sflag:s28], $0x4000  }
0x8f: {  	[sflag:s28] =	ssyncset.done $0x0  }
0x90: {  	[sflag:s28] =	ssyncadd.s32 $0xFFFFC000  }
0x91: {  	[hbm4b:s17+s3] =	stream.linear.scatter [tilespmem:s0], [sflag:$0x2], $0x4000, $0x38;
	[tilespmem:$0x1F000] =	vst v63  }
0x92: {  	_ =	swait.ge [sflag:s28], $0x4000  }
0x93: {  	[sflag:s28] =	ssyncset.done $0x0  }
0x94: {  	[sflag:s28] =	ssyncadd.s32 $0xFFFFC000  }
0x95: {  	[tilespmem:s0], [sflag:$0x2] =	stream.linear.gather [spmem:s23], $0x4000, $0x38;
	[tilespmem:$0x1F000] =	vst v63  }
0x96: {  	_ =	swait.ge [sflag:s28], $0x4000  }
0x97: {  	[sflag:s28] =	ssyncset.done $0x0  }
0x98: {  	[sflag:s28] =	ssyncadd.s32 $0xFFFFC000  }
0x99: {  	[hbm4b:s18+s3] =	stream.linear.scatter [tilespmem:s0], [sflag:$0x2], $0x4000, $0x38;
	[tilespmem:$0x1F000] =	vst v63  }
0x9a: {  	_ =	swait.ge [sflag:s28], $0x4000  }
0x9b: {  	[sflag:s28] =	ssyncset.done $0x0  }
0x9c: {  	[sflag:s28] =	ssyncadd.s32 $0xFFFFC000  }
0x9d: {  	[tilespmem:s0], [sflag:$0x2] =	stream.linear.gather [spmem:s24], $0x4000, $0x38;
	[tilespmem:$0x1F000] =	vst v63  }
0x9e: {  	_ =	swait.ge [sflag:s28], $0x4000  }
0x9f: {  	[sflag:s28] =	ssyncset.done $0x0  }
0xa0: {  	[sflag:s28] =	ssyncadd.s32 $0xFFFFC000  }
0xa1: {  	[hbm4b:s19+s3] =	stream.linear.scatter [tilespmem:s0], [sflag:$0x2], $0x4000, $0x38;
	[tilespmem:$0x1F000] =	vst v63  }
0xa2: {  	_ =	swait.ge [sflag:s28], $0x4000  }
0xa3: {  	[sflag:s28] =	ssyncset.done $0x0  }
0xa4: {  	[sflag:s28] =	ssyncadd.s32 $0xFFFFC000  }
0xa5: {  	[tilespmem:s0], [sflag:$0x2] =	stream.linear.gather [spmem:s25], $0x4000, $0x38;
	[tilespmem:$0x1F000] =	vst v63  }
0xa6: {  	_ =	swait.ge [sflag:s28], $0x4000  }
0xa7: {  	[sflag:s28] =	ssyncset.done $0x0  }
0xa8: {  	[sflag:s28] =	ssyncadd.s32 $0xFFFFC000  }
0xa9: {  	[hbm4b:s20+s3] =	stream.linear.scatter [tilespmem:s0], [sflag:$0x2], $0x4000, $0x38;
	[tilespmem:$0x1F000] =	vst v63  }
0xaa: {  	_ =	swait.ge [sflag:s28], $0x4000  }
0xab: {  	s6 =	sadd.s32 $0x1, s6;
	s11 =	rddreg [dreg:$0x5]  }
0xac: {  	p0 =	sne.s32 s6, s11  }
.Ltmp2:
0xad: {  	_ = 	snop;
	(pc) =	sbr.rel @p0 .LBB2_1-.Ltmp2, $3  }
0xae: {  	_ =	sdelay $0x1  }
0xaf: {  	[sflag:s28] =	ssyncset.done $0x0  }
0xb0: {  	[sflag:s28] =	ssyncadd.s32 $0xFFFFC000  }
0xb1: {  	_ =	sfence.sel $0x180000  }
0xb2: {  	[bflag:$0x0] =	sbarrier.arrive $0xFFFF  }
0xb3: {  	_ =	strace $0x9000004A  }
0xb4: {  	s0 =	stileid.u32;
	[bflag:$0x2] =	sbarrier.arrive $0xFFFF  }
0xb5: {  	p0 =	sne.s32 s0, $0x0;
	s0 =	rddreg [dreg:$0x2]  }
0xb6: {  	s0 =	sadd.s32 @!p0 $0x100000, s0  }
0xb7: {  	[sflag:s0] =	ssyncadd.tile.s32 @!p0 $0x1;
	_ =	shalt  }
.Lfunc_end2:
_tile_overlayer_lowered:
.L_overlay_start_2:
0xb8: {  	(tag) =	ssettag $0x2  }
0xb9: {  	s0 =	rddreg [dreg:$0x0];
	s2 =	stileid.u32  }
0xba: {  	s1 =	rddreg [dreg:$0x1];
	p0 =	sne.s32 s2, $0x0  }
0xbb: {  	s3 =	rddreg [dreg:$0x2];
	[bflag:$0x3] =	sbarrier.arrive $0xFFFF;
	s2 =	simm.s32 @!p0 $0x1C02  }
0xbc: {  	[timem:s3], [sflag:s2] =	dma.local @!p0 [hbm:s0], s1  }
0xbd: {  	s0 =	simm.s32 @!p0 $0x2  }
0xbe: {  	_ =	swait.ge @!p0 [sflag:s0], s1  }
0xbf: {  	s1 =	ssub.s32 @!p0 $0x0, s1;
	[sflag:s0] =	ssyncset.done @!p0 $0x0  }
0xc0: {  	[sflag:s0] =	ssyncadd.s32 @!p0 s1  }
0xc1: {  	[bflag:$0x3] =	sbarrier.arrive $0xFFFF  }
0xc2: {  	_ =	shalt  }

// kernel: kernel.16.cloned.1.call-start
scs
__scs_entry_jumppad:
0x0: {  	(pc) =	sbr.rel $0x88, $3  }
0x1: {  	(tag) =	ssettag $0x0;
	lr =	simm.s32 $0x1  }
0x2: {  	[smem:$0x3F99] =	sst lr;
	_ =	strace $0xD0000000  }
0x3: {  	_ = 	snop  }
0x4: {  	_ = 	snop  }
0x5: {  	_ = 	snop  }
0x6: {  	_ = 	snop  }
0x7: {  	_ = 	snop  }
__scs_overlays_trampoline_lowered:
0x8: {  	[smem:$0x3FA8] =	sst s0  }
0x9: {  	[smem:$0x3FA9] =	sst s1  }
0xa: {  	[smem:$0x3FAA] =	sst s2  }
0xb: {  	[smem:$0x3FAB] =	sst s3  }
0xc: {  	[smem:$0x3FAC] =	sst s4  }
0xd: {  	[smem:$0x3FAD] =	sst s5  }
0xe: {  	[smem:$0x3FAE] =	sst s6  }
0xf: {  	[smem:$0x3FAF] =	sst s7  }
0x10: {  	[smem:$0x3FB0] =	sst s8  }
0x11: {  	[smem:$0x3FB1] =	sst s9;
	s0 =	simm.s32 @!p0 $0x0  }
0x12: {  	s1 =	sld [smem:$0x3F97];
	s0 =	simm.s32 @p0 $0x1  }
0x13: {  	[smem:$0x3FB2] =	sst s0;
	s0 =	simm.s32 @!p1 $0x0  }
0x14: {  	s2 =	sld [smem:$0x3F96];
	s0 =	simm.s32 @p1 $0x1  }
0x15: {  	[smem:$0x3FB3] =	sst s0;
	s0 =	simm.s32 @!p2 $0x0  }
0x16: {  	s3 =	sld [smem:$0x3FDB];
	s0 =	simm.s32 @p2 $0x1  }
0x17: {  	s4 =	simm.s32 $0x1BF5;
	[smem:$0x3FB5] =	sst s0  }
0x18: {  	s0 =	sld [smem:$0x3F98];
	_ =	swait.ge [sflag:s4], $0x0  }
0x19: {  	s7 =	sld [smem:$0x3F99]  }
0x1a: {  	s8 =	sadd.s32 $0xFFFFE003, lr  }
0x1b: {  	s9 =	sadd.s32 $0xFFFFFEF7, lr;
	s5 =	simm.s32 $0xFFFFFFFF;
	p2 =	slt.u32 s8, $0xFFFFF086  }
0x1c: {  	p1 =	slt.u32 s9, $0xF7A;
	s5 =	simm.s32 @!p2 $0x0  }
0x1d: {  	s5 =	simm.s32 @p1 $0x1;
	p0 =	seq.s32 s7, s2  }
0x1e: {  	s7 =	smul.u32 @!p0 $0xF7A, s2;
	p2 =	seq.s32 @!p0 s5, $0x0  }
0x1f: {  	s9 =	smul.u32 $0xF7A, s1;
	s8 =	simm.s32 @!p0 $0x1BF5;
	p2 =	por !p2, p0  }
0x20: {  	[sflag:s8] =	ssyncset.s32 @!p0 $0xFFFFF086;
	s6 =	sadd.s32 @!p0 s3, s7;
	s7 =	simm.s32 @!p0 $0x108  }
0x21: {  	s3 =	sadd.s32 s3, s9;
	s6 =	sadd.s32 @!p0 $0x88, s6;
	s7 =	simm.s32 @p2 $0x1082  }
0x22: {  	[simem:s7], [sflag:s8] =	dma.local @!p0 [hbm:s6], $0xF7A  }
0x23: {  	s9 =	sor.u32 $0xD0000000, s2;
	s6 =	simm.s32 $0x108;
	_ =	swait.ge @!p0 [sflag:s8], $0x0  }
0x24: {  	s3 =	sadd.s32 $0x88, s3;
	s6 =	simm.s32 @!p1 $0x1082;
	[sflag:s4] =	ssyncset.s32 $0xFFFFF086  }
0x25: {  	[simem:s6], [sflag:s4] =	dma.local [hbm:s3], $0xF7A  }
0x26: {  	[smem:$0x3F99] =	sst s1;
	(tag) =	ssettag s2;
	_ =	strace s9  }
0x27: {  	s1 =	sld [smem:$0x3FA9]  }
0x28: {  	s2 =	sld [smem:$0x3FAA]  }
0x29: {  	s4 =	sld [smem:$0x3FAC]  }
0x2a: {  	p0 =	seq.s32 s5, $0x0;
	s5 =	sld [smem:$0x3FAD]  }
0x2b: {  	s6 =	sld [smem:$0x3FAE]  }
0x2c: {  	s7 =	sld [smem:$0x3FAF]  }
0x2d: {  	s3 =	simm.s32 $0x108;
	s8 =	sld [smem:$0x3FB0]  }
0x2e: {  	s3 =	simm.s32 @!p0 $0x1082;
	s9 =	sld [smem:$0x3FB1]  }
0x2f: {  	lr =	sadd.s32 s0, s3;
	s0 =	sld [smem:$0x3FA8]  }
0x30: {  	s3 =	sld [smem:$0x3FAB]  }
0x31: {  	[smem:$0x3FB4] =	sst s10  }
0x32: {  	s10 =	sld [smem:$0x3FB2];
	_ =	sdelay $0x3  }
0x33: {  	p0 =	seq.s32 s10, $0x1;
	s10 =	sld [smem:$0x3FB4];
	_ =	sdelay $0x3  }
0x34: {  	[smem:$0x3FB4] =	sst s10  }
0x35: {  	s10 =	sld [smem:$0x3FB3];
	_ =	sdelay $0x3  }
0x36: {  	p1 =	seq.s32 s10, $0x1;
	s10 =	sld [smem:$0x3FB4];
	_ =	sdelay $0x3  }
0x37: {  	[smem:$0x3FB4] =	sst s10  }
0x38: {  	s10 =	sld [smem:$0x3FB5]  }
0x39: {  	_ = 	snop;
	(pc) =	sbr.ind lr, $3  }
0x3a: {  	_ = 	snop  }
0x3b: {  	_ = 	snop  }
0x3c: {  	p2 =	seq.s32 s10, $0x1;
	s10 =	sld [smem:$0x3FB4]  }
0x3d: {  	_ =	shalt  }
0x3e: {  	_ =	shalt  }
0x3f: {  	_ =	shalt  }
0x40: {  	_ =	shalt  }
0x41: {  	_ =	shalt  }
0x42: {  	_ =	shalt  }
0x43: {  	_ =	shalt  }
0x44: {  	_ =	shalt  }
0x45: {  	_ =	shalt  }
0x46: {  	_ =	shalt  }
0x47: {  	_ =	shalt  }
0x48: {  	_ =	shalt  }
0x49: {  	_ =	shalt  }
0x4a: {  	_ =	shalt  }
0x4b: {  	_ =	shalt  }
0x4c: {  	_ =	shalt  }
0x4d: {  	_ =	shalt  }
0x4e: {  	_ =	shalt  }
0x4f: {  	_ =	shalt  }
0x50: {  	_ =	shalt  }
0x51: {  	_ =	shalt  }
0x52: {  	_ =	shalt  }
0x53: {  	_ =	shalt  }
0x54: {  	_ =	shalt  }
0x55: {  	_ =	shalt  }
0x56: {  	_ =	shalt  }
0x57: {  	_ =	shalt  }
0x58: {  	_ =	shalt  }
0x59: {  	_ =	shalt  }
0x5a: {  	_ =	shalt  }
0x5b: {  	_ =	shalt  }
0x5c: {  	_ =	shalt  }
0x5d: {  	_ =	shalt  }
0x5e: {  	_ =	shalt  }
0x5f: {  	_ =	shalt  }
0x60: {  	_ =	shalt  }
0x61: {  	_ =	shalt  }
0x62: {  	_ =	shalt  }
0x63: {  	_ =	shalt  }
0x64: {  	_ =	shalt  }
0x65: {  	_ =	shalt  }
0x66: {  	_ =	shalt  }
0x67: {  	_ =	shalt  }
0x68: {  	_ =	shalt  }
0x69: {  	_ =	shalt  }
0x6a: {  	_ =	shalt  }
0x6b: {  	_ =	shalt  }
0x6c: {  	_ =	shalt  }
0x6d: {  	_ =	shalt  }
0x6e: {  	_ =	shalt  }
0x6f: {  	_ =	shalt  }
0x70: {  	_ =	shalt  }
0x71: {  	_ =	shalt  }
0x72: {  	_ =	shalt  }
0x73: {  	_ =	shalt  }
0x74: {  	_ =	shalt  }
0x75: {  	_ =	shalt  }
0x76: {  	_ =	shalt  }
0x77: {  	_ =	shalt  }
0x78: {  	_ =	shalt  }
0x79: {  	_ =	shalt  }
0x7a: {  	_ =	shalt  }
0x7b: {  	_ =	shalt  }
0x7c: {  	_ =	shalt  }
0x7d: {  	_ =	shalt  }
0x7e: {  	_ =	shalt  }
0x7f: {  	_ =	shalt  }
0x80: {  	_ =	shalt  }
0x81: {  	_ =	shalt  }
0x82: {  	_ =	shalt  }
0x83: {  	_ =	shalt  }
0x84: {  	_ =	shalt  }
0x85: {  	_ =	shalt  }
0x86: {  	_ =	shalt  }
0x87: {  	_ =	shalt  }
.Lfunc_end0:
.L_simem_size_0:
called_computation.2_lowered:
.L_overlay_start_0:
0x88: {  	s2 =	sld [smem:$0x3FD9]  }
0x89: {  	s3 =	sld [smem:$0x3FFE];
	_ =	sdelay $0x1  }
0x8a: {  	s1 =	srdreg.scid  }
0x8b: {  	s0 =	sand.u32 $0x1, s1  }
0x8c: {  	s16 =	sshll.u32 s0, $0xA;
	s2 =	sadd.s32 s3, s2  }
0x8d: {  	s2 =	sadd.s32 s2, s16  }
0x8e: {  	[smem:$0x3FC0] =	sst s2  }
0x8f: {  	_ = 	snop  }
0x90: {  	(tm) =	ssettm $0x1  }
0x91: {  	s17 =	sld [smem:$0x3FFB];
	_ =	sdelay $0x3  }
0x92: {  	_ =	strace s17  }
0x93: {  	s2 =	sld [smem:$0x3FFC];
	_ =	sdelay $0x3  }
0x94: {  	_ =	strace s2  }
0x95: {  	s2 =	sld [smem:$0x3FFD];
	_ =	sdelay $0x3  }
0x96: {  	_ =	strace s2  }
0x97: {  	_ =	strace $0x8FFFFFFF  }
0x98: {  	s18 =	sld [smem:$0x3FDB];
	_ =	sdelay $0x1  }
0x99: {  	s19 =	simm.s32 $_scs_section_size  }
0x9a: {  	s4 =	simm.s32 $_size__tile_overlayer_lowered;
	s5 =	simm.s32 $_tile_overlayer_lowered  }
0x9b: {  	s22 =	simm.s32 $0x1BFF;
	s21 =	sshll.u32 s5, $0x1;
	s2 =	sadd.s32 s19, s18  }
0x9c: {  	s6 =	simm.s32 $0x0;
	s20 =	sshll.u32 s4, $0x1;
	s4 =	sadd.s32 s21, s2  }
0x9d: {  	[timem:s6], [sflag:s22] =	dma.local [hbm:s4], s20  }
0x9e: {  	_ =	swait.ge [sflag:s22], s20  }
0x9f: {  	s3 =	ssub.s32 $0x0, s20;
	[sflag:s22] =	ssyncset.done $0x0  }
0xa0: {  	[sflag:s22] =	ssyncadd.s32 s3;
	_ =	sdelay $0x1  }
0xa1: {  	s23 =	simm.s32 $0x1B8B  }
0xa2: {  	_ =	swait.ge [sflag:s23], $0x1  }
0xa3: {  	[sflag:s23] =	ssyncset.done $0x0  }
0xa4: {  	s25 =	simm.s32 $0x1B8E;
	s24 =	sld [smem:$0x3FFE];
	[sflag:s23] =	ssyncadd.s32 $0xFFFFFFFF  }
0xa5: {  	s26 =	simm.s32 $execute0_lowered;
	[smem:$0x3FD2] =	sst s25  }
0xa6: {  	s4 =	sshll.u32 s26, $0x1;
	_ =	strace $0x8000004C;
	[dreg:$0x1] =	wrdreg $0xFFFFFFFF  }
0xa7: {  	s28 =	simm.s32 $_size_execute0_lowered;
	s2 =	sadd.s32 s2, s4;
	[dreg:$0x0] =	wrdreg $0x0  }
0xa8: {  	s4 =	sshll.u32 s28, $0x1;
	[dreg:$0x2] =	wrdreg s2  }
0xa9: {  	[dreg:$0x3] =	wrdreg s4  }
0xaa: {  	[dreg:$0x4] =	wrdreg $0xC0  }
0xab: {  	_ =	task [dreg:s6], $0x5FFFF  }
0xac: {  	[dreg:$0x1] =	wrdreg $0xFFFFFFFF  }
0xad: {  	[dreg:$0x0] =	wrdreg $0x60  }
0xae: {  	[dreg:$0x2] =	wrdreg s24  }
0xaf: {  	[dreg:$0x3] =	wrdreg $0xB0000  }
0xb0: {  	[dreg:$0x4] =	wrdreg $0x9  }
0xb1: {  	_ =	task.clear_ibuf [dreg:s6], $0x5FFFF;
	_ =	strace $0x9000004C  }
0xb2: {  	s29 =	simm.s32 $0x9;
	_ =	strace $0x8000004E  }
0xb3: {  	_ =	swait.ge [sflag:s29], $0x1  }
0xb4: {  	[sflag:s29] =	ssyncadd.s32 $0xFFFFFFFF  }
0xb5: {  	_ =	strace $0x9000004E  }
0xb6: {  	_ =	sfence  }
0xb7: {  	s30 =	sld [smem:$0x0];
	_ =	sdelay $0x2  }
0xb8: {  	s31 =	sshll.u32 s1, $0xD;
	s1 =	sshrl.u32 s1, $0x2  }
0xb9: {  	s3 =	sand.u32 $0x4000, s31;
	s1 =	sadd.s32 s1, s30  }
0xba: {  	s0 =	sor.u32 s3, s0;
	s1 =	sshll.u32 s1, $0x11  }
0xbb: {  	s0 =	sor.u32 s1, s0  }
0xbc: {  	s0 =	sadd.s32 $0x8F2B, s0  }
0xbd: {  	[sflag:s0] =	ssyncadd.remote.s32 $0x1  }
0xbe: {  	_ =	sfence.sel $0xFFFF  }
0xbf: {  	[dreg:$0x0] =	wrdreg $0xFFFFFFFF;
	(pc) =	sbr.abs _section_cstart, $3  }
0xc0: {  	[dreg:$0x1] =	wrdreg $0xFFFFFFFF  }
0xc1: {  	_ =	task.clear_ibuf [dreg:s6], $0x2FFFF;
	_ =	strace $0x9FFFFFFF  }
0xc2: {  	(tm) =	ssettm $0x7FFFFFFF  }
0xc3: {  	_ =	shalt  }
tec
execute0_lowered:
.L_overlay_start_1:
0x0: {  	(tag) =	ssettag $0x1  }
0x1: {  	s0 =	rddreg [dreg:$0x0]  }
0x2: {  	s1 =	rddreg [dreg:$0x1];
	s2 =	srdreg.scid  }
0x3: {  	s3 =	simm.s32 $0x0;
	s9 =	stileid.u32;
	s28 =	simm.s32 $0x2  }
0x4: {  	s30 =	simm.s32 $0x9000;
	s31 =	simm.s32 $0x40;
	s6 =	smul.u32 $0x2800, s9  }
0x5: {  	s29 =	simm.s32 $0x1;
	s2 =	sand.u32 $0x1, s2;
	s8 =	smul.u32 $0x50000, s9  }
0x6: {  	[smem:$0x7FF] =	sst s3;
	s4 =	sadd.s32 $0x3200, s0;
	s18 =	smul.u32 $0x14000, s9  }
0x7: {  	s5 =	smul.u32 $0x28000, s2;
	_ =	strace $0x8000004D;
	s15 =	ssub.s32 $0x2, s2  }
0x8: {  	s2 =	smul.u32 $0x140000, s2;
	s7 =	sshrl.u32 s15, $0x1;
	s17 =	sshrl.u32 s8, $0x2  }
0x9: {  	s22 =	sadd.s32 $0x4000, s18;
	s25 =	sadd.s32 $0x8000, s18;
	s26 =	sadd.s32 $0xC000, s18  }
0xa: {  	s5 =	sadd.s32 s6, s5;
	s6 =	ssub.s32 s15, s7;
	s7 =	sadd.s32 s17, s1  }
0xb: {  	s23 =	sadd.s32 s2, s18;
	s24 =	sadd.s32 s2, s22;
	s22 =	sadd.s32 s22, s1  }
0xc: {  	s5 =	sshrl.u32 s5, $0x3;
	s6 =	smax.u32 s6, $0x1;
	s19 =	sadd.s32 $0x2000, s7  }
0xd: {  	s20 =	sadd.s32 $0x4000, s7;
	s21 =	sadd.s32 $0x6000, s7;
	s12 =	sadd.s32 $0x8000, s7  }
0xe: {  	s13 =	sadd.s32 $0xA000, s7;
	s14 =	sadd.s32 $0xC000, s7;
	s8 =	sshrl.u32 s23, $0x3  }
0xf: {  	s9 =	sshrl.u32 s24, $0x3;
	s15 =	sadd.s32 $0xE000, s7;
	[dreg:$0x5] =	wrdreg s6  }
0x10: {  	s23 =	sadd.s32 s25, s1;
	s24 =	sadd.s32 s26, s1;
	[dreg:$0x6] =	wrdreg s19  }
0x11: {  	s5 =	sadd.s32 s5, s0;
	s0 =	sadd.s32 $0x68200, s0;
	[dreg:$0x7] =	wrdreg s20  }
0x12: {  	[dreg:$0x8] =	wrdreg s21;
	s19 =	sadd.s32 s2, s26;
	s21 =	sadd.s32 $0x10000, s7  }
0x13: {  	s26 =	sadd.s32 $0x12000, s7;
	s6 =	simm.s32 $0x0;
	s16 =	sadd.s32 $0x5E200, s5  }
0x14: {  	s5 =	sadd.s32 $0x54200, s5;
	s17 =	sadd.s32 s0, s9;
	[dreg:$0x3] =	wrdreg s16  }
0x15: {  	s19 =	sshrl.u32 s19, $0x3;
	[dreg:$0x4] =	wrdreg s5;
	s16 =	sadd.s32 s0, s8  }
0x16: {  	s5 =	sadd.s32 $0x10000, s18;
	s18 =	sadd.s32 s2, s25;
	s19 =	sadd.s32 s0, s19  }
0x17: {  	s2 =	sadd.s32 s2, s5;
	s18 =	sshrl.u32 s18, $0x3;
	s25 =	sadd.s32 s5, s1  }
0x18: {  	s5 =	simm.s32 $0x80;
	s2 =	sshrl.u32 s2, $0x3;
	s18 =	sadd.s32 s0, s18  }
0x19: {  	v0 =	vimm.f32 $0.0e+00;
	s20 =	sadd.s32 s0, s2;
	s0 =	simm.s32 $0x5000;
	s2 =	simm.s32 $0x7000  }
.LBB2_1:
0x1a: {  	s8 =	rddreg [dreg:$0x3]  }
0x1b: {  	[tilespmem:s3], [sflag:$0x2] =	stream.linear.gather [hbm4b:s8+s3], $0x2780, $0x38;
	[tilespmem:$0x1F000] =	vst v63  }
0x1c: {  	_ =	swait.ge [sflag:s28], $0x2780  }
0x1d: {  	[sflag:s28] =	ssyncset.done $0x0  }
0x1e: {  	s9 =	simm.s32 $0x2800;
	s11 =	rddreg [dreg:$0x4];
	[sflag:s28] =	ssyncadd.s32 $0xFFFFD880  }
0x1f: {  	[tilespmem:s9], [sflag:$0x2] =	stream.linear.gather [hbm4b:s11+s3], $0x2780, $0x38;
	[tilespmem:$0x1F000] =	vst v63  }
0x20: {  	_ =	swait.ge [sflag:s28], $0x2780  }
0x21: {  	[sflag:s28] =	ssyncset.done $0x0  }
0x22: {  	s8 =	simm.s32 $0x0;
	s9 =	simm.s32 $0x200;
	[sflag:s28] =	ssyncadd.s32 $0xFFFFD880  }
.LBB2_2:
0x23: {  	p0 =	sne.s32 s9, $0x7E00;
	[tilespmem:s8+$0x9070] =	vst v0  }
0x24: {  	[tilespmem:s8+$0x9000] =	vst v0  }
0x25: {  	[tilespmem:s8+$0x9010] =	vst v0  }
.Ltmp0:
0x26: {  	[tilespmem:s8+$0x9020] =	vst v0;
	(pc) =	sbr.rel @p0 .LBB2_2-.Ltmp0, $4  }
0x27: {  	[tilespmem:s8+$0x9030] =	vst v0  }
0x28: {  	[tilespmem:s8+$0x9040] =	vst v0  }
0x29: {  	[tilespmem:s8+$0x9050] =	vst v0  }
0x2a: {  	[tilespmem:s8+$0x9060] =	vst v0;
	s8 =	sshra.s32 s9, $0x2;
	s9 =	sadd.s32 $0x200, s9  }
0x2b: {  	[tilespmem:s8+$0x9070] =	vst v0  }
0x2c: {  	[tilespmem:s8+$0x9000] =	vst v0  }
0x2d: {  	[tilespmem:s8+$0x9010] =	vst v0  }
0x2e: {  	[tilespmem:s8+$0x9020] =	vst v0  }
0x2f: {  	[tilespmem:s8+$0x9030] =	vst v0  }
0x30: {  	[tilespmem:s8+$0x9040] =	vst v0  }
0x31: {  	[tilespmem:s8+$0x9050] =	vst v0  }
0x32: {  	[tilespmem:s8+$0x9060] =	vst v0  }
0x33: {  	[spmem:s7] =	stream.linear.scatter [tilespmem:s30], [sflag:$0x2], $0x2000, $0x38;
	[tilespmem:$0x1F000] =	vst v63  }
0x34: {  	_ =	swait.ge [sflag:s28], $0x2000  }
0x35: {  	[sflag:s28] =	ssyncset.done $0x0  }
0x36: {  	s9 =	rddreg [dreg:$0x6];
	[sflag:s28] =	ssyncadd.s32 $0xFFFFE000  }
0x37: {  	[spmem:s9] =	stream.linear.scatter [tilespmem:s30], [sflag:$0x2], $0x2000, $0x38;
	[tilespmem:$0x1F000] =	vst v63  }
0x38: {  	_ =	swait.ge [sflag:s28], $0x2000  }
0x39: {  	[sflag:s28] =	ssyncset.done $0x0  }
0x3a: {  	s10 =	rddreg [dreg:$0x7];
	[sflag:s28] =	ssyncadd.s32 $0xFFFFE000  }
0x3b: {  	[spmem:s10] =	stream.linear.scatter [tilespmem:s30], [sflag:$0x2], $0x2000, $0x38;
	[tilespmem:$0x1F000] =	vst v63  }
0x3c: {  	_ =	swait.ge [sflag:s28], $0x2000  }
0x3d: {  	[sflag:s28] =	ssyncset.done $0x0  }
0x3e: {  	s11 =	rddreg [dreg:$0x8];
	[sflag:s28] =	ssyncadd.s32 $0xFFFFE000  }
0x3f: {  	[spmem:s11] =	stream.linear.scatter [tilespmem:s30], [sflag:$0x2], $0x2000, $0x38;
	[tilespmem:$0x1F000] =	vst v63  }
0x40: {  	_ =	swait.ge [sflag:s28], $0x2000  }
0x41: {  	[sflag:s28] =	ssyncset.done $0x0  }
0x42: {  	[sflag:s28] =	ssyncadd.s32 $0xFFFFE000  }
0x43: {  	[spmem:s12] =	stream.linear.scatter [tilespmem:s30], [sflag:$0x2], $0x2000, $0x38;
	[tilespmem:$0x1F000] =	vst v63  }
0x44: {  	_ =	swait.ge [sflag:s28], $0x2000  }
0x45: {  	[sflag:s28] =	ssyncset.done $0x0  }
0x46: {  	[sflag:s28] =	ssyncadd.s32 $0xFFFFE000  }
0x47: {  	[spmem:s13] =	stream.linear.scatter [tilespmem:s30], [sflag:$0x2], $0x2000, $0x38;
	[tilespmem:$0x1F000] =	vst v63  }
0x48: {  	_ =	swait.ge [sflag:s28], $0x2000  }
0x49: {  	[sflag:s28] =	ssyncset.done $0x0  }
0x4a: {  	[sflag:s28] =	ssyncadd.s32 $0xFFFFE000  }
0x4b: {  	[spmem:s14] =	stream.linear.scatter [tilespmem:s30], [sflag:$0x2], $0x2000, $0x38;
	[tilespmem:$0x1F000] =	vst v63  }
0x4c: {  	_ =	swait.ge [sflag:s28], $0x2000  }
0x4d: {  	[sflag:s28] =	ssyncset.done $0x0  }
0x4e: {  	[sflag:s28] =	ssyncadd.s32 $0xFFFFE000  }
0x4f: {  	[spmem:s15] =	stream.linear.scatter [tilespmem:s30], [sflag:$0x2], $0x2000, $0x38;
	[tilespmem:$0x1F000] =	vst v63  }
0x50: {  	_ =	swait.ge [sflag:s28], $0x2000  }
0x51: {  	[sflag:s28] =	ssyncset.done $0x0  }
0x52: {  	[sflag:s28] =	ssyncadd.s32 $0xFFFFE000  }
0x53: {  	[spmem:s21] =	stream.linear.scatter [tilespmem:s30], [sflag:$0x2], $0x2000, $0x38;
	[tilespmem:$0x1F000] =	vst v63  }
0x54: {  	_ =	swait.ge [sflag:s28], $0x2000  }
0x55: {  	[sflag:s28] =	ssyncset.done $0x0  }
0x56: {  	[sflag:s28] =	ssyncadd.s32 $0xFFFFE000  }
0x57: {  	[spmem:s26] =	stream.linear.scatter [tilespmem:s30], [sflag:$0x2], $0x2000, $0x38;
	[tilespmem:$0x1F000] =	vst v63  }
0x58: {  	_ =	swait.ge [sflag:s28], $0x2000  }
0x59: {  	[sflag:s28] =	ssyncset.done $0x0  }
0x5a: {  	[sflag:s28] =	ssyncadd.s32 $0xFFFFE000  }
0x5b: {  	s9 =	simm.s32 $0x0;
	[bflag:$0x0] =	sbarrier.arrive $0xFFFF  }
0x5c: {  	[tilespmem:s0], [sflag:$0x1] =	stream.indirect.gather [hbm4b:s4+s31], $0x80, s9, s31, $0xb8;
	[tilespmem:$0x1F000] =	vst v63  }
0x5d: {  	s10 =	simm.s32 $0x40  }
0x5e: {  	[tilespmem:s2], [sflag:$0x1] =	stream.indirect.gather [hbm4b:s4+s31], $0x80, s10, s31, $0xb8;
	[tilespmem:$0x1F000] =	vst v63  }
0x5f: {  	_ =	swait.ge [sflag:s29], $0x2000  }
0x60: {  	[sflag:s29] =	ssyncset.done $0x0  }
0x61: {  	[sflag:s29] =	ssyncadd.s32 $0xFFFFE000  }
0x62: {  	_ =	swait.ge [sflag:s29], $0x2000  }
0x63: {  	[sflag:s29] =	ssyncset.done $0x0  }
0x64: {  	s11 =	simm.s32 $0x2800;
	[sflag:s29] =	ssyncadd.s32 $0xFFFFE000  }
0x65: {  	[spmem:s1] =	stream.indirect.scatter.add.f32 [tilespmem:s0], [sflag:$0x2], $0x80, s11, s5, $0xb8;
	[tilespmem:$0x1F000] =	vst v63  }
0x66: {  	_ =	swait.ge [sflag:s28], $0x4000  }
0x67: {  	s8 =	simm.s32 $0x200;
	s9 =	simm.s32 $0x400;
	[sflag:s28] =	ssyncset.done $0x0  }
.LBB2_4:
0x68: {  	s10 =	sshra.s32 s8, $0x2  }
0x69: {  	[sflag:s28] =	ssyncadd.s32 $0xFFFFC000;
	s8 =	smov.u32 s9;
	s11 =	sadd.s32 $0x200, s9  }
0x6a: {  	[tilespmem:s0], [sflag:$0x1] =	stream.indirect.gather [hbm4b:s4+s31], $0x80, s10, s31, $0xb8;
	[tilespmem:$0x1F000] =	vst v63  }
0x6b: {  	p0 =	sne.s32 s9, $0x9C00;
	s9 =	sadd.s32 $0x40, s10  }
0x6c: {  	[tilespmem:s2], [sflag:$0x1] =	stream.indirect.gather [hbm4b:s4+s31], $0x80, s9, s31, $0xb8;
	[tilespmem:$0x1F000] =	vst v63  }
0x6d: {  	_ =	swait.ge [sflag:s29], $0x2000  }
0x6e: {  	[sflag:s29] =	ssyncset.done $0x0  }
0x6f: {  	[sflag:s29] =	ssyncadd.s32 $0xFFFFE000  }
0x70: {  	_ =	swait.ge [sflag:s29], $0x2000  }
.Ltmp1:
0x71: {  	[sflag:s29] =	ssyncset.done $0x0;
	(pc) =	sbr.rel @p0 .LBB2_4-.Ltmp1, $4  }
0x72: {  	s9 =	sadd.s32 $0x2800, s10;
	[sflag:s29] =	ssyncadd.s32 $0xFFFFE000  }
0x73: {  	[spmem:s1] =	stream.indirect.scatter.add.f32 [tilespmem:s0], [sflag:$0x2], $0x80, s9, s5, $0xb8;
	[tilespmem:$0x1F000] =	vst v63  }
0x74: {  	_ =	swait.ge [sflag:s28], $0x4000  }
0x75: {  	s9 =	smov.u32 s11;
	[sflag:s28] =	ssyncset.done $0x0  }
0x76: {  	s8 =	sshra.s32 s8, $0x2;
	[sflag:s28] =	ssyncadd.s32 $0xFFFFC000  }
0x77: {  	[tilespmem:s0], [sflag:$0x1] =	stream.indirect.gather [hbm4b:s4+s31], $0x80, s8, s31, $0xb8;
	[tilespmem:$0x1F000] =	vst v63  }
0x78: {  	s9 =	sadd.s32 $0x40, s8  }
0x79: {  	[tilespmem:s2], [sflag:$0x1] =	stream.indirect.gather [hbm4b:s4+s31], $0x80, s9, s31, $0xb8;
	[tilespmem:$0x1F000] =	vst v63  }
0x7a: {  	_ =	swait.ge [sflag:s29], $0x2000  }
0x7b: {  	[sflag:s29] =	ssyncset.done $0x0  }
0x7c: {  	[sflag:s29] =	ssyncadd.s32 $0xFFFFE000  }
0x7d: {  	_ =	swait.ge [sflag:s29], $0x2000  }
0x7e: {  	[sflag:s29] =	ssyncset.done $0x0  }
0x7f: {  	s8 =	sadd.s32 $0x2800, s8;
	[sflag:s29] =	ssyncadd.s32 $0xFFFFE000  }
0x80: {  	[spmem:s1] =	stream.indirect.scatter.add.f32 [tilespmem:s0], [sflag:$0x2], $0x80, s8, s5, $0xb8;
	[tilespmem:$0x1F000] =	vst v63  }
0x81: {  	_ =	swait.ge [sflag:s28], $0x4000  }
0x82: {  	[sflag:s28] =	ssyncset.done $0x0  }
0x83: {  	[sflag:s28] =	ssyncadd.s32 $0xFFFFC000  }
0x84: {  	[bflag:$0x0] =	sbarrier.arrive $0xFFFF  }
0x85: {  	[tilespmem:s0], [sflag:$0x2] =	stream.linear.gather [spmem:s7], $0x4000, $0x38;
	[tilespmem:$0x1F000] =	vst v63  }
0x86: {  	_ =	swait.ge [sflag:s28], $0x4000  }
0x87: {  	[sflag:s28] =	ssyncset.done $0x0  }
0x88: {  	[sflag:s28] =	ssyncadd.s32 $0xFFFFC000  }
0x89: {  	[hbm4b:s16+s3] =	stream.linear.scatter [tilespmem:s0], [sflag:$0x2], $0x4000, $0x38;
	[tilespmem:$0x1F000] =	vst v63  }
0x8a: {  	_ =	swait.ge [sflag:s28], $0x4000  }
0x8b: {  	[sflag:s28] =	ssyncset.done $0x0  }
0x8c: {  	[sflag:s28] =	ssyncadd.s32 $0xFFFFC000  }
0x8d: {  	[tilespmem:s0], [sflag:$0x2] =	stream.linear.gather [spmem:s22], $0x4000, $0x38;
	[tilespmem:$0x1F000] =	vst v63  }
0x8e: {  	_ =	swait.ge [sflag:s28], $0x4000  }
0x8f: {  	[sflag:s28] =	ssyncset.done $0x0  }
0x90: {  	[sflag:s28] =	ssyncadd.s32 $0xFFFFC000  }
0x91: {  	[hbm4b:s17+s3] =	stream.linear.scatter [tilespmem:s0], [sflag:$0x2], $0x4000, $0x38;
	[tilespmem:$0x1F000] =	vst v63  }
0x92: {  	_ =	swait.ge [sflag:s28], $0x4000  }
0x93: {  	[sflag:s28] =	ssyncset.done $0x0  }
0x94: {  	[sflag:s28] =	ssyncadd.s32 $0xFFFFC000  }
0x95: {  	[tilespmem:s0], [sflag:$0x2] =	stream.linear.gather [spmem:s23], $0x4000, $0x38;
	[tilespmem:$0x1F000] =	vst v63  }
0x96: {  	_ =	swait.ge [sflag:s28], $0x4000  }
0x97: {  	[sflag:s28] =	ssyncset.done $0x0  }
0x98: {  	[sflag:s28] =	ssyncadd.s32 $0xFFFFC000  }
0x99: {  	[hbm4b:s18+s3] =	stream.linear.scatter [tilespmem:s0], [sflag:$0x2], $0x4000, $0x38;
	[tilespmem:$0x1F000] =	vst v63  }
0x9a: {  	_ =	swait.ge [sflag:s28], $0x4000  }
0x9b: {  	[sflag:s28] =	ssyncset.done $0x0  }
0x9c: {  	[sflag:s28] =	ssyncadd.s32 $0xFFFFC000  }
0x9d: {  	[tilespmem:s0], [sflag:$0x2] =	stream.linear.gather [spmem:s24], $0x4000, $0x38;
	[tilespmem:$0x1F000] =	vst v63  }
0x9e: {  	_ =	swait.ge [sflag:s28], $0x4000  }
0x9f: {  	[sflag:s28] =	ssyncset.done $0x0  }
0xa0: {  	[sflag:s28] =	ssyncadd.s32 $0xFFFFC000  }
0xa1: {  	[hbm4b:s19+s3] =	stream.linear.scatter [tilespmem:s0], [sflag:$0x2], $0x4000, $0x38;
	[tilespmem:$0x1F000] =	vst v63  }
0xa2: {  	_ =	swait.ge [sflag:s28], $0x4000  }
0xa3: {  	[sflag:s28] =	ssyncset.done $0x0  }
0xa4: {  	[sflag:s28] =	ssyncadd.s32 $0xFFFFC000  }
0xa5: {  	[tilespmem:s0], [sflag:$0x2] =	stream.linear.gather [spmem:s25], $0x4000, $0x38;
	[tilespmem:$0x1F000] =	vst v63  }
0xa6: {  	_ =	swait.ge [sflag:s28], $0x4000  }
0xa7: {  	[sflag:s28] =	ssyncset.done $0x0  }
0xa8: {  	[sflag:s28] =	ssyncadd.s32 $0xFFFFC000  }
0xa9: {  	[hbm4b:s20+s3] =	stream.linear.scatter [tilespmem:s0], [sflag:$0x2], $0x4000, $0x38;
	[tilespmem:$0x1F000] =	vst v63  }
0xaa: {  	_ =	swait.ge [sflag:s28], $0x4000  }
0xab: {  	s6 =	sadd.s32 $0x1, s6;
	s11 =	rddreg [dreg:$0x5]  }
0xac: {  	p0 =	sne.s32 s6, s11  }
.Ltmp2:
0xad: {  	_ = 	snop;
	(pc) =	sbr.rel @p0 .LBB2_1-.Ltmp2, $3  }
0xae: {  	_ =	sdelay $0x1  }
0xaf: {  	[sflag:s28] =	ssyncset.done $0x0  }
0xb0: {  	[sflag:s28] =	ssyncadd.s32 $0xFFFFC000  }
0xb1: {  	_ =	sfence.sel $0x180000  }
0xb2: {  	[bflag:$0x0] =	sbarrier.arrive $0xFFFF  }
0xb3: {  	_ =	strace $0x9000004D  }
0xb4: {  	s0 =	stileid.u32;
	[bflag:$0x2] =	sbarrier.arrive $0xFFFF  }
0xb5: {  	p0 =	sne.s32 s0, $0x0;
	s0 =	rddreg [dreg:$0x2]  }
0xb6: {  	s0 =	sadd.s32 @!p0 $0x100000, s0  }
0xb7: {  	[sflag:s0] =	ssyncadd.tile.s32 @!p0 $0x1;
	_ =	shalt  }
.Lfunc_end2:
_tile_overlayer_lowered:
.L_overlay_start_2:
0xb8: {  	(tag) =	ssettag $0x2  }
0xb9: {  	s0 =	rddreg [dreg:$0x0];
	s2 =	stileid.u32  }
0xba: {  	s1 =	rddreg [dreg:$0x1];
	p0 =	sne.s32 s2, $0x0  }
0xbb: {  	s3 =	rddreg [dreg:$0x2];
	[bflag:$0x3] =	sbarrier.arrive $0xFFFF;
	s2 =	simm.s32 @!p0 $0x1C02  }
0xbc: {  	[timem:s3], [sflag:s2] =	dma.local @!p0 [hbm:s0], s1  }
0xbd: {  	s0 =	simm.s32 @!p0 $0x2  }
0xbe: {  	_ =	swait.ge @!p0 [sflag:s0], s1  }
0xbf: {  	s1 =	ssub.s32 @!p0 $0x0, s1;
	[sflag:s0] =	ssyncset.done @!p0 $0x0  }
0xc0: {  	[sflag:s0] =	ssyncadd.s32 @!p0 s1  }
0xc1: {  	[bflag:$0x3] =	sbarrier.arrive $0xFFFF  }
0xc2: {  	_ =	shalt  }

// kernel: kernel.19.cloned.1.call-start
scs
__scs_entry_jumppad:
0x0: {  	(pc) =	sbr.rel $0x88, $3  }
0x1: {  	(tag) =	ssettag $0x0;
	lr =	simm.s32 $0x1  }
0x2: {  	[smem:$0x3F99] =	sst lr;
	_ =	strace $0xD0000000  }
0x3: {  	_ = 	snop  }
0x4: {  	_ = 	snop  }
0x5: {  	_ = 	snop  }
0x6: {  	_ = 	snop  }
0x7: {  	_ = 	snop  }
__scs_overlays_trampoline_lowered:
0x8: {  	[smem:$0x3FA8] =	sst s0  }
0x9: {  	[smem:$0x3FA9] =	sst s1  }
0xa: {  	[smem:$0x3FAA] =	sst s2  }
0xb: {  	[smem:$0x3FAB] =	sst s3  }
0xc: {  	[smem:$0x3FAC] =	sst s4  }
0xd: {  	[smem:$0x3FAD] =	sst s5  }
0xe: {  	[smem:$0x3FAE] =	sst s6  }
0xf: {  	[smem:$0x3FAF] =	sst s7  }
0x10: {  	[smem:$0x3FB0] =	sst s8  }
0x11: {  	[smem:$0x3FB1] =	sst s9;
	s0 =	simm.s32 @!p0 $0x0  }
0x12: {  	s1 =	sld [smem:$0x3F97];
	s0 =	simm.s32 @p0 $0x1  }
0x13: {  	[smem:$0x3FB2] =	sst s0;
	s0 =	simm.s32 @!p1 $0x0  }
0x14: {  	s2 =	sld [smem:$0x3F96];
	s0 =	simm.s32 @p1 $0x1  }
0x15: {  	[smem:$0x3FB3] =	sst s0;
	s0 =	simm.s32 @!p2 $0x0  }
0x16: {  	s3 =	sld [smem:$0x3FDB];
	s0 =	simm.s32 @p2 $0x1  }
0x17: {  	s4 =	simm.s32 $0x1BF5;
	[smem:$0x3FB5] =	sst s0  }
0x18: {  	s0 =	sld [smem:$0x3F98];
	_ =	swait.ge [sflag:s4], $0x0  }
0x19: {  	s7 =	sld [smem:$0x3F99]  }
0x1a: {  	s8 =	sadd.s32 $0xFFFFE003, lr  }
0x1b: {  	s9 =	sadd.s32 $0xFFFFFEF7, lr;
	s5 =	simm.s32 $0xFFFFFFFF;
	p2 =	slt.u32 s8, $0xFFFFF086  }
0x1c: {  	p1 =	slt.u32 s9, $0xF7A;
	s5 =	simm.s32 @!p2 $0x0  }
0x1d: {  	s5 =	simm.s32 @p1 $0x1;
	p0 =	seq.s32 s7, s2  }
0x1e: {  	s7 =	smul.u32 @!p0 $0xF7A, s2;
	p2 =	seq.s32 @!p0 s5, $0x0  }
0x1f: {  	s9 =	smul.u32 $0xF7A, s1;
	s8 =	simm.s32 @!p0 $0x1BF5;
	p2 =	por !p2, p0  }
0x20: {  	[sflag:s8] =	ssyncset.s32 @!p0 $0xFFFFF086;
	s6 =	sadd.s32 @!p0 s3, s7;
	s7 =	simm.s32 @!p0 $0x108  }
0x21: {  	s3 =	sadd.s32 s3, s9;
	s6 =	sadd.s32 @!p0 $0x88, s6;
	s7 =	simm.s32 @p2 $0x1082  }
0x22: {  	[simem:s7], [sflag:s8] =	dma.local @!p0 [hbm:s6], $0xF7A  }
0x23: {  	s9 =	sor.u32 $0xD0000000, s2;
	s6 =	simm.s32 $0x108;
	_ =	swait.ge @!p0 [sflag:s8], $0x0  }
0x24: {  	s3 =	sadd.s32 $0x88, s3;
	s6 =	simm.s32 @!p1 $0x1082;
	[sflag:s4] =	ssyncset.s32 $0xFFFFF086  }
0x25: {  	[simem:s6], [sflag:s4] =	dma.local [hbm:s3], $0xF7A  }
0x26: {  	[smem:$0x3F99] =	sst s1;
	(tag) =	ssettag s2;
	_ =	strace s9  }
0x27: {  	s1 =	sld [smem:$0x3FA9]  }
0x28: {  	s2 =	sld [smem:$0x3FAA]  }
0x29: {  	s4 =	sld [smem:$0x3FAC]  }
0x2a: {  	p0 =	seq.s32 s5, $0x0;
	s5 =	sld [smem:$0x3FAD]  }
0x2b: {  	s6 =	sld [smem:$0x3FAE]  }
0x2c: {  	s7 =	sld [smem:$0x3FAF]  }
0x2d: {  	s3 =	simm.s32 $0x108;
	s8 =	sld [smem:$0x3FB0]  }
0x2e: {  	s3 =	simm.s32 @!p0 $0x1082;
	s9 =	sld [smem:$0x3FB1]  }
0x2f: {  	lr =	sadd.s32 s0, s3;
	s0 =	sld [smem:$0x3FA8]  }
0x30: {  	s3 =	sld [smem:$0x3FAB]  }
0x31: {  	[smem:$0x3FB4] =	sst s10  }
0x32: {  	s10 =	sld [smem:$0x3FB2];
	_ =	sdelay $0x3  }
0x33: {  	p0 =	seq.s32 s10, $0x1;
	s10 =	sld [smem:$0x3FB4];
	_ =	sdelay $0x3  }
0x34: {  	[smem:$0x3FB4] =	sst s10  }
0x35: {  	s10 =	sld [smem:$0x3FB3];
	_ =	sdelay $0x3  }
0x36: {  	p1 =	seq.s32 s10, $0x1;
	s10 =	sld [smem:$0x3FB4];
	_ =	sdelay $0x3  }
0x37: {  	[smem:$0x3FB4] =	sst s10  }
0x38: {  	s10 =	sld [smem:$0x3FB5]  }
0x39: {  	_ = 	snop;
	(pc) =	sbr.ind lr, $3  }
0x3a: {  	_ = 	snop  }
0x3b: {  	_ = 	snop  }
0x3c: {  	p2 =	seq.s32 s10, $0x1;
	s10 =	sld [smem:$0x3FB4]  }
0x3d: {  	_ =	shalt  }
0x3e: {  	_ =	shalt  }
0x3f: {  	_ =	shalt  }
0x40: {  	_ =	shalt  }
0x41: {  	_ =	shalt  }
0x42: {  	_ =	shalt  }
0x43: {  	_ =	shalt  }
0x44: {  	_ =	shalt  }
0x45: {  	_ =	shalt  }
0x46: {  	_ =	shalt  }
0x47: {  	_ =	shalt  }
0x48: {  	_ =	shalt  }
0x49: {  	_ =	shalt  }
0x4a: {  	_ =	shalt  }
0x4b: {  	_ =	shalt  }
0x4c: {  	_ =	shalt  }
0x4d: {  	_ =	shalt  }
0x4e: {  	_ =	shalt  }
0x4f: {  	_ =	shalt  }
0x50: {  	_ =	shalt  }
0x51: {  	_ =	shalt  }
0x52: {  	_ =	shalt  }
0x53: {  	_ =	shalt  }
0x54: {  	_ =	shalt  }
0x55: {  	_ =	shalt  }
0x56: {  	_ =	shalt  }
0x57: {  	_ =	shalt  }
0x58: {  	_ =	shalt  }
0x59: {  	_ =	shalt  }
0x5a: {  	_ =	shalt  }
0x5b: {  	_ =	shalt  }
0x5c: {  	_ =	shalt  }
0x5d: {  	_ =	shalt  }
0x5e: {  	_ =	shalt  }
0x5f: {  	_ =	shalt  }
0x60: {  	_ =	shalt  }
0x61: {  	_ =	shalt  }
0x62: {  	_ =	shalt  }
0x63: {  	_ =	shalt  }
0x64: {  	_ =	shalt  }
0x65: {  	_ =	shalt  }
0x66: {  	_ =	shalt  }
0x67: {  	_ =	shalt  }
0x68: {  	_ =	shalt  }
0x69: {  	_ =	shalt  }
0x6a: {  	_ =	shalt  }
0x6b: {  	_ =	shalt  }
0x6c: {  	_ =	shalt  }
0x6d: {  	_ =	shalt  }
0x6e: {  	_ =	shalt  }
0x6f: {  	_ =	shalt  }
0x70: {  	_ =	shalt  }
0x71: {  	_ =	shalt  }
0x72: {  	_ =	shalt  }
0x73: {  	_ =	shalt  }
0x74: {  	_ =	shalt  }
0x75: {  	_ =	shalt  }
0x76: {  	_ =	shalt  }
0x77: {  	_ =	shalt  }
0x78: {  	_ =	shalt  }
0x79: {  	_ =	shalt  }
0x7a: {  	_ =	shalt  }
0x7b: {  	_ =	shalt  }
0x7c: {  	_ =	shalt  }
0x7d: {  	_ =	shalt  }
0x7e: {  	_ =	shalt  }
0x7f: {  	_ =	shalt  }
0x80: {  	_ =	shalt  }
0x81: {  	_ =	shalt  }
0x82: {  	_ =	shalt  }
0x83: {  	_ =	shalt  }
0x84: {  	_ =	shalt  }
0x85: {  	_ =	shalt  }
0x86: {  	_ =	shalt  }
0x87: {  	_ =	shalt  }
.Lfunc_end0:
.L_simem_size_0:
called_computation.3_lowered:
.L_overlay_start_0:
0x88: {  	s2 =	sld [smem:$0x3FD9]  }
0x89: {  	s3 =	sld [smem:$0x3FFE];
	_ =	sdelay $0x1  }
0x8a: {  	s1 =	srdreg.scid  }
0x8b: {  	s0 =	sand.u32 $0x1, s1  }
0x8c: {  	s16 =	sshll.u32 s0, $0xA;
	s2 =	sadd.s32 s3, s2  }
0x8d: {  	s2 =	sadd.s32 s2, s16  }
0x8e: {  	[smem:$0x3FC0] =	sst s2  }
0x8f: {  	_ = 	snop  }
0x90: {  	(tm) =	ssettm $0x1  }
0x91: {  	s17 =	sld [smem:$0x3FFB];
	_ =	sdelay $0x3  }
0x92: {  	_ =	strace s17  }
0x93: {  	s2 =	sld [smem:$0x3FFC];
	_ =	sdelay $0x3  }
0x94: {  	_ =	strace s2  }
0x95: {  	s2 =	sld [smem:$0x3FFD];
	_ =	sdelay $0x3  }
0x96: {  	_ =	strace s2  }
0x97: {  	_ =	strace $0x8FFFFFFF  }
0x98: {  	s18 =	sld [smem:$0x3FDB];
	_ =	sdelay $0x1  }
0x99: {  	s19 =	simm.s32 $_scs_section_size  }
0x9a: {  	s4 =	simm.s32 $_size__tile_overlayer_lowered;
	s5 =	simm.s32 $_tile_overlayer_lowered  }
0x9b: {  	s22 =	simm.s32 $0x1BFF;
	s21 =	sshll.u32 s5, $0x1;
	s2 =	sadd.s32 s19, s18  }
0x9c: {  	s6 =	simm.s32 $0x0;
	s20 =	sshll.u32 s4, $0x1;
	s4 =	sadd.s32 s21, s2  }
0x9d: {  	[timem:s6], [sflag:s22] =	dma.local [hbm:s4], s20  }
0x9e: {  	_ =	swait.ge [sflag:s22], s20  }
0x9f: {  	s3 =	ssub.s32 $0x0, s20;
	[sflag:s22] =	ssyncset.done $0x0  }
0xa0: {  	[sflag:s22] =	ssyncadd.s32 s3;
	_ =	sdelay $0x1  }
0xa1: {  	s23 =	simm.s32 $0x1B8B  }
0xa2: {  	_ =	swait.ge [sflag:s23], $0x1  }
0xa3: {  	[sflag:s23] =	ssyncset.done $0x0  }
0xa4: {  	s25 =	simm.s32 $0x1B8E;
	s24 =	sld [smem:$0x3FFE];
	[sflag:s23] =	ssyncadd.s32 $0xFFFFFFFF  }
0xa5: {  	s26 =	simm.s32 $execute0_lowered;
	[smem:$0x3FD2] =	sst s25  }
0xa6: {  	s4 =	sshll.u32 s26, $0x1;
	_ =	strace $0x8000004F;
	[dreg:$0x1] =	wrdreg $0xFFFFFFFF  }
0xa7: {  	s28 =	simm.s32 $_size_execute0_lowered;
	s2 =	sadd.s32 s2, s4;
	[dreg:$0x0] =	wrdreg $0x0  }
0xa8: {  	s4 =	sshll.u32 s28, $0x1;
	[dreg:$0x2] =	wrdreg s2  }
0xa9: {  	[dreg:$0x3] =	wrdreg s4  }
0xaa: {  	[dreg:$0x4] =	wrdreg $0xC0  }
0xab: {  	_ =	task [dreg:s6], $0x5FFFF  }
0xac: {  	[dreg:$0x1] =	wrdreg $0xFFFFFFFF  }
0xad: {  	[dreg:$0x0] =	wrdreg $0x60  }
0xae: {  	[dreg:$0x2] =	wrdreg s24  }
0xaf: {  	[dreg:$0x3] =	wrdreg $0xB0000  }
0xb0: {  	[dreg:$0x4] =	wrdreg $0x9  }
0xb1: {  	_ =	task.clear_ibuf [dreg:s6], $0x5FFFF;
	_ =	strace $0x9000004F  }
0xb2: {  	s29 =	simm.s32 $0x9;
	_ =	strace $0x80000051  }
0xb3: {  	_ =	swait.ge [sflag:s29], $0x1  }
0xb4: {  	[sflag:s29] =	ssyncadd.s32 $0xFFFFFFFF  }
0xb5: {  	_ =	strace $0x90000051  }
0xb6: {  	_ =	sfence  }
0xb7: {  	s30 =	sld [smem:$0x0];
	_ =	sdelay $0x2  }
0xb8: {  	s31 =	sshll.u32 s1, $0xD;
	s1 =	sshrl.u32 s1, $0x2  }
0xb9: {  	s3 =	sand.u32 $0x4000, s31;
	s1 =	sadd.s32 s1, s30  }
0xba: {  	s0 =	sor.u32 s3, s0;
	s1 =	sshll.u32 s1, $0x11  }
0xbb: {  	s0 =	sor.u32 s1, s0  }
0xbc: {  	s0 =	sadd.s32 $0x8F2B, s0  }
0xbd: {  	[sflag:s0] =	ssyncadd.remote.s32 $0x1  }
0xbe: {  	_ =	sfence.sel $0xFFFF  }
0xbf: {  	[dreg:$0x0] =	wrdreg $0xFFFFFFFF;
	(pc) =	sbr.abs _section_cstart, $3  }
0xc0: {  	[dreg:$0x1] =	wrdreg $0xFFFFFFFF  }
0xc1: {  	_ =	task.clear_ibuf [dreg:s6], $0x2FFFF;
	_ =	strace $0x9FFFFFFF  }
0xc2: {  	(tm) =	ssettm $0x7FFFFFFF  }
0xc3: {  	_ =	shalt  }
tec
execute0_lowered:
.L_overlay_start_1:
0x0: {  	(tag) =	ssettag $0x1  }
0x1: {  	s0 =	rddreg [dreg:$0x0]  }
0x2: {  	s1 =	rddreg [dreg:$0x1];
	s2 =	srdreg.scid  }
0x3: {  	s3 =	simm.s32 $0x0;
	s9 =	stileid.u32;
	s28 =	simm.s32 $0x2  }
0x4: {  	s30 =	simm.s32 $0x9000;
	s31 =	simm.s32 $0x40;
	s6 =	smul.u32 $0x2800, s9  }
0x5: {  	s29 =	simm.s32 $0x1;
	s2 =	sand.u32 $0x1, s2;
	s8 =	smul.u32 $0x50000, s9  }
0x6: {  	[smem:$0x7FF] =	sst s3;
	s4 =	sadd.s32 $0x3200, s0;
	s18 =	smul.u32 $0x14000, s9  }
0x7: {  	s5 =	smul.u32 $0x28000, s2;
	_ =	strace $0x80000050;
	s15 =	ssub.s32 $0x2, s2  }
0x8: {  	s2 =	smul.u32 $0x140000, s2;
	s7 =	sshrl.u32 s15, $0x1;
	s17 =	sshrl.u32 s8, $0x2  }
0x9: {  	s22 =	sadd.s32 $0x4000, s18;
	s25 =	sadd.s32 $0x8000, s18;
	s26 =	sadd.s32 $0xC000, s18  }
0xa: {  	s5 =	sadd.s32 s6, s5;
	s6 =	ssub.s32 s15, s7;
	s7 =	sadd.s32 s17, s1  }
0xb: {  	s23 =	sadd.s32 s2, s18;
	s24 =	sadd.s32 s2, s22;
	s22 =	sadd.s32 s22, s1  }
0xc: {  	s5 =	sshrl.u32 s5, $0x3;
	s6 =	smax.u32 s6, $0x1;
	s19 =	sadd.s32 $0x2000, s7  }
0xd: {  	s20 =	sadd.s32 $0x4000, s7;
	s21 =	sadd.s32 $0x6000, s7;
	s12 =	sadd.s32 $0x8000, s7  }
0xe: {  	s13 =	sadd.s32 $0xA000, s7;
	s14 =	sadd.s32 $0xC000, s7;
	s8 =	sshrl.u32 s23, $0x3  }
0xf: {  	s9 =	sshrl.u32 s24, $0x3;
	s15 =	sadd.s32 $0xE000, s7;
	[dreg:$0x5] =	wrdreg s6  }
0x10: {  	s23 =	sadd.s32 s25, s1;
	s24 =	sadd.s32 s26, s1;
	[dreg:$0x6] =	wrdreg s19  }
0x11: {  	s5 =	sadd.s32 s5, s0;
	s0 =	sadd.s32 $0x68200, s0;
	[dreg:$0x7] =	wrdreg s20  }
0x12: {  	[dreg:$0x8] =	wrdreg s21;
	s19 =	sadd.s32 s2, s26;
	s21 =	sadd.s32 $0x10000, s7  }
0x13: {  	s26 =	sadd.s32 $0x12000, s7;
	s6 =	simm.s32 $0x0;
	s16 =	sadd.s32 $0x5E200, s5  }
0x14: {  	s5 =	sadd.s32 $0x54200, s5;
	s17 =	sadd.s32 s0, s9;
	[dreg:$0x3] =	wrdreg s16  }
0x15: {  	s19 =	sshrl.u32 s19, $0x3;
	[dreg:$0x4] =	wrdreg s5;
	s16 =	sadd.s32 s0, s8  }
0x16: {  	s5 =	sadd.s32 $0x10000, s18;
	s18 =	sadd.s32 s2, s25;
	s19 =	sadd.s32 s0, s19  }
0x17: {  	s2 =	sadd.s32 s2, s5;
	s18 =	sshrl.u32 s18, $0x3;
	s25 =	sadd.s32 s5, s1  }
0x18: {  	s5 =	simm.s32 $0x80;
	s2 =	sshrl.u32 s2, $0x3;
	s18 =	sadd.s32 s0, s18  }
0x19: {  	v0 =	vimm.f32 $0.0e+00;
	s20 =	sadd.s32 s0, s2;
	s0 =	simm.s32 $0x5000;
	s2 =	simm.s32 $0x7000  }
.LBB2_1:
0x1a: {  	s8 =	rddreg [dreg:$0x3]  }
0x1b: {  	[tilespmem:s3], [sflag:$0x2] =	stream.linear.gather [hbm4b:s8+s3], $0x2780, $0x38;
	[tilespmem:$0x1F000] =	vst v63  }
0x1c: {  	_ =	swait.ge [sflag:s28], $0x2780  }
0x1d: {  	[sflag:s28] =	ssyncset.done $0x0  }
0x1e: {  	s9 =	simm.s32 $0x2800;
	s11 =	rddreg [dreg:$0x4];
	[sflag:s28] =	ssyncadd.s32 $0xFFFFD880  }
0x1f: {  	[tilespmem:s9], [sflag:$0x2] =	stream.linear.gather [hbm4b:s11+s3], $0x2780, $0x38;
	[tilespmem:$0x1F000] =	vst v63  }
0x20: {  	_ =	swait.ge [sflag:s28], $0x2780  }
0x21: {  	[sflag:s28] =	ssyncset.done $0x0  }
0x22: {  	s8 =	simm.s32 $0x0;
	s9 =	simm.s32 $0x200;
	[sflag:s28] =	ssyncadd.s32 $0xFFFFD880  }
.LBB2_2:
0x23: {  	p0 =	sne.s32 s9, $0x7E00;
	[tilespmem:s8+$0x9070] =	vst v0  }
0x24: {  	[tilespmem:s8+$0x9000] =	vst v0  }
0x25: {  	[tilespmem:s8+$0x9010] =	vst v0  }
.Ltmp0:
0x26: {  	[tilespmem:s8+$0x9020] =	vst v0;
	(pc) =	sbr.rel @p0 .LBB2_2-.Ltmp0, $4  }
0x27: {  	[tilespmem:s8+$0x9030] =	vst v0  }
0x28: {  	[tilespmem:s8+$0x9040] =	vst v0  }
0x29: {  	[tilespmem:s8+$0x9050] =	vst v0  }
0x2a: {  	[tilespmem:s8+$0x9060] =	vst v0;
	s8 =	sshra.s32 s9, $0x2;
	s9 =	sadd.s32 $0x200, s9  }
0x2b: {  	[tilespmem:s8+$0x9070] =	vst v0  }
0x2c: {  	[tilespmem:s8+$0x9000] =	vst v0  }
0x2d: {  	[tilespmem:s8+$0x9010] =	vst v0  }
0x2e: {  	[tilespmem:s8+$0x9020] =	vst v0  }
0x2f: {  	[tilespmem:s8+$0x9030] =	vst v0  }
0x30: {  	[tilespmem:s8+$0x9040] =	vst v0  }
0x31: {  	[tilespmem:s8+$0x9050] =	vst v0  }
0x32: {  	[tilespmem:s8+$0x9060] =	vst v0  }
0x33: {  	[spmem:s7] =	stream.linear.scatter [tilespmem:s30], [sflag:$0x2], $0x2000, $0x38;
	[tilespmem:$0x1F000] =	vst v63  }
0x34: {  	_ =	swait.ge [sflag:s28], $0x2000  }
0x35: {  	[sflag:s28] =	ssyncset.done $0x0  }
0x36: {  	s9 =	rddreg [dreg:$0x6];
	[sflag:s28] =	ssyncadd.s32 $0xFFFFE000  }
0x37: {  	[spmem:s9] =	stream.linear.scatter [tilespmem:s30], [sflag:$0x2], $0x2000, $0x38;
	[tilespmem:$0x1F000] =	vst v63  }
0x38: {  	_ =	swait.ge [sflag:s28], $0x2000  }
0x39: {  	[sflag:s28] =	ssyncset.done $0x0  }
0x3a: {  	s10 =	rddreg [dreg:$0x7];
	[sflag:s28] =	ssyncadd.s32 $0xFFFFE000  }
0x3b: {  	[spmem:s10] =	stream.linear.scatter [tilespmem:s30], [sflag:$0x2], $0x2000, $0x38;
	[tilespmem:$0x1F000] =	vst v63  }
0x3c: {  	_ =	swait.ge [sflag:s28], $0x2000  }
0x3d: {  	[sflag:s28] =	ssyncset.done $0x0  }
0x3e: {  	s11 =	rddreg [dreg:$0x8];
	[sflag:s28] =	ssyncadd.s32 $0xFFFFE000  }
0x3f: {  	[spmem:s11] =	stream.linear.scatter [tilespmem:s30], [sflag:$0x2], $0x2000, $0x38;
	[tilespmem:$0x1F000] =	vst v63  }
0x40: {  	_ =	swait.ge [sflag:s28], $0x2000  }
0x41: {  	[sflag:s28] =	ssyncset.done $0x0  }
0x42: {  	[sflag:s28] =	ssyncadd.s32 $0xFFFFE000  }
0x43: {  	[spmem:s12] =	stream.linear.scatter [tilespmem:s30], [sflag:$0x2], $0x2000, $0x38;
	[tilespmem:$0x1F000] =	vst v63  }
0x44: {  	_ =	swait.ge [sflag:s28], $0x2000  }
0x45: {  	[sflag:s28] =	ssyncset.done $0x0  }
0x46: {  	[sflag:s28] =	ssyncadd.s32 $0xFFFFE000  }
0x47: {  	[spmem:s13] =	stream.linear.scatter [tilespmem:s30], [sflag:$0x2], $0x2000, $0x38;
	[tilespmem:$0x1F000] =	vst v63  }
0x48: {  	_ =	swait.ge [sflag:s28], $0x2000  }
0x49: {  	[sflag:s28] =	ssyncset.done $0x0  }
0x4a: {  	[sflag:s28] =	ssyncadd.s32 $0xFFFFE000  }
0x4b: {  	[spmem:s14] =	stream.linear.scatter [tilespmem:s30], [sflag:$0x2], $0x2000, $0x38;
	[tilespmem:$0x1F000] =	vst v63  }
0x4c: {  	_ =	swait.ge [sflag:s28], $0x2000  }
0x4d: {  	[sflag:s28] =	ssyncset.done $0x0  }
0x4e: {  	[sflag:s28] =	ssyncadd.s32 $0xFFFFE000  }
0x4f: {  	[spmem:s15] =	stream.linear.scatter [tilespmem:s30], [sflag:$0x2], $0x2000, $0x38;
	[tilespmem:$0x1F000] =	vst v63  }
0x50: {  	_ =	swait.ge [sflag:s28], $0x2000  }
0x51: {  	[sflag:s28] =	ssyncset.done $0x0  }
0x52: {  	[sflag:s28] =	ssyncadd.s32 $0xFFFFE000  }
0x53: {  	[spmem:s21] =	stream.linear.scatter [tilespmem:s30], [sflag:$0x2], $0x2000, $0x38;
	[tilespmem:$0x1F000] =	vst v63  }
0x54: {  	_ =	swait.ge [sflag:s28], $0x2000  }
0x55: {  	[sflag:s28] =	ssyncset.done $0x0  }
0x56: {  	[sflag:s28] =	ssyncadd.s32 $0xFFFFE000  }
0x57: {  	[spmem:s26] =	stream.linear.scatter [tilespmem:s30], [sflag:$0x2], $0x2000, $0x38;
	[tilespmem:$0x1F000] =	vst v63  }
0x58: {  	_ =	swait.ge [sflag:s28], $0x2000  }
0x59: {  	[sflag:s28] =	ssyncset.done $0x0  }
0x5a: {  	[sflag:s28] =	ssyncadd.s32 $0xFFFFE000  }
0x5b: {  	s9 =	simm.s32 $0x0;
	[bflag:$0x0] =	sbarrier.arrive $0xFFFF  }
0x5c: {  	[tilespmem:s0], [sflag:$0x1] =	stream.indirect.gather [hbm4b:s4+s31], $0x80, s9, s31, $0xb8;
	[tilespmem:$0x1F000] =	vst v63  }
0x5d: {  	s10 =	simm.s32 $0x40  }
0x5e: {  	[tilespmem:s2], [sflag:$0x1] =	stream.indirect.gather [hbm4b:s4+s31], $0x80, s10, s31, $0xb8;
	[tilespmem:$0x1F000] =	vst v63  }
0x5f: {  	_ =	swait.ge [sflag:s29], $0x2000  }
0x60: {  	[sflag:s29] =	ssyncset.done $0x0  }
0x61: {  	[sflag:s29] =	ssyncadd.s32 $0xFFFFE000  }
0x62: {  	_ =	swait.ge [sflag:s29], $0x2000  }
0x63: {  	[sflag:s29] =	ssyncset.done $0x0  }
0x64: {  	s11 =	simm.s32 $0x2800;
	[sflag:s29] =	ssyncadd.s32 $0xFFFFE000  }
0x65: {  	[spmem:s1] =	stream.indirect.scatter.add.f32 [tilespmem:s0], [sflag:$0x2], $0x80, s11, s5, $0xb8;
	[tilespmem:$0x1F000] =	vst v63  }
0x66: {  	_ =	swait.ge [sflag:s28], $0x4000  }
0x67: {  	s8 =	simm.s32 $0x200;
	s9 =	simm.s32 $0x400;
	[sflag:s28] =	ssyncset.done $0x0  }
.LBB2_4:
0x68: {  	s10 =	sshra.s32 s8, $0x2  }
0x69: {  	[sflag:s28] =	ssyncadd.s32 $0xFFFFC000;
	s8 =	smov.u32 s9;
	s11 =	sadd.s32 $0x200, s9  }
0x6a: {  	[tilespmem:s0], [sflag:$0x1] =	stream.indirect.gather [hbm4b:s4+s31], $0x80, s10, s31, $0xb8;
	[tilespmem:$0x1F000] =	vst v63  }
0x6b: {  	p0 =	sne.s32 s9, $0x9C00;
	s9 =	sadd.s32 $0x40, s10  }
0x6c: {  	[tilespmem:s2], [sflag:$0x1] =	stream.indirect.gather [hbm4b:s4+s31], $0x80, s9, s31, $0xb8;
	[tilespmem:$0x1F000] =	vst v63  }
0x6d: {  	_ =	swait.ge [sflag:s29], $0x2000  }
0x6e: {  	[sflag:s29] =	ssyncset.done $0x0  }
0x6f: {  	[sflag:s29] =	ssyncadd.s32 $0xFFFFE000  }
0x70: {  	_ =	swait.ge [sflag:s29], $0x2000  }
.Ltmp1:
0x71: {  	[sflag:s29] =	ssyncset.done $0x0;
	(pc) =	sbr.rel @p0 .LBB2_4-.Ltmp1, $4  }
0x72: {  	s9 =	sadd.s32 $0x2800, s10;
	[sflag:s29] =	ssyncadd.s32 $0xFFFFE000  }
0x73: {  	[spmem:s1] =	stream.indirect.scatter.add.f32 [tilespmem:s0], [sflag:$0x2], $0x80, s9, s5, $0xb8;
	[tilespmem:$0x1F000] =	vst v63  }
0x74: {  	_ =	swait.ge [sflag:s28], $0x4000  }
0x75: {  	s9 =	smov.u32 s11;
	[sflag:s28] =	ssyncset.done $0x0  }
0x76: {  	s8 =	sshra.s32 s8, $0x2;
	[sflag:s28] =	ssyncadd.s32 $0xFFFFC000  }
0x77: {  	[tilespmem:s0], [sflag:$0x1] =	stream.indirect.gather [hbm4b:s4+s31], $0x80, s8, s31, $0xb8;
	[tilespmem:$0x1F000] =	vst v63  }
0x78: {  	s9 =	sadd.s32 $0x40, s8  }
0x79: {  	[tilespmem:s2], [sflag:$0x1] =	stream.indirect.gather [hbm4b:s4+s31], $0x80, s9, s31, $0xb8;
	[tilespmem:$0x1F000] =	vst v63  }
0x7a: {  	_ =	swait.ge [sflag:s29], $0x2000  }
0x7b: {  	[sflag:s29] =	ssyncset.done $0x0  }
0x7c: {  	[sflag:s29] =	ssyncadd.s32 $0xFFFFE000  }
0x7d: {  	_ =	swait.ge [sflag:s29], $0x2000  }
0x7e: {  	[sflag:s29] =	ssyncset.done $0x0  }
0x7f: {  	s8 =	sadd.s32 $0x2800, s8;
	[sflag:s29] =	ssyncadd.s32 $0xFFFFE000  }
0x80: {  	[spmem:s1] =	stream.indirect.scatter.add.f32 [tilespmem:s0], [sflag:$0x2], $0x80, s8, s5, $0xb8;
	[tilespmem:$0x1F000] =	vst v63  }
0x81: {  	_ =	swait.ge [sflag:s28], $0x4000  }
0x82: {  	[sflag:s28] =	ssyncset.done $0x0  }
0x83: {  	[sflag:s28] =	ssyncadd.s32 $0xFFFFC000  }
0x84: {  	[bflag:$0x0] =	sbarrier.arrive $0xFFFF  }
0x85: {  	[tilespmem:s0], [sflag:$0x2] =	stream.linear.gather [spmem:s7], $0x4000, $0x38;
	[tilespmem:$0x1F000] =	vst v63  }
0x86: {  	_ =	swait.ge [sflag:s28], $0x4000  }
0x87: {  	[sflag:s28] =	ssyncset.done $0x0  }
0x88: {  	[sflag:s28] =	ssyncadd.s32 $0xFFFFC000  }
0x89: {  	[hbm4b:s16+s3] =	stream.linear.scatter [tilespmem:s0], [sflag:$0x2], $0x4000, $0x38;
	[tilespmem:$0x1F000] =	vst v63  }
0x8a: {  	_ =	swait.ge [sflag:s28], $0x4000  }
0x8b: {  	[sflag:s28] =	ssyncset.done $0x0  }
0x8c: {  	[sflag:s28] =	ssyncadd.s32 $0xFFFFC000  }
0x8d: {  	[tilespmem:s0], [sflag:$0x2] =	stream.linear.gather [spmem:s22], $0x4000, $0x38;
	[tilespmem:$0x1F000] =	vst v63  }
0x8e: {  	_ =	swait.ge [sflag:s28], $0x4000  }
0x8f: {  	[sflag:s28] =	ssyncset.done $0x0  }
0x90: {  	[sflag:s28] =	ssyncadd.s32 $0xFFFFC000  }
0x91: {  	[hbm4b:s17+s3] =	stream.linear.scatter [tilespmem:s0], [sflag:$0x2], $0x4000, $0x38;
	[tilespmem:$0x1F000] =	vst v63  }
0x92: {  	_ =	swait.ge [sflag:s28], $0x4000  }
0x93: {  	[sflag:s28] =	ssyncset.done $0x0  }
0x94: {  	[sflag:s28] =	ssyncadd.s32 $0xFFFFC000  }
0x95: {  	[tilespmem:s0], [sflag:$0x2] =	stream.linear.gather [spmem:s23], $0x4000, $0x38;
	[tilespmem:$0x1F000] =	vst v63  }
0x96: {  	_ =	swait.ge [sflag:s28], $0x4000  }
0x97: {  	[sflag:s28] =	ssyncset.done $0x0  }
0x98: {  	[sflag:s28] =	ssyncadd.s32 $0xFFFFC000  }
0x99: {  	[hbm4b:s18+s3] =	stream.linear.scatter [tilespmem:s0], [sflag:$0x2], $0x4000, $0x38;
	[tilespmem:$0x1F000] =	vst v63  }
0x9a: {  	_ =	swait.ge [sflag:s28], $0x4000  }
0x9b: {  	[sflag:s28] =	ssyncset.done $0x0  }
0x9c: {  	[sflag:s28] =	ssyncadd.s32 $0xFFFFC000  }
0x9d: {  	[tilespmem:s0], [sflag:$0x2] =	stream.linear.gather [spmem:s24], $0x4000, $0x38;
	[tilespmem:$0x1F000] =	vst v63  }
0x9e: {  	_ =	swait.ge [sflag:s28], $0x4000  }
0x9f: {  	[sflag:s28] =	ssyncset.done $0x0  }
0xa0: {  	[sflag:s28] =	ssyncadd.s32 $0xFFFFC000  }
0xa1: {  	[hbm4b:s19+s3] =	stream.linear.scatter [tilespmem:s0], [sflag:$0x2], $0x4000, $0x38;
	[tilespmem:$0x1F000] =	vst v63  }
0xa2: {  	_ =	swait.ge [sflag:s28], $0x4000  }
0xa3: {  	[sflag:s28] =	ssyncset.done $0x0  }
0xa4: {  	[sflag:s28] =	ssyncadd.s32 $0xFFFFC000  }
0xa5: {  	[tilespmem:s0], [sflag:$0x2] =	stream.linear.gather [spmem:s25], $0x4000, $0x38;
	[tilespmem:$0x1F000] =	vst v63  }
0xa6: {  	_ =	swait.ge [sflag:s28], $0x4000  }
0xa7: {  	[sflag:s28] =	ssyncset.done $0x0  }
0xa8: {  	[sflag:s28] =	ssyncadd.s32 $0xFFFFC000  }
0xa9: {  	[hbm4b:s20+s3] =	stream.linear.scatter [tilespmem:s0], [sflag:$0x2], $0x4000, $0x38;
	[tilespmem:$0x1F000] =	vst v63  }
0xaa: {  	_ =	swait.ge [sflag:s28], $0x4000  }
0xab: {  	s6 =	sadd.s32 $0x1, s6;
	s11 =	rddreg [dreg:$0x5]  }
0xac: {  	p0 =	sne.s32 s6, s11  }
.Ltmp2:
0xad: {  	_ = 	snop;
	(pc) =	sbr.rel @p0 .LBB2_1-.Ltmp2, $3  }
0xae: {  	_ =	sdelay $0x1  }
0xaf: {  	[sflag:s28] =	ssyncset.done $0x0  }
0xb0: {  	[sflag:s28] =	ssyncadd.s32 $0xFFFFC000  }
0xb1: {  	_ =	sfence.sel $0x180000  }
0xb2: {  	[bflag:$0x0] =	sbarrier.arrive $0xFFFF  }
0xb3: {  	_ =	strace $0x90000050  }
0xb4: {  	s0 =	stileid.u32;
	[bflag:$0x2] =	sbarrier.arrive $0xFFFF  }
0xb5: {  	p0 =	sne.s32 s0, $0x0;
	s0 =	rddreg [dreg:$0x2]  }
0xb6: {  	s0 =	sadd.s32 @!p0 $0x100000, s0  }
0xb7: {  	[sflag:s0] =	ssyncadd.tile.s32 @!p0 $0x1;
	_ =	shalt  }
.Lfunc_end2:
_tile_overlayer_lowered:
.L_overlay_start_2:
0xb8: {  	(tag) =	ssettag $0x2  }
0xb9: {  	s0 =	rddreg [dreg:$0x0];
	s2 =	stileid.u32  }
0xba: {  	s1 =	rddreg [dreg:$0x1];
	p0 =	sne.s32 s2, $0x0  }
0xbb: {  	s3 =	rddreg [dreg:$0x2];
	[bflag:$0x3] =	sbarrier.arrive $0xFFFF;
	s2 =	simm.s32 @!p0 $0x1C02  }
0xbc: {  	[timem:s3], [sflag:s2] =	dma.local @!p0 [hbm:s0], s1  }
0xbd: {  	s0 =	simm.s32 @!p0 $0x2  }
0xbe: {  	_ =	swait.ge @!p0 [sflag:s0], s1  }
0xbf: {  	s1 =	ssub.s32 @!p0 $0x0, s1;
	[sflag:s0] =	ssyncset.done @!p0 $0x0  }
0xc0: {  	[sflag:s0] =	ssyncadd.s32 @!p0 s1  }
0xc1: {  	[bflag:$0x3] =	sbarrier.arrive $0xFFFF  }
0xc2: {  	_ =	shalt  }

</sc_bundles>
